<compile_context>
chip_gen: v7x
topology: tpu7x:2x2x1
jax: 0.10.2.dev20260603
libtpu: 0.0.44.dev20260713+nightly
codegen_flags: <defaults>
</compile_context>

<pallas_src>
import functools

import jax
import jax.numpy as jnp
from jax import lax
from jax.experimental import pallas as pl
from jax.experimental.pallas import tpu as pltpu
from jax.experimental.pallas import tpu_sc as plsc

N_NODES = 10000
D = 128
N_EDGES = 320000
H = 64
EPS = 0.1
L = 16
NC = 2
NS = 16
NW = NC * NS
B = 128
NPAD = 10240
RPT = NPAD // NS
EPR = N_EDGES // NW
EPW = ((EPR + B - 1) // B) * B
CH = EPW // B
DQ = D // L
HQ = H // L


def _normalize_body(x_ref, o_ref):
    x = x_ref[...]
    n2 = jnp.sum(x * x, axis=1, keepdims=True)
    o_ref[...] = jnp.where(n2 > 0, x / jnp.sqrt(n2), 0.0)


def _normalize(x):
    return pl.pallas_call(
        _normalize_body,
        out_shape=jax.ShapeDtypeStruct((NPAD, D), jnp.float32),
        grid=(NS,),
        in_specs=[pl.BlockSpec((RPT, D), lambda i: (i, 0))],
        out_specs=pl.BlockSpec((RPT, D), lambda i: (i, 0)),
    )(x)


def _finish_body(u_ref, a0_ref, a1_ref, o_ref):
    u = u_ref[...]
    st = a0_ref[...] + a1_ref[...]
    o_ref[...] = -st + u * jnp.sum(u * st, axis=1, keepdims=True)


def _finish(u, a0, a1):
    spec = pl.BlockSpec((RPT, D), lambda i: (i, 0))
    return pl.pallas_call(
        _finish_body,
        out_shape=jax.ShapeDtypeStruct((NPAD, D), jnp.float32),
        grid=(NS,),
        in_specs=[spec, spec, spec],
        out_specs=spec,
    )(u, a0, a1)


def _splat_sum(v):
    dnums = lax.GatherDimensionNumbers(
        offset_dims=(), collapsed_slice_dims=(0,), start_index_map=(0,))
    idx = lax.iota(jnp.int32, L)
    for k in (1, 2, 4, 8):
        perm = jnp.bitwise_xor(idx, k)
        v = v + lax.gather(v, perm[:, None], dnums, (1,),
                           mode=lax.GatherScatterMode.PROMISE_IN_BOUNDS)
    return v


def _sc_edges_body(u_hbm, ii_hbm, jj_hbm, z_hbm, w1_hbm, b1_hbm, w2_hbm,
                   b2_hbm, out_hbm, ii_v, jj_v, rows_i, rows_j, w1_v, b1_v,
                   w2_v, b2_v, sem_a, sem_b, acc_sh):
    cid = lax.axis_index("c")
    sid = lax.axis_index("s")
    wid = cid * NS + sid

    pltpu.sync_copy(z_hbm.at[pl.ds(sid * RPT, RPT)],
                    acc_sh.at[pl.ds(sid * RPT, RPT)])
    pltpu.sync_copy(w1_hbm, w1_v)
    pltpu.sync_copy(b1_hbm, b1_v)
    pltpu.sync_copy(w2_hbm, w2_v)
    pltpu.sync_copy(b2_hbm, b2_v)
    plsc.subcore_barrier()

    w1 = [w1_v[pl.ds(q * L, L)] for q in range(HQ)]
    b1 = [b1_v[pl.ds(q * L, L)] for q in range(HQ)]
    w2 = [w2_v[pl.ds(q * L, L)] for q in range(HQ)]
    b2 = b2_v[...]

    def chunk_body(ch, carry):
        base = wid * EPW + ch * B
        di = pltpu.async_copy(ii_hbm.at[pl.ds(base, B)], ii_v, sem_a)
        dj = pltpu.async_copy(jj_hbm.at[pl.ds(base, B)], jj_v, sem_b)
        di.wait()
        dj.wait()
        cp_i = pltpu.async_copy(u_hbm.at[ii_v], rows_i, sem_a)
        cp_j = pltpu.async_copy(u_hbm.at[jj_v], rows_j, sem_b)
        cp_i.wait()
        cp_j.wait()

        @plsc.parallel_loop(0, B, unroll=4)
        def edge_body(e):
            vi = [rows_i[e, pl.ds(q * L, L)] for q in range(DQ)]
            vj = [rows_j[e, pl.ds(q * L, L)] for q in range(DQ)]
            p = vi[0] * vj[0]
            for q in range(1, DQ):
                p = p + vi[q] * vj[q]
            sv = _splat_sum(p)
            hacc = None
            for q in range(HQ):
                x = sv * w1[q] + b1[q]
                x2 = jnp.minimum(x * x, 25.0)
                xc = jnp.minimum(jnp.maximum(x, -5.0), 5.0)
                num = xc * (135135.0 + x2 * (17325.0 + x2 * (378.0 + x2)))
                den = 135135.0 + x2 * (62370.0 + x2 * (3150.0 + x2 * 28.0))
                th = num / den
                hacc = th * w2[q] if hacc is None else hacc + th * w2[q]
            cv = EPS * (_splat_sum(hacc) + b2)
            for q in range(DQ):
                rows_j[e, pl.ds(q * L, L)] = vj[q] * cv
                rows_i[e, pl.ds(q * L, L)] = vi[q] * cv
        si = pltpu.async_copy(rows_j, acc_sh.at[ii_v], sem_a, add=True)
        sj = pltpu.async_copy(rows_i, acc_sh.at[jj_v], sem_b, add=True)
        si.wait()
        sj.wait()
        return carry

    lax.fori_loop(0, CH, chunk_body, 0)
    plsc.subcore_barrier()
    pltpu.sync_copy(acc_sh.at[pl.ds(sid * RPT, RPT)],
                    out_hbm.at[pl.ds(cid * NPAD + sid * RPT, RPT)])


_sc_edges = functools.partial(
    pl.kernel,
    out_type=jax.ShapeDtypeStruct((NC * NPAD, D), jnp.float32),
    mesh=plsc.VectorSubcoreMesh(core_axis_name="c", subcore_axis_name="s",
                                num_cores=NC, num_subcores=NS),
    scratch_types=[
        pltpu.VMEM((B,), jnp.int32),
        pltpu.VMEM((B,), jnp.int32),
        pltpu.VMEM((B, D), jnp.float32),
        pltpu.VMEM((B, D), jnp.float32),
        pltpu.VMEM((H,), jnp.float32),
        pltpu.VMEM((H,), jnp.float32),
        pltpu.VMEM((H,), jnp.float32),
        pltpu.VMEM((L,), jnp.float32),
        pltpu.SemaphoreType.DMA,
        pltpu.SemaphoreType.DMA,
        pltpu.VMEM_SHARED((NPAD, D), jnp.float32),
    ],
)(_sc_edges_body)


def kernel(t, state, ind, W1, b1, W2, b2):
    state = state.astype(jnp.float32)
    state_p = jnp.zeros((NPAD, D), jnp.float32).at[:N_NODES].set(state)
    u = _normalize(state_p)

    ind32 = ind.astype(jnp.int32)
    pad = jnp.full((NW, EPW - EPR), N_NODES, jnp.int32)
    ii = jnp.concatenate([ind32[:, 0].reshape(NW, EPR), pad], axis=1).reshape(-1)
    jj = jnp.concatenate([ind32[:, 1].reshape(NW, EPR), pad], axis=1).reshape(-1)

    zeros = jnp.zeros((NPAD, D), jnp.float32)
    b2v = jnp.broadcast_to(b2, (L,)).astype(jnp.float32)
    acc = _sc_edges(u, ii, jj, zeros, W1.astype(jnp.float32),
                    b1.astype(jnp.float32), W2.astype(jnp.float32), b2v)
    out = _finish(u, acc[:NPAD], acc[NPAD:])
    return out[:N_NODES]

# --- scband reference (transcript-rebuilt; emitter-appended) ---
"""Pipeline reference for scband-kuramoto-global-18425409699990 (READ-ONLY COPY).

The authoritative reference and input builder live on the scoring server;
editing this copy changes nothing except your own understanding.
"""

import jax, jax.numpy as jnp
import numpy as np

N_NODES = 10000
D_FEAT = 128
N_EDGES = 320000
N_WEIGHTS = 64
EPS = 0.1


def setup_inputs(seed: int = 0) -> dict:
    key = jax.random.key(seed)
    k1, k2, k3, k4, k5 = jax.random.split(key, 5)
    state = jax.random.normal(k1, (N_NODES, D_FEAT), dtype=jnp.float32)
    ind = jax.random.randint(k2, (N_EDGES, 2), 0, N_NODES, dtype=jnp.int64)
    # Interaction network parameters: scalar-input MLP  s -> N_weights hidden -> scalar, scaled by eps
    W1 = jax.random.normal(k3, (N_WEIGHTS,), dtype=jnp.float32) / jnp.sqrt(1.0)
    b1 = jnp.zeros((N_WEIGHTS,), dtype=jnp.float32)
    W2 = jax.random.normal(k4, (N_WEIGHTS,), dtype=jnp.float32) / jnp.sqrt(float(N_WEIGHTS))
    b2 = jnp.zeros((), dtype=jnp.float32)
    return {"t": 0, "state": state, "ind": ind, "W1": W1, "b1": b1, "W2": W2, "b2": b2}


def _interaction(s, W1, b1, W2, b2):
    # Elementwise MLP on the per-edge alignment scalar s: [E] -> [E]
    h = jnp.tanh(s[:, None] * W1[None, :] + b1[None, :])  # [E, N_weights]
    out = h @ W2 + b2  # [E]
    return EPS * out


def reference(t, state, ind, W1, b1, W2, b2):
    # Normalize each oscillator state onto the unit sphere
    state = state / jnp.linalg.norm(state, axis=1, keepdims=True)
    # Per-edge alignment scalar via gather + inner product
    s = jnp.sum(state[ind[:, 0]] * state[ind[:, 1]], axis=1)  # [E]
    dE_ds = jnp.expand_dims(_interaction(s, W1, b1, W2, b2), 1)  # [E, 1]
    state_ = jnp.zeros_like(state)
    state_ = state_.at[ind[:, 0]].add(dE_ds * state[ind[:, 1]])
    state_ = state_.at[ind[:, 1]].add(dE_ds * state[ind[:, 0]])
    # Project the force onto the tangent space of the sphere (with sign flip)
    state_ = -state_ + state * jnp.sum(state * state_, axis=1, keepdims=True)
    return state_

if __name__ == "__main__":
    import jax
    _d = setup_inputs()
    print(jax.jit(kernel)(*tuple(_d.values())))

</pallas_src>

<mosaic_0001>
#map = affine_map<(d0, d1) -> (0, 0)>
#map1 = affine_map<(d0, d1) -> (0)>
module attributes {stable_mosaic.version = 14 : i64} {
  func.func @_sc_edges_body(%arg0: i32, %arg1: i32, %arg2: memref<10240x128xf32, #tpu.memory_space<hbm>>, %arg3: memref<323584xi32, #tpu.memory_space<hbm>>, %arg4: memref<323584xi32, #tpu.memory_space<hbm>>, %arg5: memref<10240x128xf32, #tpu.memory_space<hbm>>, %arg6: memref<64xf32, #tpu.memory_space<hbm>>, %arg7: memref<64xf32, #tpu.memory_space<hbm>>, %arg8: memref<64xf32, #tpu.memory_space<hbm>>, %arg9: memref<16xf32, #tpu.memory_space<hbm>>, %arg10: memref<20480x128xf32, #tpu.memory_space<hbm>>, %arg11: memref<128xi32, #tpu.memory_space<vmem>>, %arg12: memref<128xi32, #tpu.memory_space<vmem>>, %arg13: memref<128x128xf32, #tpu.memory_space<vmem>>, %arg14: memref<128x128xf32, #tpu.memory_space<vmem>>, %arg15: memref<64xf32, #tpu.memory_space<vmem>>, %arg16: memref<64xf32, #tpu.memory_space<vmem>>, %arg17: memref<64xf32, #tpu.memory_space<vmem>>, %arg18: memref<16xf32, #tpu.memory_space<vmem>>, %arg19: memref<!tpu.dma_semaphore, #tpu.memory_space<semaphore_mem>>, %arg20: memref<!tpu.dma_semaphore, #tpu.memory_space<semaphore_mem>>, %arg21: memref<10240x128xf32, #tpu.memory_space<vmem_shared>>) attributes {dimension_semantics = [#tpu.dimension_semantics<core_parallel>, #tpu.dimension_semantics<subcore_parallel>], iteration_bounds = array<i64: 2, 16>, scalar_prefetch = 0 : i64, scratch_operands = 11 : i64, tpu.core_type = #tpu.core_type<sc_vector_subcore>, window_params = [{transform_indices = #map}, {transform_indices = #map1}, {transform_indices = #map1}, {transform_indices = #map}, {transform_indices = #map1}, {transform_indices = #map1}, {transform_indices = #map1}, {transform_indices = #map1}, {transform_indices = #map}]} {
    %mul3A = arith.constant 16 : i32
    %mul3A_0 = arith.muli %arg0, %mul3A : i32
    %add3A = arith.addi %mul3A_0, %arg1 : i32
    %mul3A_1 = arith.constant 640 : i32
    %mul3A_2 = arith.muli %arg1, %mul3A_1 : i32
    %mul3A_3 = arith.constant 640 : i32
    %mul3A_4 = arith.muli %arg1, %mul3A_3 : i32
    "tpu.region"() ({
      %run_scoped3A = tpu.sem_alloc : memref<!tpu.dma_semaphore, #tpu.memory_space<semaphore_mem>>
      %dma_start3A = arith.constant 0 : i32
      %dma_start3A_56 = tpu.memref_slice %arg21[%mul3A_4, %dma_start3A] : memref<10240x128xf32, #tpu.memory_space<vmem_shared>> -> memref<640x128xf32, #tpu.memory_space<vmem_shared>>
      %dma_start3A_57 = arith.constant 0 : i32
      %dma_start3A_58 = tpu.memref_slice %arg5[%mul3A_2, %dma_start3A_57] : memref<10240x128xf32, #tpu.memory_space<hbm>> -> memref<640x128xf32, #tpu.memory_space<hbm>>
      tpu.enqueue_dma source(%dma_start3A_58 : memref<640x128xf32, #tpu.memory_space<hbm>>) target(%dma_start3A_56 : memref<640x128xf32, #tpu.memory_space<vmem_shared>>) target_semaphore(%run_scoped3A : memref<!tpu.dma_semaphore, #tpu.memory_space<semaphore_mem>>)
      %dma_wait3A = arith.constant 0 : i32
      %dma_wait3A_59 = tpu.memref_slice %arg21[%mul3A_4, %dma_wait3A] : memref<10240x128xf32, #tpu.memory_space<vmem_shared>> -> memref<640x128xf32, #tpu.memory_space<vmem_shared>>
      %dma_wait3A_60 = arith.constant 0 : i32
      %dma_wait3A_61 = tpu.memref_slice %arg5[%mul3A_2, %dma_wait3A_60] : memref<10240x128xf32, #tpu.memory_space<hbm>> -> memref<640x128xf32, #tpu.memory_space<hbm>>
      tpu.wait_dma2 semaphore(%run_scoped3A : memref<!tpu.dma_semaphore, #tpu.memory_space<semaphore_mem>>) src(%dma_wait3A_61 : memref<640x128xf32, #tpu.memory_space<hbm>>) dst(%dma_wait3A_59 : memref<640x128xf32, #tpu.memory_space<vmem_shared>>)
      tpu.yield
    }) : () -> ()
    "tpu.region"() ({
      %run_scoped3A = tpu.sem_alloc : memref<!tpu.dma_semaphore, #tpu.memory_space<semaphore_mem>>
      tpu.enqueue_dma source(%arg6 : memref<64xf32, #tpu.memory_space<hbm>>) target(%arg15 : memref<64xf32, #tpu.memory_space<vmem>>) target_semaphore(%run_scoped3A : memref<!tpu.dma_semaphore, #tpu.memory_space<semaphore_mem>>)
      tpu.wait_dma2 semaphore(%run_scoped3A : memref<!tpu.dma_semaphore, #tpu.memory_space<semaphore_mem>>) src(%arg6 : memref<64xf32, #tpu.memory_space<hbm>>) dst(%arg15 : memref<64xf32, #tpu.memory_space<vmem>>)
      tpu.yield
    }) : () -> ()
    "tpu.region"() ({
      %run_scoped3A = tpu.sem_alloc : memref<!tpu.dma_semaphore, #tpu.memory_space<semaphore_mem>>
      tpu.enqueue_dma source(%arg7 : memref<64xf32, #tpu.memory_space<hbm>>) target(%arg16 : memref<64xf32, #tpu.memory_space<vmem>>) target_semaphore(%run_scoped3A : memref<!tpu.dma_semaphore, #tpu.memory_space<semaphore_mem>>)
      tpu.wait_dma2 semaphore(%run_scoped3A : memref<!tpu.dma_semaphore, #tpu.memory_space<semaphore_mem>>) src(%arg7 : memref<64xf32, #tpu.memory_space<hbm>>) dst(%arg16 : memref<64xf32, #tpu.memory_space<vmem>>)
      tpu.yield
    }) : () -> ()
    "tpu.region"() ({
      %run_scoped3A = tpu.sem_alloc : memref<!tpu.dma_semaphore, #tpu.memory_space<semaphore_mem>>
      tpu.enqueue_dma source(%arg8 : memref<64xf32, #tpu.memory_space<hbm>>) target(%arg17 : memref<64xf32, #tpu.memory_space<vmem>>) target_semaphore(%run_scoped3A : memref<!tpu.dma_semaphore, #tpu.memory_space<semaphore_mem>>)
      tpu.wait_dma2 semaphore(%run_scoped3A : memref<!tpu.dma_semaphore, #tpu.memory_space<semaphore_mem>>) src(%arg8 : memref<64xf32, #tpu.memory_space<hbm>>) dst(%arg17 : memref<64xf32, #tpu.memory_space<vmem>>)
      tpu.yield
    }) : () -> ()
    "tpu.region"() ({
      %run_scoped3A = tpu.sem_alloc : memref<!tpu.dma_semaphore, #tpu.memory_space<semaphore_mem>>
      tpu.enqueue_dma source(%arg9 : memref<16xf32, #tpu.memory_space<hbm>>) target(%arg18 : memref<16xf32, #tpu.memory_space<vmem>>) target_semaphore(%run_scoped3A : memref<!tpu.dma_semaphore, #tpu.memory_space<semaphore_mem>>)
      tpu.wait_dma2 semaphore(%run_scoped3A : memref<!tpu.dma_semaphore, #tpu.memory_space<semaphore_mem>>) src(%arg9 : memref<16xf32, #tpu.memory_space<hbm>>) dst(%arg18 : memref<16xf32, #tpu.memory_space<vmem>>)
      tpu.yield
    }) : () -> ()
    %barrier3A = arith.constant 0 : index
    tpu.barrier barrier_id(%barrier3A)
    %get3A = arith.constant 0 : index
    %get3A_5 = tpu.vector_load %arg15[%get3A] {strides = array<i32>} : memref<64xf32, #tpu.memory_space<vmem>>, vector<16xf32>,
    %get3A_6 = vector.shape_cast %get3A_5 : vector<16xf32> to vector<16xf32>
    %get3A_7 = arith.constant 16 : index
    %get3A_8 = tpu.vector_load %arg15[%get3A_7] {strides = array<i32>} : memref<64xf32, #tpu.memory_space<vmem>>, vector<16xf32>,
    %get3A_9 = vector.shape_cast %get3A_8 : vector<16xf32> to vector<16xf32>
    %get3A_10 = arith.constant 32 : index
    %get3A_11 = tpu.vector_load %arg15[%get3A_10] {strides = array<i32>} : memref<64xf32, #tpu.memory_space<vmem>>, vector<16xf32>,
    %get3A_12 = vector.shape_cast %get3A_11 : vector<16xf32> to vector<16xf32>
    %get3A_13 = arith.constant 48 : index
    %get3A_14 = tpu.vector_load %arg15[%get3A_13] {strides = array<i32>} : memref<64xf32, #tpu.memory_space<vmem>>, vector<16xf32>,
    %get3A_15 = vector.shape_cast %get3A_14 : vector<16xf32> to vector<16xf32>
    %get3A_16 = arith.constant 0 : index
    %get3A_17 = tpu.vector_load %arg16[%get3A_16] {strides = array<i32>} : memref<64xf32, #tpu.memory_space<vmem>>, vector<16xf32>,
    %get3A_18 = vector.shape_cast %get3A_17 : vector<16xf32> to vector<16xf32>
    %get3A_19 = arith.constant 16 : index
    %get3A_20 = tpu.vector_load %arg16[%get3A_19] {strides = array<i32>} : memref<64xf32, #tpu.memory_space<vmem>>, vector<16xf32>,
    %get3A_21 = vector.shape_cast %get3A_20 : vector<16xf32> to vector<16xf32>
    %get3A_22 = arith.constant 32 : index
    %get3A_23 = tpu.vector_load %arg16[%get3A_22] {strides = array<i32>} : memref<64xf32, #tpu.memory_space<vmem>>, vector<16xf32>,
    %get3A_24 = vector.shape_cast %get3A_23 : vector<16xf32> to vector<16xf32>
    %get3A_25 = arith.constant 48 : index
    %get3A_26 = tpu.vector_load %arg16[%get3A_25] {strides = array<i32>} : memref<64xf32, #tpu.memory_space<vmem>>, vector<16xf32>,
    %get3A_27 = vector.shape_cast %get3A_26 : vector<16xf32> to vector<16xf32>
    %get3A_28 = arith.constant 0 : index
    %get3A_29 = tpu.vector_load %arg17[%get3A_28] {strides = array<i32>} : memref<64xf32, #tpu.memory_space<vmem>>, vector<16xf32>,
    %get3A_30 = vector.shape_cast %get3A_29 : vector<16xf32> to vector<16xf32>
    %get3A_31 = arith.constant 16 : index
    %get3A_32 = tpu.vector_load %arg17[%get3A_31] {strides = array<i32>} : memref<64xf32, #tpu.memory_space<vmem>>, vector<16xf32>,
    %get3A_33 = vector.shape_cast %get3A_32 : vector<16xf32> to vector<16xf32>
    %get3A_34 = arith.constant 32 : index
    %get3A_35 = tpu.vector_load %arg17[%get3A_34] {strides = array<i32>} : memref<64xf32, #tpu.memory_space<vmem>>, vector<16xf32>,
    %get3A_36 = vector.shape_cast %get3A_35 : vector<16xf32> to vector<16xf32>
    %get3A_37 = arith.constant 48 : index
    %get3A_38 = tpu.vector_load %arg17[%get3A_37] {strides = array<i32>} : memref<64xf32, #tpu.memory_space<vmem>>, vector<16xf32>,
    %get3A_39 = vector.shape_cast %get3A_38 : vector<16xf32> to vector<16xf32>
    %get3A_40 = arith.constant 0 : index
    %get3A_41 = tpu.vector_load %arg18[%get3A_40] {strides = array<i32>} : memref<16xf32, #tpu.memory_space<vmem>>, vector<16xf32>,
    %get3A_42 = vector.shape_cast %get3A_41 : vector<16xf32> to vector<16xf32>
    %scan3A = arith.constant 0 : i32
    %scan3A_43 = arith.constant 0 : i32
    %scan3A_44 = arith.constant 79 : i32
    %scan3A_45 = arith.addi %scan3A_43, %scan3A_44 : i32
    %scan3A_46 = arith.constant 1 : i32
    scf.for %scan3A_56 = %scan3A_43 to %scan3A_45 step %scan3A_46  : i32 {
      %mul3A_57 = arith.constant 10112 : i32
      %mul3A_58 = arith.muli %add3A, %mul3A_57 : i32
      %mul3A_59 = arith.constant 128 : i32
      %mul3A_60 = arith.muli %scan3A_56, %mul3A_59 : i32
      %add3A_61 = arith.addi %mul3A_58, %mul3A_60 : i32
      %dma_start3A = tpu.memref_slice %arg3[%add3A_61] : memref<323584xi32, #tpu.memory_space<hbm>> -> memref<128xi32, #tpu.memory_space<hbm>>
      %dma_start3A_62 = tpu.memref_slice %arg3[%add3A_61] : memref<323584xi32, #tpu.memory_space<hbm>> -> memref<128xi32, #tpu.memory_space<hbm>>
      tpu.enqueue_dma source(%dma_start3A_62 : memref<128xi32, #tpu.memory_space<hbm>>) target(%arg11 : memref<128xi32, #tpu.memory_space<vmem>>) target_semaphore(%arg19 : memref<!tpu.dma_semaphore, #tpu.memory_space<semaphore_mem>>)
      %dma_start3A_63 = tpu.memref_slice %arg4[%add3A_61] : memref<323584xi32, #tpu.memory_space<hbm>> -> memref<128xi32, #tpu.memory_space<hbm>>
      %dma_start3A_64 = tpu.memref_slice %arg4[%add3A_61] : memref<323584xi32, #tpu.memory_space<hbm>> -> memref<128xi32, #tpu.memory_space<hbm>>
      tpu.enqueue_dma source(%dma_start3A_64 : memref<128xi32, #tpu.memory_space<hbm>>) target(%arg12 : memref<128xi32, #tpu.memory_space<vmem>>) target_semaphore(%arg20 : memref<!tpu.dma_semaphore, #tpu.memory_space<semaphore_mem>>)
      %dma_wait3A = tpu.memref_slice %arg3[%add3A_61] : memref<323584xi32, #tpu.memory_space<hbm>> -> memref<128xi32, #tpu.memory_space<hbm>>
      %dma_wait3A_65 = tpu.memref_slice %arg3[%add3A_61] : memref<323584xi32, #tpu.memory_space<hbm>> -> memref<128xi32, #tpu.memory_space<hbm>>
      tpu.wait_dma2 semaphore(%arg19 : memref<!tpu.dma_semaphore, #tpu.memory_space<semaphore_mem>>) src(%dma_wait3A_65 : memref<128xi32, #tpu.memory_space<hbm>>) dst(%arg11 : memref<128xi32, #tpu.memory_space<vmem>>)
      %dma_wait3A_66 = tpu.memref_slice %arg4[%add3A_61] : memref<323584xi32, #tpu.memory_space<hbm>> -> memref<128xi32, #tpu.memory_space<hbm>>
      %dma_wait3A_67 = tpu.memref_slice %arg4[%add3A_61] : memref<323584xi32, #tpu.memory_space<hbm>> -> memref<128xi32, #tpu.memory_space<hbm>>
      tpu.wait_dma2 semaphore(%arg20 : memref<!tpu.dma_semaphore, #tpu.memory_space<semaphore_mem>>) src(%dma_wait3A_67 : memref<128xi32, #tpu.memory_space<hbm>>) dst(%arg12 : memref<128xi32, #tpu.memory_space<vmem>>)
      %dma_start3A_68 = arith.constant 0 : i32
      %dma_start3A_69 = arith.constant 0 : i32
      %dma_start3A_70 = tpu.memref_slice %arg2[%dma_start3A_68, %dma_start3A_69] : memref<10240x128xf32, #tpu.memory_space<hbm>> -> memref<10240x128xf32, #tpu.memory_space<hbm>>
      tpu.enqueue_indirect_dma source(%dma_start3A_70 : memref<10240x128xf32, #tpu.memory_space<hbm>>) target(%arg13 : memref<128x128xf32, #tpu.memory_space<vmem>>) offsets(%arg11 : memref<128xi32, #tpu.memory_space<vmem>>) semaphore(%arg19 : memref<!tpu.dma_semaphore, #tpu.memory_space<semaphore_mem>>)
      %dma_start3A_71 = arith.constant 0 : i32
      %dma_start3A_72 = arith.constant 0 : i32
      %dma_start3A_73 = tpu.memref_slice %arg2[%dma_start3A_71, %dma_start3A_72] : memref<10240x128xf32, #tpu.memory_space<hbm>> -> memref<10240x128xf32, #tpu.memory_space<hbm>>
      tpu.enqueue_indirect_dma source(%dma_start3A_73 : memref<10240x128xf32, #tpu.memory_space<hbm>>) target(%arg14 : memref<128x128xf32, #tpu.memory_space<vmem>>) offsets(%arg12 : memref<128xi32, #tpu.memory_space<vmem>>) semaphore(%arg20 : memref<!tpu.dma_semaphore, #tpu.memory_space<semaphore_mem>>)
      %dma_wait3A_74 = arith.constant 0 : i32
      %dma_wait3A_75 = arith.constant 0 : i32
      %dma_wait3A_76 = tpu.memref_slice %arg2[%dma_wait3A_74, %dma_wait3A_75] : memref<10240x128xf32, #tpu.memory_space<hbm>> -> memref<10240x128xf32, #tpu.memory_space<hbm>>
      tpu.wait_indirect_dma semaphore(%arg19 : memref<!tpu.dma_semaphore, #tpu.memory_space<semaphore_mem>>) src(%dma_wait3A_76 : memref<10240x128xf32, #tpu.memory_space<hbm>>) dst(%arg13 : memref<128x128xf32, #tpu.memory_space<vmem>>)
      %dma_wait3A_77 = arith.constant 0 : i32
      %dma_wait3A_78 = arith.constant 0 : i32
      %dma_wait3A_79 = tpu.memref_slice %arg2[%dma_wait3A_77, %dma_wait3A_78] : memref<10240x128xf32, #tpu.memory_space<hbm>> -> memref<10240x128xf32, #tpu.memory_space<hbm>>
      tpu.wait_indirect_dma semaphore(%arg20 : memref<!tpu.dma_semaphore, #tpu.memory_space<semaphore_mem>>) src(%dma_wait3A_79 : memref<10240x128xf32, #tpu.memory_space<hbm>>) dst(%arg14 : memref<128x128xf32, #tpu.memory_space<vmem>>)
      %parallel_loop3A = arith.constant 0 : i32
      %parallel_loop3A_80 = arith.constant 128 : i32
      %parallel_loop3A_81 = arith.constant 1 : i32
      scf.for %parallel_loop3A_94 = %parallel_loop3A to %parallel_loop3A_80 step %parallel_loop3A_81  : i32 {
        %parallel_loop3A_95 = arith.index_cast %parallel_loop3A_94 : i32 to index
        %parallel_loop3A_96 = arith.constant 0 : index
        %parallel_loop3A_97 = tpu.vector_load %arg13[%parallel_loop3A_95, %parallel_loop3A_96] {strides = array<i32>} : memref<128x128xf32, #tpu.memory_space<vmem>>, vector<1x16xf32>,
        %parallel_loop3A_98 = vector.shape_cast %parallel_loop3A_97 : vector<1x16xf32> to vector<16xf32>
        %parallel_loop3A_99 = arith.index_cast %parallel_loop3A_94 : i32 to index
        %parallel_loop3A_100 = arith.constant 16 : index
        %parallel_loop3A_101 = tpu.vector_load %arg13[%parallel_loop3A_99, %parallel_loop3A_100] {strides = array<i32>} : memref<128x128xf32, #tpu.memory_space<vmem>>, vector<1x16xf32>,
        %parallel_loop3A_102 = vector.shape_cast %parallel_loop3A_101 : vector<1x16xf32> to vector<16xf32>
        %parallel_loop3A_103 = arith.index_cast %parallel_loop3A_94 : i32 to index
        %parallel_loop3A_104 = arith.constant 32 : index
        %parallel_loop3A_105 = tpu.vector_load %arg13[%parallel_loop3A_103, %parallel_loop3A_104] {strides = array<i32>} : memref<128x128xf32, #tpu.memory_space<vmem>>, vector<1x16xf32>,
        %parallel_loop3A_106 = vector.shape_cast %parallel_loop3A_105 : vector<1x16xf32> to vector<16xf32>
        %parallel_loop3A_107 = arith.index_cast %parallel_loop3A_94 : i32 to index
        %parallel_loop3A_108 = arith.constant 48 : index
        %parallel_loop3A_109 = tpu.vector_load %arg13[%parallel_loop3A_107, %parallel_loop3A_108] {strides = array<i32>} : memref<128x128xf32, #tpu.memory_space<vmem>>, vector<1x16xf32>,
        %parallel_loop3A_110 = vector.shape_cast %parallel_loop3A_109 : vector<1x16xf32> to vector<16xf32>
        %parallel_loop3A_111 = arith.index_cast %parallel_loop3A_94 : i32 to index
        %parallel_loop3A_112 = arith.constant 64 : index
        %parallel_loop3A_113 = tpu.vector_load %arg13[%parallel_loop3A_111, %parallel_loop3A_112] {strides = array<i32>} : memref<128x128xf32, #tpu.memory_space<vmem>>, vector<1x16xf32>,
        %parallel_loop3A_114 = vector.shape_cast %parallel_loop3A_113 : vector<1x16xf32> to vector<16xf32>
        %parallel_loop3A_115 = arith.index_cast %parallel_loop3A_94 : i32 to index
        %parallel_loop3A_116 = arith.constant 80 : index
        %parallel_loop3A_117 = tpu.vector_load %arg13[%parallel_loop3A_115, %parallel_loop3A_116] {strides = array<i32>} : memref<128x128xf32, #tpu.memory_space<vmem>>, vector<1x16xf32>,
        %parallel_loop3A_118 = vector.shape_cast %parallel_loop3A_117 : vector<1x16xf32> to vector<16xf32>
        %parallel_loop3A_119 = arith.index_cast %parallel_loop3A_94 : i32 to index
        %parallel_loop3A_120 = arith.constant 96 : index
        %parallel_loop3A_121 = tpu.vector_load %arg13[%parallel_loop3A_119, %parallel_loop3A_120] {strides = array<i32>} : memref<128x128xf32, #tpu.memory_space<vmem>>, vector<1x16xf32>,
        %parallel_loop3A_122 = vector.shape_cast %parallel_loop3A_121 : vector<1x16xf32> to vector<16xf32>
        %parallel_loop3A_123 = arith.index_cast %parallel_loop3A_94 : i32 to index
        %parallel_loop3A_124 = arith.constant 112 : index
        %parallel_loop3A_125 = tpu.vector_load %arg13[%parallel_loop3A_123, %parallel_loop3A_124] {strides = array<i32>} : memref<128x128xf32, #tpu.memory_space<vmem>>, vector<1x16xf32>,
        %parallel_loop3A_126 = vector.shape_cast %parallel_loop3A_125 : vector<1x16xf32> to vector<16xf32>
        %parallel_loop3A_127 = arith.index_cast %parallel_loop3A_94 : i32 to index
        %parallel_loop3A_128 = arith.constant 0 : index
        %parallel_loop3A_129 = tpu.vector_load %arg14[%parallel_loop3A_127, %parallel_loop3A_128] {strides = array<i32>} : memref<128x128xf32, #tpu.memory_space<vmem>>, vector<1x16xf32>,
        %parallel_loop3A_130 = vector.shape_cast %parallel_loop3A_129 : vector<1x16xf32> to vector<16xf32>
        %parallel_loop3A_131 = arith.index_cast %parallel_loop3A_94 : i32 to index
        %parallel_loop3A_132 = arith.constant 16 : index
        %parallel_loop3A_133 = tpu.vector_load %arg14[%parallel_loop3A_131, %parallel_loop3A_132] {strides = array<i32>} : memref<128x128xf32, #tpu.memory_space<vmem>>, vector<1x16xf32>,
        %parallel_loop3A_134 = vector.shape_cast %parallel_loop3A_133 : vector<1x16xf32> to vector<16xf32>
        %parallel_loop3A_135 = arith.index_cast %parallel_loop3A_94 : i32 to index
        %parallel_loop3A_136 = arith.constant 32 : index
        %parallel_loop3A_137 = tpu.vector_load %arg14[%parallel_loop3A_135, %parallel_loop3A_136] {strides = array<i32>} : memref<128x128xf32, #tpu.memory_space<vmem>>, vector<1x16xf32>,
        %parallel_loop3A_138 = vector.shape_cast %parallel_loop3A_137 : vector<1x16xf32> to vector<16xf32>
        %parallel_loop3A_139 = arith.index_cast %parallel_loop3A_94 : i32 to index
        %parallel_loop3A_140 = arith.constant 48 : index
        %parallel_loop3A_141 = tpu.vector_load %arg14[%parallel_loop3A_139, %parallel_loop3A_140] {strides = array<i32>} : memref<128x128xf32, #tpu.memory_space<vmem>>, vector<1x16xf32>,
        %parallel_loop3A_142 = vector.shape_cast %parallel_loop3A_141 : vector<1x16xf32> to vector<16xf32>
        %parallel_loop3A_143 = arith.index_cast %parallel_loop3A_94 : i32 to index
        %parallel_loop3A_144 = arith.constant 64 : index
        %parallel_loop3A_145 = tpu.vector_load %arg14[%parallel_loop3A_143, %parallel_loop3A_144] {strides = array<i32>} : memref<128x128xf32, #tpu.memory_space<vmem>>, vector<1x16xf32>,
        %parallel_loop3A_146 = vector.shape_cast %parallel_loop3A_145 : vector<1x16xf32> to vector<16xf32>
        %parallel_loop3A_147 = arith.index_cast %parallel_loop3A_94 : i32 to index
        %parallel_loop3A_148 = arith.constant 80 : index
        %parallel_loop3A_149 = tpu.vector_load %arg14[%parallel_loop3A_147, %parallel_loop3A_148] {strides = array<i32>} : memref<128x128xf32, #tpu.memory_space<vmem>>, vector<1x16xf32>,
        %parallel_loop3A_150 = vector.shape_cast %parallel_loop3A_149 : vector<1x16xf32> to vector<16xf32>
        %parallel_loop3A_151 = arith.index_cast %parallel_loop3A_94 : i32 to index
        %parallel_loop3A_152 = arith.constant 96 : index
        %parallel_loop3A_153 = tpu.vector_load %arg14[%parallel_loop3A_151, %parallel_loop3A_152] {strides = array<i32>} : memref<128x128xf32, #tpu.memory_space<vmem>>, vector<1x16xf32>,
        %parallel_loop3A_154 = vector.shape_cast %parallel_loop3A_153 : vector<1x16xf32> to vector<16xf32>
        %parallel_loop3A_155 = arith.index_cast %parallel_loop3A_94 : i32 to index
        %parallel_loop3A_156 = arith.constant 112 : index
        %parallel_loop3A_157 = tpu.vector_load %arg14[%parallel_loop3A_155, %parallel_loop3A_156] {strides = array<i32>} : memref<128x128xf32, #tpu.memory_space<vmem>>, vector<1x16xf32>,
        %parallel_loop3A_158 = vector.shape_cast %parallel_loop3A_157 : vector<1x16xf32> to vector<16xf32>
        %parallel_loop3A_159 = arith.mulf %parallel_loop3A_98, %parallel_loop3A_130 : vector<16xf32>
        %parallel_loop3A_160 = arith.mulf %parallel_loop3A_102, %parallel_loop3A_134 : vector<16xf32>
        %parallel_loop3A_161 = arith.addf %parallel_loop3A_159, %parallel_loop3A_160 : vector<16xf32>
        %parallel_loop3A_162 = arith.mulf %parallel_loop3A_106, %parallel_loop3A_138 : vector<16xf32>
        %parallel_loop3A_163 = arith.addf %parallel_loop3A_161, %parallel_loop3A_162 : vector<16xf32>
        %parallel_loop3A_164 = arith.mulf %parallel_loop3A_110, %parallel_loop3A_142 : vector<16xf32>
        %parallel_loop3A_165 = arith.addf %parallel_loop3A_163, %parallel_loop3A_164 : vector<16xf32>
        %parallel_loop3A_166 = arith.mulf %parallel_loop3A_114, %parallel_loop3A_146 : vector<16xf32>
        %parallel_loop3A_167 = arith.addf %parallel_loop3A_165, %parallel_loop3A_166 : vector<16xf32>
        %parallel_loop3A_168 = arith.mulf %parallel_loop3A_118, %parallel_loop3A_150 : vector<16xf32>
        %parallel_loop3A_169 = arith.addf %parallel_loop3A_167, %parallel_loop3A_168 : vector<16xf32>
        %parallel_loop3A_170 = arith.mulf %parallel_loop3A_122, %parallel_loop3A_154 : vector<16xf32>
        %parallel_loop3A_171 = arith.addf %parallel_loop3A_169, %parallel_loop3A_170 : vector<16xf32>
        %parallel_loop3A_172 = arith.mulf %parallel_loop3A_126, %parallel_loop3A_158 : vector<16xf32>
        %parallel_loop3A_173 = arith.addf %parallel_loop3A_171, %parallel_loop3A_172 : vector<16xf32>
        %parallel_loop3A_174 = tpu.iota {dimensions = array<i32: 0>} : vector<16xi32>
        %parallel_loop3A_175 = arith.constant 1 : i32
        %parallel_loop3A_176 = vector.broadcast %parallel_loop3A_175 : i32 to vector<16xi32>
        %parallel_loop3A_177 = arith.xori %parallel_loop3A_174, %parallel_loop3A_176 : vector<16xi32>
        %parallel_loop3A_178 = vector.shape_cast %parallel_loop3A_177 : vector<16xi32> to vector<16x1xi32>
        %parallel_loop3A_179 = vector.shape_cast %parallel_loop3A_178 : vector<16x1xi32> to vector<16xi32>
        %parallel_loop3A_180 = tpu.dynamic_gather %parallel_loop3A_173[%parallel_loop3A_179] in [0] : vector<16xf32>, vector<16xi32> -> vector<16xf32>
        %parallel_loop3A_181 = arith.addf %parallel_loop3A_173, %parallel_loop3A_180 : vector<16xf32>
        %parallel_loop3A_182 = arith.constant 2 : i32
        %parallel_loop3A_183 = vector.broadcast %parallel_loop3A_182 : i32 to vector<16xi32>
        %parallel_loop3A_184 = arith.xori %parallel_loop3A_174, %parallel_loop3A_183 : vector<16xi32>
        %parallel_loop3A_185 = vector.shape_cast %parallel_loop3A_184 : vector<16xi32> to vector<16x1xi32>
        %parallel_loop3A_186 = vector.shape_cast %parallel_loop3A_185 : vector<16x1xi32> to vector<16xi32>
        %parallel_loop3A_187 = tpu.dynamic_gather %parallel_loop3A_181[%parallel_loop3A_186] in [0] : vector<16xf32>, vector<16xi32> -> vector<16xf32>
        %parallel_loop3A_188 = arith.addf %parallel_loop3A_181, %parallel_loop3A_187 : vector<16xf32>
        %parallel_loop3A_189 = arith.constant 4 : i32
        %parallel_loop3A_190 = vector.broadcast %parallel_loop3A_189 : i32 to vector<16xi32>
        %parallel_loop3A_191 = arith.xori %parallel_loop3A_174, %parallel_loop3A_190 : vector<16xi32>
        %parallel_loop3A_192 = vector.shape_cast %parallel_loop3A_191 : vector<16xi32> to vector<16x1xi32>
        %parallel_loop3A_193 = vector.shape_cast %parallel_loop3A_192 : vector<16x1xi32> to vector<16xi32>
        %parallel_loop3A_194 = tpu.dynamic_gather %parallel_loop3A_188[%parallel_loop3A_193] in [0] : vector<16xf32>, vector<16xi32> -> vector<16xf32>
        %parallel_loop3A_195 = arith.addf %parallel_loop3A_188, %parallel_loop3A_194 : vector<16xf32>
        %parallel_loop3A_196 = arith.constant 8 : i32
        %parallel_loop3A_197 = vector.broadcast %parallel_loop3A_196 : i32 to vector<16xi32>
        %parallel_loop3A_198 = arith.xori %parallel_loop3A_174, %parallel_loop3A_197 : vector<16xi32>
        %parallel_loop3A_199 = vector.shape_cast %parallel_loop3A_198 : vector<16xi32> to vector<16x1xi32>
        %parallel_loop3A_200 = vector.shape_cast %parallel_loop3A_199 : vector<16x1xi32> to vector<16xi32>
        %parallel_loop3A_201 = tpu.dynamic_gather %parallel_loop3A_195[%parallel_loop3A_200] in [0] : vector<16xf32>, vector<16xi32> -> vector<16xf32>
        %parallel_loop3A_202 = arith.addf %parallel_loop3A_195, %parallel_loop3A_201 : vector<16xf32>
        %parallel_loop3A_203 = arith.mulf %parallel_loop3A_202, %get3A_6 : vector<16xf32>
        %parallel_loop3A_204 = arith.addf %parallel_loop3A_203, %get3A_18 : vector<16xf32>
        %parallel_loop3A_205 = arith.mulf %parallel_loop3A_204, %parallel_loop3A_204 : vector<16xf32>
        %parallel_loop3A_206 = arith.constant 2.500000e+01 : f32
        %parallel_loop3A_207 = vector.broadcast %parallel_loop3A_206 : f32 to vector<16xf32>
        %parallel_loop3A_208 = arith.minimumf %parallel_loop3A_205, %parallel_loop3A_207 : vector<16xf32>
        %parallel_loop3A_209 = arith.constant -5.000000e+00 : f32
        %parallel_loop3A_210 = vector.broadcast %parallel_loop3A_209 : f32 to vector<16xf32>
        %parallel_loop3A_211 = arith.maximumf %parallel_loop3A_204, %parallel_loop3A_210 : vector<16xf32>
        %parallel_loop3A_212 = arith.constant 5.000000e+00 : f32
        %parallel_loop3A_213 = vector.broadcast %parallel_loop3A_212 : f32 to vector<16xf32>
        %parallel_loop3A_214 = arith.minimumf %parallel_loop3A_211, %parallel_loop3A_213 : vector<16xf32>
        %parallel_loop3A_215 = arith.constant 3.780000e+02 : f32
        %parallel_loop3A_216 = vector.broadcast %parallel_loop3A_215 : f32 to vector<16xf32>
        %parallel_loop3A_217 = arith.addf %parallel_loop3A_216, %parallel_loop3A_208 : vector<16xf32>
        %parallel_loop3A_218 = arith.mulf %parallel_loop3A_208, %parallel_loop3A_217 : vector<16xf32>
        %parallel_loop3A_219 = arith.constant 1.732500e+04 : f32
        %parallel_loop3A_220 = vector.broadcast %parallel_loop3A_219 : f32 to vector<16xf32>
        %parallel_loop3A_221 = arith.addf %parallel_loop3A_220, %parallel_loop3A_218 : vector<16xf32>
        %parallel_loop3A_222 = arith.mulf %parallel_loop3A_208, %parallel_loop3A_221 : vector<16xf32>
        %parallel_loop3A_223 = arith.constant 1.351350e+05 : f32
        %parallel_loop3A_224 = vector.broadcast %parallel_loop3A_223 : f32 to vector<16xf32>
        %parallel_loop3A_225 = arith.addf %parallel_loop3A_224, %parallel_loop3A_222 : vector<16xf32>
        %parallel_loop3A_226 = arith.mulf %parallel_loop3A_214, %parallel_loop3A_225 : vector<16xf32>
        %parallel_loop3A_227 = arith.constant 2.800000e+01 : f32
        %parallel_loop3A_228 = vector.broadcast %parallel_loop3A_227 : f32 to vector<16xf32>
        %parallel_loop3A_229 = arith.mulf %parallel_loop3A_208, %parallel_loop3A_228 : vector<16xf32>
        %parallel_loop3A_230 = arith.constant 3.150000e+03 : f32
        %parallel_loop3A_231 = vector.broadcast %parallel_loop3A_230 : f32 to vector<16xf32>
        %parallel_loop3A_232 = arith.addf %parallel_loop3A_231, %parallel_loop3A_229 : vector<16xf32>
        %parallel_loop3A_233 = arith.mulf %parallel_loop3A_208, %parallel_loop3A_232 : vector<16xf32>
        %parallel_loop3A_234 = arith.constant 6.237000e+04 : f32
        %parallel_loop3A_235 = vector.broadcast %parallel_loop3A_234 : f32 to vector<16xf32>
        %parallel_loop3A_236 = arith.addf %parallel_loop3A_235, %parallel_loop3A_233 : vector<16xf32>
        %parallel_loop3A_237 = arith.mulf %parallel_loop3A_208, %parallel_loop3A_236 : vector<16xf32>
        %parallel_loop3A_238 = arith.constant 1.351350e+05 : f32
        %parallel_loop3A_239 = vector.broadcast %parallel_loop3A_238 : f32 to vector<16xf32>
        %parallel_loop3A_240 = arith.addf %parallel_loop3A_239, %parallel_loop3A_237 : vector<16xf32>
        %parallel_loop3A_241 = arith.divf %parallel_loop3A_226, %parallel_loop3A_240 : vector<16xf32>
        %parallel_loop3A_242 = arith.mulf %parallel_loop3A_241, %get3A_30 : vector<16xf32>
        %parallel_loop3A_243 = arith.mulf %parallel_loop3A_202, %get3A_9 : vector<16xf32>
        %parallel_loop3A_244 = arith.addf %parallel_loop3A_243, %get3A_21 : vector<16xf32>
        %parallel_loop3A_245 = arith.mulf %parallel_loop3A_244, %parallel_loop3A_244 : vector<16xf32>
        %parallel_loop3A_246 = arith.constant 2.500000e+01 : f32
        %parallel_loop3A_247 = vector.broadcast %parallel_loop3A_246 : f32 to vector<16xf32>
        %parallel_loop3A_248 = arith.minimumf %parallel_loop3A_245, %parallel_loop3A_247 : vector<16xf32>
        %parallel_loop3A_249 = arith.constant -5.000000e+00 : f32
        %parallel_loop3A_250 = vector.broadcast %parallel_loop3A_249 : f32 to vector<16xf32>
        %parallel_loop3A_251 = arith.maximumf %parallel_loop3A_244, %parallel_loop3A_250 : vector<16xf32>
        %parallel_loop3A_252 = arith.constant 5.000000e+00 : f32
        %parallel_loop3A_253 = vector.broadcast %parallel_loop3A_252 : f32 to vector<16xf32>
        %parallel_loop3A_254 = arith.minimumf %parallel_loop3A_251, %parallel_loop3A_253 : vector<16xf32>
        %parallel_loop3A_255 = arith.constant 3.780000e+02 : f32
        %parallel_loop3A_256 = vector.broadcast %parallel_loop3A_255 : f32 to vector<16xf32>
        %parallel_loop3A_257 = arith.addf %parallel_loop3A_256, %parallel_loop3A_248 : vector<16xf32>
        %parallel_loop3A_258 = arith.mulf %parallel_loop3A_248, %parallel_loop3A_257 : vector<16xf32>
        %parallel_loop3A_259 = arith.constant 1.732500e+04 : f32
        %parallel_loop3A_260 = vector.broadcast %parallel_loop3A_259 : f32 to vector<16xf32>
        %parallel_loop3A_261 = arith.addf %parallel_loop3A_260, %parallel_loop3A_258 : vector<16xf32>
        %parallel_loop3A_262 = arith.mulf %parallel_loop3A_248, %parallel_loop3A_261 : vector<16xf32>
        %parallel_loop3A_263 = arith.constant 1.351350e+05 : f32
        %parallel_loop3A_264 = vector.broadcast %parallel_loop3A_263 : f32 to vector<16xf32>
        %parallel_loop3A_265 = arith.addf %parallel_loop3A_264, %parallel_loop3A_262 : vector<16xf32>
        %parallel_loop3A_266 = arith.mulf %parallel_loop3A_254, %parallel_loop3A_265 : vector<16xf32>
        %parallel_loop3A_267 = arith.constant 2.800000e+01 : f32
        %parallel_loop3A_268 = vector.broadcast %parallel_loop3A_267 : f32 to vector<16xf32>
        %parallel_loop3A_269 = arith.mulf %parallel_loop3A_248, %parallel_loop3A_268 : vector<16xf32>
        %parallel_loop3A_270 = arith.constant 3.150000e+03 : f32
        %parallel_loop3A_271 = vector.broadcast %parallel_loop3A_270 : f32 to vector<16xf32>
        %parallel_loop3A_272 = arith.addf %parallel_loop3A_271, %parallel_loop3A_269 : vector<16xf32>
        %parallel_loop3A_273 = arith.mulf %parallel_loop3A_248, %parallel_loop3A_272 : vector<16xf32>
        %parallel_loop3A_274 = arith.constant 6.237000e+04 : f32
        %parallel_loop3A_275 = vector.broadcast %parallel_loop3A_274 : f32 to vector<16xf32>
        %parallel_loop3A_276 = arith.addf %parallel_loop3A_275, %parallel_loop3A_273 : vector<16xf32>
        %parallel_loop3A_277 = arith.mulf %parallel_loop3A_248, %parallel_loop3A_276 : vector<16xf32>
        %parallel_loop3A_278 = arith.constant 1.351350e+05 : f32
        %parallel_loop3A_279 = vector.broadcast %parallel_loop3A_278 : f32 to vector<16xf32>
        %parallel_loop3A_280 = arith.addf %parallel_loop3A_279, %parallel_loop3A_277 : vector<16xf32>
        %parallel_loop3A_281 = arith.divf %parallel_loop3A_266, %parallel_loop3A_280 : vector<16xf32>
        %parallel_loop3A_282 = arith.mulf %parallel_loop3A_281, %get3A_33 : vector<16xf32>
        %parallel_loop3A_283 = arith.addf %parallel_loop3A_242, %parallel_loop3A_282 : vector<16xf32>
        %parallel_loop3A_284 = arith.mulf %parallel_loop3A_202, %get3A_12 : vector<16xf32>
        %parallel_loop3A_285 = arith.addf %parallel_loop3A_284, %get3A_24 : vector<16xf32>
        %parallel_loop3A_286 = arith.mulf %parallel_loop3A_285, %parallel_loop3A_285 : vector<16xf32>
        %parallel_loop3A_287 = arith.constant 2.500000e+01 : f32
        %parallel_loop3A_288 = vector.broadcast %parallel_loop3A_287 : f32 to vector<16xf32>
        %parallel_loop3A_289 = arith.minimumf %parallel_loop3A_286, %parallel_loop3A_288 : vector<16xf32>
        %parallel_loop3A_290 = arith.constant -5.000000e+00 : f32
        %parallel_loop3A_291 = vector.broadcast %parallel_loop3A_290 : f32 to vector<16xf32>
        %parallel_loop3A_292 = arith.maximumf %parallel_loop3A_285, %parallel_loop3A_291 : vector<16xf32>
        %parallel_loop3A_293 = arith.constant 5.000000e+00 : f32
        %parallel_loop3A_294 = vector.broadcast %parallel_loop3A_293 : f32 to vector<16xf32>
        %parallel_loop3A_295 = arith.minimumf %parallel_loop3A_292, %parallel_loop3A_294 : vector<16xf32>
        %parallel_loop3A_296 = arith.constant 3.780000e+02 : f32
        %parallel_loop3A_297 = vector.broadcast %parallel_loop3A_296 : f32 to vector<16xf32>
        %parallel_loop3A_298 = arith.addf %parallel_loop3A_297, %parallel_loop3A_289 : vector<16xf32>
        %parallel_loop3A_299 = arith.mulf %parallel_loop3A_289, %parallel_loop3A_298 : vector<16xf32>
        %parallel_loop3A_300 = arith.constant 1.732500e+04 : f32
        %parallel_loop3A_301 = vector.broadcast %parallel_loop3A_300 : f32 to vector<16xf32>
        %parallel_loop3A_302 = arith.addf %parallel_loop3A_301, %parallel_loop3A_299 : vector<16xf32>
        %parallel_loop3A_303 = arith.mulf %parallel_loop3A_289, %parallel_loop3A_302 : vector<16xf32>
        %parallel_loop3A_304 = arith.constant 1.351350e+05 : f32
        %parallel_loop3A_305 = vector.broadcast %parallel_loop3A_304 : f32 to vector<16xf32>
        %parallel_loop3A_306 = arith.addf %parallel_loop3A_305, %parallel_loop3A_303 : vector<16xf32>
        %parallel_loop3A_307 = arith.mulf %parallel_loop3A_295, %parallel_loop3A_306 : vector<16xf32>
        %parallel_loop3A_308 = arith.constant 2.800000e+01 : f32
        %parallel_loop3A_309 = vector.broadcast %parallel_loop3A_308 : f32 to vector<16xf32>
        %parallel_loop3A_310 = arith.mulf %parallel_loop3A_289, %parallel_loop3A_309 : vector<16xf32>
        %parallel_loop3A_311 = arith.constant 3.150000e+03 : f32
        %parallel_loop3A_312 = vector.broadcast %parallel_loop3A_311 : f32 to vector<16xf32>
        %parallel_loop3A_313 = arith.addf %parallel_loop3A_312, %parallel_loop3A_310 : vector<16xf32>
        %parallel_loop3A_314 = arith.mulf %parallel_loop3A_289, %parallel_loop3A_313 : vector<16xf32>
        %parallel_loop3A_315 = arith.constant 6.237000e+04 : f32
        %parallel_loop3A_316 = vector.broadcast %parallel_loop3A_315 : f32 to vector<16xf32>
        %parallel_loop3A_317 = arith.addf %parallel_loop3A_316, %parallel_loop3A_314 : vector<16xf32>
        %parallel_loop3A_318 = arith.mulf %parallel_loop3A_289, %parallel_loop3A_317 : vector<16xf32>
        %parallel_loop3A_319 = arith.constant 1.351350e+05 : f32
        %parallel_loop3A_320 = vector.broadcast %parallel_loop3A_319 : f32 to vector<16xf32>
        %parallel_loop3A_321 = arith.addf %parallel_loop3A_320, %parallel_loop3A_318 : vector<16xf32>
        %parallel_loop3A_322 = arith.divf %parallel_loop3A_307, %parallel_loop3A_321 : vector<16xf32>
        %parallel_loop3A_323 = arith.mulf %parallel_loop3A_322, %get3A_36 : vector<16xf32>
        %parallel_loop3A_324 = arith.addf %parallel_loop3A_283, %parallel_loop3A_323 : vector<16xf32>
        %parallel_loop3A_325 = arith.mulf %parallel_loop3A_202, %get3A_15 : vector<16xf32>
        %parallel_loop3A_326 = arith.addf %parallel_loop3A_325, %get3A_27 : vector<16xf32>
        %parallel_loop3A_327 = arith.mulf %parallel_loop3A_326, %parallel_loop3A_326 : vector<16xf32>
        %parallel_loop3A_328 = arith.constant 2.500000e+01 : f32
        %parallel_loop3A_329 = vector.broadcast %parallel_loop3A_328 : f32 to vector<16xf32>
        %parallel_loop3A_330 = arith.minimumf %parallel_loop3A_327, %parallel_loop3A_329 : vector<16xf32>
        %parallel_loop3A_331 = arith.constant -5.000000e+00 : f32
        %parallel_loop3A_332 = vector.broadcast %parallel_loop3A_331 : f32 to vector<16xf32>
        %parallel_loop3A_333 = arith.maximumf %parallel_loop3A_326, %parallel_loop3A_332 : vector<16xf32>
        %parallel_loop3A_334 = arith.constant 5.000000e+00 : f32
        %parallel_loop3A_335 = vector.broadcast %parallel_loop3A_334 : f32 to vector<16xf32>
        %parallel_loop3A_336 = arith.minimumf %parallel_loop3A_333, %parallel_loop3A_335 : vector<16xf32>
        %parallel_loop3A_337 = arith.constant 3.780000e+02 : f32
        %parallel_loop3A_338 = vector.broadcast %parallel_loop3A_337 : f32 to vector<16xf32>
        %parallel_loop3A_339 = arith.addf %parallel_loop3A_338, %parallel_loop3A_330 : vector<16xf32>
        %parallel_loop3A_340 = arith.mulf %parallel_loop3A_330, %parallel_loop3A_339 : vector<16xf32>
        %parallel_loop3A_341 = arith.constant 1.732500e+04 : f32
        %parallel_loop3A_342 = vector.broadcast %parallel_loop3A_341 : f32 to vector<16xf32>
        %parallel_loop3A_343 = arith.addf %parallel_loop3A_342, %parallel_loop3A_340 : vector<16xf32>
        %parallel_loop3A_344 = arith.mulf %parallel_loop3A_330, %parallel_loop3A_343 : vector<16xf32>
        %parallel_loop3A_345 = arith.constant 1.351350e+05 : f32
        %parallel_loop3A_346 = vector.broadcast %parallel_loop3A_345 : f32 to vector<16xf32>
        %parallel_loop3A_347 = arith.addf %parallel_loop3A_346, %parallel_loop3A_344 : vector<16xf32>
        %parallel_loop3A_348 = arith.mulf %parallel_loop3A_336, %parallel_loop3A_347 : vector<16xf32>
        %parallel_loop3A_349 = arith.constant 2.800000e+01 : f32
        %parallel_loop3A_350 = vector.broadcast %parallel_loop3A_349 : f32 to vector<16xf32>
        %parallel_loop3A_351 = arith.mulf %parallel_loop3A_330, %parallel_loop3A_350 : vector<16xf32>
        %parallel_loop3A_352 = arith.constant 3.150000e+03 : f32
        %parallel_loop3A_353 = vector.broadcast %parallel_loop3A_352 : f32 to vector<16xf32>
        %parallel_loop3A_354 = arith.addf %parallel_loop3A_353, %parallel_loop3A_351 : vector<16xf32>
        %parallel_loop3A_355 = arith.mulf %parallel_loop3A_330, %parallel_loop3A_354 : vector<16xf32>
        %parallel_loop3A_356 = arith.constant 6.237000e+04 : f32
        %parallel_loop3A_357 = vector.broadcast %parallel_loop3A_356 : f32 to vector<16xf32>
        %parallel_loop3A_358 = arith.addf %parallel_loop3A_357, %parallel_loop3A_355 : vector<16xf32>
        %parallel_loop3A_359 = arith.mulf %parallel_loop3A_330, %parallel_loop3A_358 : vector<16xf32>
        %parallel_loop3A_360 = arith.constant 1.351350e+05 : f32
        %parallel_loop3A_361 = vector.broadcast %parallel_loop3A_360 : f32 to vector<16xf32>
        %parallel_loop3A_362 = arith.addf %parallel_loop3A_361, %parallel_loop3A_359 : vector<16xf32>
        %parallel_loop3A_363 = arith.divf %parallel_loop3A_348, %parallel_loop3A_362 : vector<16xf32>
        %parallel_loop3A_364 = arith.mulf %parallel_loop3A_363, %get3A_39 : vector<16xf32>
        %parallel_loop3A_365 = arith.addf %parallel_loop3A_324, %parallel_loop3A_364 : vector<16xf32>
        %parallel_loop3A_366 = tpu.iota {dimensions = array<i32: 0>} : vector<16xi32>
        %parallel_loop3A_367 = arith.constant 1 : i32
        %parallel_loop3A_368 = vector.broadcast %parallel_loop3A_367 : i32 to vector<16xi32>
        %parallel_loop3A_369 = arith.xori %parallel_loop3A_366, %parallel_loop3A_368 : vector<16xi32>
        %parallel_loop3A_370 = vector.shape_cast %parallel_loop3A_369 : vector<16xi32> to vector<16x1xi32>
        %parallel_loop3A_371 = vector.shape_cast %parallel_loop3A_370 : vector<16x1xi32> to vector<16xi32>
        %parallel_loop3A_372 = tpu.dynamic_gather %parallel_loop3A_365[%parallel_loop3A_371] in [0] : vector<16xf32>, vector<16xi32> -> vector<16xf32>
        %parallel_loop3A_373 = arith.addf %parallel_loop3A_365, %parallel_loop3A_372 : vector<16xf32>
        %parallel_loop3A_374 = arith.constant 2 : i32
        %parallel_loop3A_375 = vector.broadcast %parallel_loop3A_374 : i32 to vector<16xi32>
        %parallel_loop3A_376 = arith.xori %parallel_loop3A_366, %parallel_loop3A_375 : vector<16xi32>
        %parallel_loop3A_377 = vector.shape_cast %parallel_loop3A_376 : vector<16xi32> to vector<16x1xi32>
        %parallel_loop3A_378 = vector.shape_cast %parallel_loop3A_377 : vector<16x1xi32> to vector<16xi32>
        %parallel_loop3A_379 = tpu.dynamic_gather %parallel_loop3A_373[%parallel_loop3A_378] in [0] : vector<16xf32>, vector<16xi32> -> vector<16xf32>
        %parallel_loop3A_380 = arith.addf %parallel_loop3A_373, %parallel_loop3A_379 : vector<16xf32>
        %parallel_loop3A_381 = arith.constant 4 : i32
        %parallel_loop3A_382 = vector.broadcast %parallel_loop3A_381 : i32 to vector<16xi32>
        %parallel_loop3A_383 = arith.xori %parallel_loop3A_366, %parallel_loop3A_382 : vector<16xi32>
        %parallel_loop3A_384 = vector.shape_cast %parallel_loop3A_383 : vector<16xi32> to vector<16x1xi32>
        %parallel_loop3A_385 = vector.shape_cast %parallel_loop3A_384 : vector<16x1xi32> to vector<16xi32>
        %parallel_loop3A_386 = tpu.dynamic_gather %parallel_loop3A_380[%parallel_loop3A_385] in [0] : vector<16xf32>, vector<16xi32> -> vector<16xf32>
        %parallel_loop3A_387 = arith.addf %parallel_loop3A_380, %parallel_loop3A_386 : vector<16xf32>
        %parallel_loop3A_388 = arith.constant 8 : i32
        %parallel_loop3A_389 = vector.broadcast %parallel_loop3A_388 : i32 to vector<16xi32>
        %parallel_loop3A_390 = arith.xori %parallel_loop3A_366, %parallel_loop3A_389 : vector<16xi32>
        %parallel_loop3A_391 = vector.shape_cast %parallel_loop3A_390 : vector<16xi32> to vector<16x1xi32>
        %parallel_loop3A_392 = vector.shape_cast %parallel_loop3A_391 : vector<16x1xi32> to vector<16xi32>
        %parallel_loop3A_393 = tpu.dynamic_gather %parallel_loop3A_387[%parallel_loop3A_392] in [0] : vector<16xf32>, vector<16xi32> -> vector<16xf32>
        %parallel_loop3A_394 = arith.addf %parallel_loop3A_387, %parallel_loop3A_393 : vector<16xf32>
        %parallel_loop3A_395 = arith.addf %parallel_loop3A_394, %get3A_42 : vector<16xf32>
        %parallel_loop3A_396 = arith.constant 1.000000e-01 : f32
        %parallel_loop3A_397 = vector.broadcast %parallel_loop3A_396 : f32 to vector<16xf32>
        %parallel_loop3A_398 = arith.mulf %parallel_loop3A_397, %parallel_loop3A_395 : vector<16xf32>
        %parallel_loop3A_399 = arith.mulf %parallel_loop3A_130, %parallel_loop3A_398 : vector<16xf32>
        %parallel_loop3A_400 = arith.index_cast %parallel_loop3A_94 : i32 to index
        %parallel_loop3A_401 = arith.constant 0 : index
        %parallel_loop3A_402 = tpu.vector_load %arg14[%parallel_loop3A_400, %parallel_loop3A_401] {strides = array<i32>} : memref<128x128xf32, #tpu.memory_space<vmem>>, vector<1x16xf32>,
        %parallel_loop3A_403 = vector.shape_cast %parallel_loop3A_402 : vector<1x16xf32> to vector<16xf32>
        %parallel_loop3A_404 = vector.shape_cast %parallel_loop3A_399 : vector<16xf32> to vector<1x16xf32>
        tpu.vector_store %arg14[%parallel_loop3A_400, %parallel_loop3A_401], %parallel_loop3A_404 {strides = array<i32>} : memref<128x128xf32, #tpu.memory_space<vmem>>, vector<1x16xf32>,
        %parallel_loop3A_405 = arith.mulf %parallel_loop3A_98, %parallel_loop3A_398 : vector<16xf32>
        %parallel_loop3A_406 = arith.index_cast %parallel_loop3A_94 : i32 to index
        %parallel_loop3A_407 = arith.constant 0 : index
        %parallel_loop3A_408 = tpu.vector_load %arg13[%parallel_loop3A_406, %parallel_loop3A_407] {strides = array<i32>} : memref<128x128xf32, #tpu.memory_space<vmem>>, vector<1x16xf32>,
        %parallel_loop3A_409 = vector.shape_cast %parallel_loop3A_408 : vector<1x16xf32> to vector<16xf32>
        %parallel_loop3A_410 = vector.shape_cast %parallel_loop3A_405 : vector<16xf32> to vector<1x16xf32>
        tpu.vector_store %arg13[%parallel_loop3A_406, %parallel_loop3A_407], %parallel_loop3A_410 {strides = array<i32>} : memref<128x128xf32, #tpu.memory_space<vmem>>, vector<1x16xf32>,
        %parallel_loop3A_411 = arith.mulf %parallel_loop3A_134, %parallel_loop3A_398 : vector<16xf32>
        %parallel_loop3A_412 = arith.index_cast %parallel_loop3A_94 : i32 to index
        %parallel_loop3A_413 = arith.constant 16 : index
        %parallel_loop3A_414 = tpu.vector_load %arg14[%parallel_loop3A_412, %parallel_loop3A_413] {strides = array<i32>} : memref<128x128xf32, #tpu.memory_space<vmem>>, vector<1x16xf32>,
        %parallel_loop3A_415 = vector.shape_cast %parallel_loop3A_414 : vector<1x16xf32> to vector<16xf32>
        %parallel_loop3A_416 = vector.shape_cast %parallel_loop3A_411 : vector<16xf32> to vector<1x16xf32>
        tpu.vector_store %arg14[%parallel_loop3A_412, %parallel_loop3A_413], %parallel_loop3A_416 {strides = array<i32>} : memref<128x128xf32, #tpu.memory_space<vmem>>, vector<1x16xf32>,
        %parallel_loop3A_417 = arith.mulf %parallel_loop3A_102, %parallel_loop3A_398 : vector<16xf32>
        %parallel_loop3A_418 = arith.index_cast %parallel_loop3A_94 : i32 to index
        %parallel_loop3A_419 = arith.constant 16 : index
        %parallel_loop3A_420 = tpu.vector_load %arg13[%parallel_loop3A_418, %parallel_loop3A_419] {strides = array<i32>} : memref<128x128xf32, #tpu.memory_space<vmem>>, vector<1x16xf32>,
        %parallel_loop3A_421 = vector.shape_cast %parallel_loop3A_420 : vector<1x16xf32> to vector<16xf32>
        %parallel_loop3A_422 = vector.shape_cast %parallel_loop3A_417 : vector<16xf32> to vector<1x16xf32>
        tpu.vector_store %arg13[%parallel_loop3A_418, %parallel_loop3A_419], %parallel_loop3A_422 {strides = array<i32>} : memref<128x128xf32, #tpu.memory_space<vmem>>, vector<1x16xf32>,
        %parallel_loop3A_423 = arith.mulf %parallel_loop3A_138, %parallel_loop3A_398 : vector<16xf32>
        %parallel_loop3A_424 = arith.index_cast %parallel_loop3A_94 : i32 to index
        %parallel_loop3A_425 = arith.constant 32 : index
        %parallel_loop3A_426 = tpu.vector_load %arg14[%parallel_loop3A_424, %parallel_loop3A_425] {strides = array<i32>} : memref<128x128xf32, #tpu.memory_space<vmem>>, vector<1x16xf32>,
        %parallel_loop3A_427 = vector.shape_cast %parallel_loop3A_426 : vector<1x16xf32> to vector<16xf32>
        %parallel_loop3A_428 = vector.shape_cast %parallel_loop3A_423 : vector<16xf32> to vector<1x16xf32>
        tpu.vector_store %arg14[%parallel_loop3A_424, %parallel_loop3A_425], %parallel_loop3A_428 {strides = array<i32>} : memref<128x128xf32, #tpu.memory_space<vmem>>, vector<1x16xf32>,
        %parallel_loop3A_429 = arith.mulf %parallel_loop3A_106, %parallel_loop3A_398 : vector<16xf32>
        %parallel_loop3A_430 = arith.index_cast %parallel_loop3A_94 : i32 to index
        %parallel_loop3A_431 = arith.constant 32 : index
        %parallel_loop3A_432 = tpu.vector_load %arg13[%parallel_loop3A_430, %parallel_loop3A_431] {strides = array<i32>} : memref<128x128xf32, #tpu.memory_space<vmem>>, vector<1x16xf32>,
        %parallel_loop3A_433 = vector.shape_cast %parallel_loop3A_432 : vector<1x16xf32> to vector<16xf32>
        %parallel_loop3A_434 = vector.shape_cast %parallel_loop3A_429 : vector<16xf32> to vector<1x16xf32>
        tpu.vector_store %arg13[%parallel_loop3A_430, %parallel_loop3A_431], %parallel_loop3A_434 {strides = array<i32>} : memref<128x128xf32, #tpu.memory_space<vmem>>, vector<1x16xf32>,
        %parallel_loop3A_435 = arith.mulf %parallel_loop3A_142, %parallel_loop3A_398 : vector<16xf32>
        %parallel_loop3A_436 = arith.index_cast %parallel_loop3A_94 : i32 to index
        %parallel_loop3A_437 = arith.constant 48 : index
        %parallel_loop3A_438 = tpu.vector_load %arg14[%parallel_loop3A_436, %parallel_loop3A_437] {strides = array<i32>} : memref<128x128xf32, #tpu.memory_space<vmem>>, vector<1x16xf32>,
        %parallel_loop3A_439 = vector.shape_cast %parallel_loop3A_438 : vector<1x16xf32> to vector<16xf32>
        %parallel_loop3A_440 = vector.shape_cast %parallel_loop3A_435 : vector<16xf32> to vector<1x16xf32>
        tpu.vector_store %arg14[%parallel_loop3A_436, %parallel_loop3A_437], %parallel_loop3A_440 {strides = array<i32>} : memref<128x128xf32, #tpu.memory_space<vmem>>, vector<1x16xf32>,
        %parallel_loop3A_441 = arith.mulf %parallel_loop3A_110, %parallel_loop3A_398 : vector<16xf32>
        %parallel_loop3A_442 = arith.index_cast %parallel_loop3A_94 : i32 to index
        %parallel_loop3A_443 = arith.constant 48 : index
        %parallel_loop3A_444 = tpu.vector_load %arg13[%parallel_loop3A_442, %parallel_loop3A_443] {strides = array<i32>} : memref<128x128xf32, #tpu.memory_space<vmem>>, vector<1x16xf32>,
        %parallel_loop3A_445 = vector.shape_cast %parallel_loop3A_444 : vector<1x16xf32> to vector<16xf32>
        %parallel_loop3A_446 = vector.shape_cast %parallel_loop3A_441 : vector<16xf32> to vector<1x16xf32>
        tpu.vector_store %arg13[%parallel_loop3A_442, %parallel_loop3A_443], %parallel_loop3A_446 {strides = array<i32>} : memref<128x128xf32, #tpu.memory_space<vmem>>, vector<1x16xf32>,
        %parallel_loop3A_447 = arith.mulf %parallel_loop3A_146, %parallel_loop3A_398 : vector<16xf32>
        %parallel_loop3A_448 = arith.index_cast %parallel_loop3A_94 : i32 to index
        %parallel_loop3A_449 = arith.constant 64 : index
        %parallel_loop3A_450 = tpu.vector_load %arg14[%parallel_loop3A_448, %parallel_loop3A_449] {strides = array<i32>} : memref<128x128xf32, #tpu.memory_space<vmem>>, vector<1x16xf32>,
        %parallel_loop3A_451 = vector.shape_cast %parallel_loop3A_450 : vector<1x16xf32> to vector<16xf32>
        %parallel_loop3A_452 = vector.shape_cast %parallel_loop3A_447 : vector<16xf32> to vector<1x16xf32>
        tpu.vector_store %arg14[%parallel_loop3A_448, %parallel_loop3A_449], %parallel_loop3A_452 {strides = array<i32>} : memref<128x128xf32, #tpu.memory_space<vmem>>, vector<1x16xf32>,
        %parallel_loop3A_453 = arith.mulf %parallel_loop3A_114, %parallel_loop3A_398 : vector<16xf32>
        %parallel_loop3A_454 = arith.index_cast %parallel_loop3A_94 : i32 to index
        %parallel_loop3A_455 = arith.constant 64 : index
        %parallel_loop3A_456 = tpu.vector_load %arg13[%parallel_loop3A_454, %parallel_loop3A_455] {strides = array<i32>} : memref<128x128xf32, #tpu.memory_space<vmem>>, vector<1x16xf32>,
        %parallel_loop3A_457 = vector.shape_cast %parallel_loop3A_456 : vector<1x16xf32> to vector<16xf32>
        %parallel_loop3A_458 = vector.shape_cast %parallel_loop3A_453 : vector<16xf32> to vector<1x16xf32>
        tpu.vector_store %arg13[%parallel_loop3A_454, %parallel_loop3A_455], %parallel_loop3A_458 {strides = array<i32>} : memref<128x128xf32, #tpu.memory_space<vmem>>, vector<1x16xf32>,
        %parallel_loop3A_459 = arith.mulf %parallel_loop3A_150, %parallel_loop3A_398 : vector<16xf32>
        %parallel_loop3A_460 = arith.index_cast %parallel_loop3A_94 : i32 to index
        %parallel_loop3A_461 = arith.constant 80 : index
        %parallel_loop3A_462 = tpu.vector_load %arg14[%parallel_loop3A_460, %parallel_loop3A_461] {strides = array<i32>} : memref<128x128xf32, #tpu.memory_space<vmem>>, vector<1x16xf32>,
        %parallel_loop3A_463 = vector.shape_cast %parallel_loop3A_462 : vector<1x16xf32> to vector<16xf32>
        %parallel_loop3A_464 = vector.shape_cast %parallel_loop3A_459 : vector<16xf32> to vector<1x16xf32>
        tpu.vector_store %arg14[%parallel_loop3A_460, %parallel_loop3A_461], %parallel_loop3A_464 {strides = array<i32>} : memref<128x128xf32, #tpu.memory_space<vmem>>, vector<1x16xf32>,
        %parallel_loop3A_465 = arith.mulf %parallel_loop3A_118, %parallel_loop3A_398 : vector<16xf32>
        %parallel_loop3A_466 = arith.index_cast %parallel_loop3A_94 : i32 to index
        %parallel_loop3A_467 = arith.constant 80 : index
        %parallel_loop3A_468 = tpu.vector_load %arg13[%parallel_loop3A_466, %parallel_loop3A_467] {strides = array<i32>} : memref<128x128xf32, #tpu.memory_space<vmem>>, vector<1x16xf32>,
        %parallel_loop3A_469 = vector.shape_cast %parallel_loop3A_468 : vector<1x16xf32> to vector<16xf32>
        %parallel_loop3A_470 = vector.shape_cast %parallel_loop3A_465 : vector<16xf32> to vector<1x16xf32>
        tpu.vector_store %arg13[%parallel_loop3A_466, %parallel_loop3A_467], %parallel_loop3A_470 {strides = array<i32>} : memref<128x128xf32, #tpu.memory_space<vmem>>, vector<1x16xf32>,
        %parallel_loop3A_471 = arith.mulf %parallel_loop3A_154, %parallel_loop3A_398 : vector<16xf32>
        %parallel_loop3A_472 = arith.index_cast %parallel_loop3A_94 : i32 to index
        %parallel_loop3A_473 = arith.constant 96 : index
        %parallel_loop3A_474 = tpu.vector_load %arg14[%parallel_loop3A_472, %parallel_loop3A_473] {strides = array<i32>} : memref<128x128xf32, #tpu.memory_space<vmem>>, vector<1x16xf32>,
        %parallel_loop3A_475 = vector.shape_cast %parallel_loop3A_474 : vector<1x16xf32> to vector<16xf32>
        %parallel_loop3A_476 = vector.shape_cast %parallel_loop3A_471 : vector<16xf32> to vector<1x16xf32>
        tpu.vector_store %arg14[%parallel_loop3A_472, %parallel_loop3A_473], %parallel_loop3A_476 {strides = array<i32>} : memref<128x128xf32, #tpu.memory_space<vmem>>, vector<1x16xf32>,
        %parallel_loop3A_477 = arith.mulf %parallel_loop3A_122, %parallel_loop3A_398 : vector<16xf32>
        %parallel_loop3A_478 = arith.index_cast %parallel_loop3A_94 : i32 to index
        %parallel_loop3A_479 = arith.constant 96 : index
        %parallel_loop3A_480 = tpu.vector_load %arg13[%parallel_loop3A_478, %parallel_loop3A_479] {strides = array<i32>} : memref<128x128xf32, #tpu.memory_space<vmem>>, vector<1x16xf32>,
        %parallel_loop3A_481 = vector.shape_cast %parallel_loop3A_480 : vector<1x16xf32> to vector<16xf32>
        %parallel_loop3A_482 = vector.shape_cast %parallel_loop3A_477 : vector<16xf32> to vector<1x16xf32>
        tpu.vector_store %arg13[%parallel_loop3A_478, %parallel_loop3A_479], %parallel_loop3A_482 {strides = array<i32>} : memref<128x128xf32, #tpu.memory_space<vmem>>, vector<1x16xf32>,
        %parallel_loop3A_483 = arith.mulf %parallel_loop3A_158, %parallel_loop3A_398 : vector<16xf32>
        %parallel_loop3A_484 = arith.index_cast %parallel_loop3A_94 : i32 to index
        %parallel_loop3A_485 = arith.constant 112 : index
        %parallel_loop3A_486 = tpu.vector_load %arg14[%parallel_loop3A_484, %parallel_loop3A_485] {strides = array<i32>} : memref<128x128xf32, #tpu.memory_space<vmem>>, vector<1x16xf32>,
        %parallel_loop3A_487 = vector.shape_cast %parallel_loop3A_486 : vector<1x16xf32> to vector<16xf32>
        %parallel_loop3A_488 = vector.shape_cast %parallel_loop3A_483 : vector<16xf32> to vector<1x16xf32>
        tpu.vector_store %arg14[%parallel_loop3A_484, %parallel_loop3A_485], %parallel_loop3A_488 {strides = array<i32>} : memref<128x128xf32, #tpu.memory_space<vmem>>, vector<1x16xf32>,
        %parallel_loop3A_489 = arith.mulf %parallel_loop3A_126, %parallel_loop3A_398 : vector<16xf32>
        %parallel_loop3A_490 = arith.index_cast %parallel_loop3A_94 : i32 to index
        %parallel_loop3A_491 = arith.constant 112 : index
        %parallel_loop3A_492 = tpu.vector_load %arg13[%parallel_loop3A_490, %parallel_loop3A_491] {strides = array<i32>} : memref<128x128xf32, #tpu.memory_space<vmem>>, vector<1x16xf32>,
        %parallel_loop3A_493 = vector.shape_cast %parallel_loop3A_492 : vector<1x16xf32> to vector<16xf32>
        %parallel_loop3A_494 = vector.shape_cast %parallel_loop3A_489 : vector<16xf32> to vector<1x16xf32>
        tpu.vector_store %arg13[%parallel_loop3A_490, %parallel_loop3A_491], %parallel_loop3A_494 {strides = array<i32>} : memref<128x128xf32, #tpu.memory_space<vmem>>, vector<1x16xf32>,
      } {sc.loop_unroll_factor = 4 : i64, sc.parallel_access}
      %dma_start3A_82 = arith.constant 0 : i32
      %dma_start3A_83 = arith.constant 0 : i32
      %dma_start3A_84 = tpu.memref_slice %arg21[%dma_start3A_82, %dma_start3A_83] : memref<10240x128xf32, #tpu.memory_space<vmem_shared>> -> memref<10240x128xf32, #tpu.memory_space<vmem_shared>>
      tpu.enqueue_indirect_dma source(%arg14 : memref<128x128xf32, #tpu.memory_space<vmem>>) target(%dma_start3A_84 : memref<10240x128xf32, #tpu.memory_space<vmem_shared>>) offsets(%arg11 : memref<128xi32, #tpu.memory_space<vmem>>) semaphore(%arg19 : memref<!tpu.dma_semaphore, #tpu.memory_space<semaphore_mem>>) {add = true}
      %dma_start3A_85 = arith.constant 0 : i32
      %dma_start3A_86 = arith.constant 0 : i32
      %dma_start3A_87 = tpu.memref_slice %arg21[%dma_start3A_85, %dma_start3A_86] : memref<10240x128xf32, #tpu.memory_space<vmem_shared>> -> memref<10240x128xf32, #tpu.memory_space<vmem_shared>>
      tpu.enqueue_indirect_dma source(%arg13 : memref<128x128xf32, #tpu.memory_space<vmem>>) target(%dma_start3A_87 : memref<10240x128xf32, #tpu.memory_space<vmem_shared>>) offsets(%arg12 : memref<128xi32, #tpu.memory_space<vmem>>) semaphore(%arg20 : memref<!tpu.dma_semaphore, #tpu.memory_space<semaphore_mem>>) {add = true}
      %dma_wait3A_88 = arith.constant 0 : i32
      %dma_wait3A_89 = arith.constant 0 : i32
      %dma_wait3A_90 = tpu.memref_slice %arg21[%dma_wait3A_88, %dma_wait3A_89] : memref<10240x128xf32, #tpu.memory_space<vmem_shared>> -> memref<10240x128xf32, #tpu.memory_space<vmem_shared>>
      tpu.wait_indirect_dma semaphore(%arg19 : memref<!tpu.dma_semaphore, #tpu.memory_space<semaphore_mem>>) src(%arg14 : memref<128x128xf32, #tpu.memory_space<vmem>>) dst(%dma_wait3A_90 : memref<10240x128xf32, #tpu.memory_space<vmem_shared>>)
      %dma_wait3A_91 = arith.constant 0 : i32
      %dma_wait3A_92 = arith.constant 0 : i32
      %dma_wait3A_93 = tpu.memref_slice %arg21[%dma_wait3A_91, %dma_wait3A_92] : memref<10240x128xf32, #tpu.memory_space<vmem_shared>> -> memref<10240x128xf32, #tpu.memory_space<vmem_shared>>
      tpu.wait_indirect_dma semaphore(%arg20 : memref<!tpu.dma_semaphore, #tpu.memory_space<semaphore_mem>>) src(%arg13 : memref<128x128xf32, #tpu.memory_space<vmem>>) dst(%dma_wait3A_93 : memref<10240x128xf32, #tpu.memory_space<vmem_shared>>)
    }
    %scan3A_47 = arith.constant 79 : i32
    %barrier3A_48 = arith.constant 0 : index
    tpu.barrier barrier_id(%barrier3A_48)
    %mul3A_49 = arith.constant 640 : i32
    %mul3A_50 = arith.muli %arg1, %mul3A_49 : i32
    %mul3A_51 = arith.constant 10240 : i32
    %mul3A_52 = arith.muli %arg0, %mul3A_51 : i32
    %mul3A_53 = arith.constant 640 : i32
    %mul3A_54 = arith.muli %arg1, %mul3A_53 : i32
    %add3A_55 = arith.addi %mul3A_52, %mul3A_54 : i32
    "tpu.region"() ({
      %run_scoped3A = tpu.sem_alloc : memref<!tpu.dma_semaphore, #tpu.memory_space<semaphore_mem>>
      %dma_start3A = arith.constant 0 : i32
      %dma_start3A_56 = tpu.memref_slice %arg10[%add3A_55, %dma_start3A] : memref<20480x128xf32, #tpu.memory_space<hbm>> -> memref<640x128xf32, #tpu.memory_space<hbm>>
      %dma_start3A_57 = arith.constant 0 : i32
      %dma_start3A_58 = tpu.memref_slice %arg21[%mul3A_50, %dma_start3A_57] : memref<10240x128xf32, #tpu.memory_space<vmem_shared>> -> memref<640x128xf32, #tpu.memory_space<vmem_shared>>
      tpu.enqueue_dma source(%dma_start3A_58 : memref<640x128xf32, #tpu.memory_space<vmem_shared>>) target(%dma_start3A_56 : memref<640x128xf32, #tpu.memory_space<hbm>>) target_semaphore(%run_scoped3A : memref<!tpu.dma_semaphore, #tpu.memory_space<semaphore_mem>>)
      %dma_wait3A = arith.constant 0 : i32
      %dma_wait3A_59 = tpu.memref_slice %arg10[%add3A_55, %dma_wait3A] : memref<20480x128xf32, #tpu.memory_space<hbm>> -> memref<640x128xf32, #tpu.memory_space<hbm>>
      %dma_wait3A_60 = arith.constant 0 : i32
      %dma_wait3A_61 = tpu.memref_slice %arg21[%mul3A_50, %dma_wait3A_60] : memref<10240x128xf32, #tpu.memory_space<vmem_shared>> -> memref<640x128xf32, #tpu.memory_space<vmem_shared>>
      tpu.wait_dma2 semaphore(%run_scoped3A : memref<!tpu.dma_semaphore, #tpu.memory_space<semaphore_mem>>) src(%dma_wait3A_61 : memref<640x128xf32, #tpu.memory_space<vmem_shared>>) dst(%dma_wait3A_59 : memref<640x128xf32, #tpu.memory_space<hbm>>)
      tpu.yield
    }) : () -> ()
    return
  }
}

module attributes {stable_mosaic.version = 14 : i64} {
  func.func @_normalize_body(%arg0: i32, %arg1: memref<640x128xf32, #tpu.memory_space<vmem>>, %arg2: memref<640x128xf32, #tpu.memory_space<vmem>>) attributes {dimension_semantics = [#tpu.dimension_semantics<arbitrary>], iteration_bounds = array<i64: 16>, scalar_prefetch = 0 : i64, scratch_operands = 0 : i64, tpu.core_type = #tpu.core_type<tc>, window_params = [{transform_indices = @transform_0, window_bounds = array<i64: 640, 128>}, {transform_indices = @transform_1, window_bounds = array<i64: 640, 128>}]} {
    %get3A = arith.constant 0 : index
    %get3A_0 = arith.constant 0 : index
    %get3A_1 = vector.load %arg1[%get3A, %get3A_0] : memref<640x128xf32, #tpu.memory_space<vmem>>, vector<640x128xf32>
    %mul3A = arith.mulf %get3A_1, %get3A_1 : vector<640x128xf32>
    %reduce_sum3A = arith.constant dense<0.000000e+00> : vector<640xf32>
    %reduce_sum3A_2 = vector.multi_reduction <add>, %mul3A, %reduce_sum3A [1] : vector<640x128xf32> to vector<640xf32>
    %broadcast_in_dim3A = vector.shape_cast %reduce_sum3A_2 : vector<640xf32> to vector<640x1xf32>
    %gt3A = arith.constant 0.000000e+00 : f32
    %gt3A_3 = vector.broadcast %gt3A : f32 to vector<640x1xf32>
    %gt3A_4 = arith.cmpf ogt, %broadcast_in_dim3A, %gt3A_3 : vector<640x1xf32>
    %sqrt3A = math.sqrt %broadcast_in_dim3A : vector<640x1xf32>
    %div3A = vector.broadcast %sqrt3A : vector<640x1xf32> to vector<640x128xf32>
    %div3A_5 = arith.divf %get3A_1, %div3A : vector<640x128xf32>
    %jit3A = arith.constant 0.000000e+00 : f32
    %broadcast_in_dim3A_6 = vector.shape_cast %gt3A_4 : vector<640x1xi1> to vector<640x1xi1>
    %broadcast_in_dim3A_7 = vector.broadcast %broadcast_in_dim3A_6 : vector<640x1xi1> to vector<640x128xi1>
    %broadcast_in_dim3A_8 = vector.broadcast %jit3A : f32 to vector<640x128xf32>
    %select_n3A = arith.select %broadcast_in_dim3A_7, %div3A_5, %broadcast_in_dim3A_8 : vector<640x128xi1>, vector<640x128xf32>
    %swap3A = arith.constant 0 : index
    %swap3A_9 = arith.constant 0 : index
    %swap3A_10 = vector.load %arg2[%swap3A, %swap3A_9] : memref<640x128xf32, #tpu.memory_space<vmem>>, vector<640x128xf32>
    tpu.vector_store %arg2[%swap3A, %swap3A_9], %select_n3A {strides = array<i32>} : memref<640x128xf32, #tpu.memory_space<vmem>>, vector<640x128xf32>,
    return
  }
  func.func @transform_0(%arg0: i32) -> (i32, i32) {
    %c0_i32 = arith.constant 0 : i32
    %c0_i32_0 = arith.constant 0 : i32
    return %arg0, %c0_i32 : i32, i32
  }
  func.func @transform_1(%arg0: i32) -> (i32, i32) {
    %c0_i32 = arith.constant 0 : i32
    %c0_i32_0 = arith.constant 0 : i32
    return %arg0, %c0_i32 : i32, i32
  }
}

module attributes {stable_mosaic.version = 14 : i64} {
  func.func @_finish_body(%arg0: i32, %arg1: memref<640x128xf32, #tpu.memory_space<vmem>>, %arg2: memref<640x128xf32, #tpu.memory_space<vmem>>, %arg3: memref<640x128xf32, #tpu.memory_space<vmem>>, %arg4: memref<640x128xf32, #tpu.memory_space<vmem>>) attributes {dimension_semantics = [#tpu.dimension_semantics<arbitrary>], iteration_bounds = array<i64: 16>, scalar_prefetch = 0 : i64, scratch_operands = 0 : i64, tpu.core_type = #tpu.core_type<tc>, window_params = [{transform_indices = @transform_0, window_bounds = array<i64: 640, 128>}, {transform_indices = @transform_1, window_bounds = array<i64: 640, 128>}, {transform_indices = @transform_2, window_bounds = array<i64: 640, 128>}, {transform_indices = @transform_3, window_bounds = array<i64: 640, 128>}]} {
    %get3A = arith.constant 0 : index
    %get3A_0 = arith.constant 0 : index
    %get3A_1 = vector.load %arg1[%get3A, %get3A_0] : memref<640x128xf32, #tpu.memory_space<vmem>>, vector<640x128xf32>
    %get3A_2 = arith.constant 0 : index
    %get3A_3 = arith.constant 0 : index
    %get3A_4 = vector.load %arg2[%get3A_2, %get3A_3] : memref<640x128xf32, #tpu.memory_space<vmem>>, vector<640x128xf32>
    %get3A_5 = arith.constant 0 : index
    %get3A_6 = arith.constant 0 : index
    %get3A_7 = vector.load %arg3[%get3A_5, %get3A_6] : memref<640x128xf32, #tpu.memory_space<vmem>>, vector<640x128xf32>
    %add3A = arith.addf %get3A_4, %get3A_7 : vector<640x128xf32>
    %neg3A = arith.constant 0.000000e+00 : f32
    %neg3A_8 = vector.broadcast %neg3A : f32 to vector<640x128xf32>
    %neg3A_9 = arith.subf %neg3A_8, %add3A : vector<640x128xf32>
    %mul3A = arith.mulf %get3A_1, %add3A : vector<640x128xf32>
    %reduce_sum3A = arith.constant dense<0.000000e+00> : vector<640xf32>
    %reduce_sum3A_10 = vector.multi_reduction <add>, %mul3A, %reduce_sum3A [1] : vector<640x128xf32> to vector<640xf32>
    %broadcast_in_dim3A = vector.shape_cast %reduce_sum3A_10 : vector<640xf32> to vector<640x1xf32>
    %mul3A_11 = vector.broadcast %broadcast_in_dim3A : vector<640x1xf32> to vector<640x128xf32>
    %mul3A_12 = arith.mulf %get3A_1, %mul3A_11 : vector<640x128xf32>
    %add3A_13 = arith.addf %neg3A_9, %mul3A_12 : vector<640x128xf32>
    %swap3A = arith.constant 0 : index
    %swap3A_14 = arith.constant 0 : index
    %swap3A_15 = vector.load %arg4[%swap3A, %swap3A_14] : memref<640x128xf32, #tpu.memory_space<vmem>>, vector<640x128xf32>
    tpu.vector_store %arg4[%swap3A, %swap3A_14], %add3A_13 {strides = array<i32>} : memref<640x128xf32, #tpu.memory_space<vmem>>, vector<640x128xf32>,
    return
  }
  func.func @transform_0(%arg0: i32) -> (i32, i32) {
    %c0_i32 = arith.constant 0 : i32
    %c0_i32_0 = arith.constant 0 : i32
    return %arg0, %c0_i32 : i32, i32
  }
  func.func @transform_1(%arg0: i32) -> (i32, i32) {
    %c0_i32 = arith.constant 0 : i32
    %c0_i32_0 = arith.constant 0 : i32
    return %arg0, %c0_i32 : i32, i32
  }
  func.func @transform_2(%arg0: i32) -> (i32, i32) {
    %c0_i32 = arith.constant 0 : i32
    %c0_i32_0 = arith.constant 0 : i32
    return %arg0, %c0_i32 : i32, i32
  }
  func.func @transform_3(%arg0: i32) -> (i32, i32) {
    %c0_i32 = arith.constant 0 : i32
    %c0_i32_0 = arith.constant 0 : i32
    return %arg0, %c0_i32 : i32, i32
  }
}

</mosaic_0001>

<sc_bundles>
// kernel: kernel.5.cloned.1.call-start
scs
__scs_entry_jumppad:
0x0: {  	(pc) =	sbr.rel $0x88, $3  }
0x1: {  	(tag) =	ssettag $0x0;
	lr =	simm.s32 $0x1  }
0x2: {  	[smem:$0x3F9B] =	sst lr;
	_ =	strace $0xD0000000  }
0x3: {  	_ = 	snop  }
0x4: {  	_ = 	snop  }
0x5: {  	_ = 	snop  }
0x6: {  	_ = 	snop  }
0x7: {  	_ = 	snop  }
__scs_overlays_trampoline_lowered:
0x8: {  	[smem:$0x3FAA] =	sst s0  }
0x9: {  	[smem:$0x3FAB] =	sst s1  }
0xa: {  	[smem:$0x3FAC] =	sst s2  }
0xb: {  	[smem:$0x3FAD] =	sst s3  }
0xc: {  	[smem:$0x3FAE] =	sst s4  }
0xd: {  	[smem:$0x3FAF] =	sst s5  }
0xe: {  	[smem:$0x3FB0] =	sst s6  }
0xf: {  	[smem:$0x3FB1] =	sst s7  }
0x10: {  	[smem:$0x3FB2] =	sst s8  }
0x11: {  	[smem:$0x3FB3] =	sst s9;
	s0 =	simm.s32 @!p0 $0x0  }
0x12: {  	s1 =	sld [smem:$0x3F99];
	s0 =	simm.s32 @p0 $0x1  }
0x13: {  	[smem:$0x3FB4] =	sst s0;
	s0 =	simm.s32 @!p1 $0x0  }
0x14: {  	s2 =	sld [smem:$0x3F98];
	s0 =	simm.s32 @p1 $0x1  }
0x15: {  	[smem:$0x3FB5] =	sst s0;
	s0 =	simm.s32 @!p2 $0x0  }
0x16: {  	s3 =	sld [smem:$0x3FDB];
	s0 =	simm.s32 @p2 $0x1  }
0x17: {  	s4 =	simm.s32 $0x1BF5;
	[smem:$0x3FB7] =	sst s0  }
0x18: {  	s0 =	sld [smem:$0x3F9A];
	_ =	swait.ge [sflag:s4], $0x0  }
0x19: {  	s7 =	sld [smem:$0x3F9B]  }
0x1a: {  	s8 =	sadd.s32 $0xFFFFE003, lr  }
0x1b: {  	s9 =	sadd.s32 $0xFFFFFEF7, lr;
	s5 =	simm.s32 $0xFFFFFFFF;
	p2 =	slt.u32 s8, $0xFFFFF086  }
0x1c: {  	p1 =	slt.u32 s9, $0xF7A;
	s5 =	simm.s32 @!p2 $0x0  }
0x1d: {  	s5 =	simm.s32 @p1 $0x1;
	p0 =	seq.s32 s7, s2  }
0x1e: {  	s7 =	smul.u32 @!p0 $0xF7A, s2;
	p2 =	seq.s32 @!p0 s5, $0x0  }
0x1f: {  	s9 =	smul.u32 $0xF7A, s1;
	s8 =	simm.s32 @!p0 $0x1BF5;
	p2 =	por !p2, p0  }
0x20: {  	[sflag:s8] =	ssyncset.s32 @!p0 $0xFFFFF086;
	s6 =	sadd.s32 @!p0 s3, s7;
	s7 =	simm.s32 @!p0 $0x108  }
0x21: {  	s3 =	sadd.s32 s3, s9;
	s6 =	sadd.s32 @!p0 $0x88, s6;
	s7 =	simm.s32 @p2 $0x1082  }
0x22: {  	[simem:s7], [sflag:s8] =	dma.local @!p0 [hbm:s6], $0xF7A  }
0x23: {  	s9 =	sor.u32 $0xD0000000, s2;
	s6 =	simm.s32 $0x108;
	_ =	swait.ge @!p0 [sflag:s8], $0x0  }
0x24: {  	s3 =	sadd.s32 $0x88, s3;
	s6 =	simm.s32 @!p1 $0x1082;
	[sflag:s4] =	ssyncset.s32 $0xFFFFF086  }
0x25: {  	[simem:s6], [sflag:s4] =	dma.local [hbm:s3], $0xF7A  }
0x26: {  	[smem:$0x3F9B] =	sst s1;
	(tag) =	ssettag s2;
	_ =	strace s9  }
0x27: {  	s1 =	sld [smem:$0x3FAB]  }
0x28: {  	s2 =	sld [smem:$0x3FAC]  }
0x29: {  	s4 =	sld [smem:$0x3FAE]  }
0x2a: {  	p0 =	seq.s32 s5, $0x0;
	s5 =	sld [smem:$0x3FAF]  }
0x2b: {  	s6 =	sld [smem:$0x3FB0]  }
0x2c: {  	s7 =	sld [smem:$0x3FB1]  }
0x2d: {  	s3 =	simm.s32 $0x108;
	s8 =	sld [smem:$0x3FB2]  }
0x2e: {  	s3 =	simm.s32 @!p0 $0x1082;
	s9 =	sld [smem:$0x3FB3]  }
0x2f: {  	lr =	sadd.s32 s0, s3;
	s0 =	sld [smem:$0x3FAA]  }
0x30: {  	s3 =	sld [smem:$0x3FAD]  }
0x31: {  	[smem:$0x3FB6] =	sst s10  }
0x32: {  	s10 =	sld [smem:$0x3FB4];
	_ =	sdelay $0x3  }
0x33: {  	p0 =	seq.s32 s10, $0x1;
	s10 =	sld [smem:$0x3FB6];
	_ =	sdelay $0x3  }
0x34: {  	[smem:$0x3FB6] =	sst s10  }
0x35: {  	s10 =	sld [smem:$0x3FB5];
	_ =	sdelay $0x3  }
0x36: {  	p1 =	seq.s32 s10, $0x1;
	s10 =	sld [smem:$0x3FB6];
	_ =	sdelay $0x3  }
0x37: {  	[smem:$0x3FB6] =	sst s10  }
0x38: {  	s10 =	sld [smem:$0x3FB7]  }
0x39: {  	_ = 	snop;
	(pc) =	sbr.ind lr, $3  }
0x3a: {  	_ = 	snop  }
0x3b: {  	_ = 	snop  }
0x3c: {  	p2 =	seq.s32 s10, $0x1;
	s10 =	sld [smem:$0x3FB6]  }
0x3d: {  	_ =	shalt  }
0x3e: {  	_ =	shalt  }
0x3f: {  	_ =	shalt  }
0x40: {  	_ =	shalt  }
0x41: {  	_ =	shalt  }
0x42: {  	_ =	shalt  }
0x43: {  	_ =	shalt  }
0x44: {  	_ =	shalt  }
0x45: {  	_ =	shalt  }
0x46: {  	_ =	shalt  }
0x47: {  	_ =	shalt  }
0x48: {  	_ =	shalt  }
0x49: {  	_ =	shalt  }
0x4a: {  	_ =	shalt  }
0x4b: {  	_ =	shalt  }
0x4c: {  	_ =	shalt  }
0x4d: {  	_ =	shalt  }
0x4e: {  	_ =	shalt  }
0x4f: {  	_ =	shalt  }
0x50: {  	_ =	shalt  }
0x51: {  	_ =	shalt  }
0x52: {  	_ =	shalt  }
0x53: {  	_ =	shalt  }
0x54: {  	_ =	shalt  }
0x55: {  	_ =	shalt  }
0x56: {  	_ =	shalt  }
0x57: {  	_ =	shalt  }
0x58: {  	_ =	shalt  }
0x59: {  	_ =	shalt  }
0x5a: {  	_ =	shalt  }
0x5b: {  	_ =	shalt  }
0x5c: {  	_ =	shalt  }
0x5d: {  	_ =	shalt  }
0x5e: {  	_ =	shalt  }
0x5f: {  	_ =	shalt  }
0x60: {  	_ =	shalt  }
0x61: {  	_ =	shalt  }
0x62: {  	_ =	shalt  }
0x63: {  	_ =	shalt  }
0x64: {  	_ =	shalt  }
0x65: {  	_ =	shalt  }
0x66: {  	_ =	shalt  }
0x67: {  	_ =	shalt  }
0x68: {  	_ =	shalt  }
0x69: {  	_ =	shalt  }
0x6a: {  	_ =	shalt  }
0x6b: {  	_ =	shalt  }
0x6c: {  	_ =	shalt  }
0x6d: {  	_ =	shalt  }
0x6e: {  	_ =	shalt  }
0x6f: {  	_ =	shalt  }
0x70: {  	_ =	shalt  }
0x71: {  	_ =	shalt  }
0x72: {  	_ =	shalt  }
0x73: {  	_ =	shalt  }
0x74: {  	_ =	shalt  }
0x75: {  	_ =	shalt  }
0x76: {  	_ =	shalt  }
0x77: {  	_ =	shalt  }
0x78: {  	_ =	shalt  }
0x79: {  	_ =	shalt  }
0x7a: {  	_ =	shalt  }
0x7b: {  	_ =	shalt  }
0x7c: {  	_ =	shalt  }
0x7d: {  	_ =	shalt  }
0x7e: {  	_ =	shalt  }
0x7f: {  	_ =	shalt  }
0x80: {  	_ =	shalt  }
0x81: {  	_ =	shalt  }
0x82: {  	_ =	shalt  }
0x83: {  	_ =	shalt  }
0x84: {  	_ =	shalt  }
0x85: {  	_ =	shalt  }
0x86: {  	_ =	shalt  }
0x87: {  	_ =	shalt  }
.Lfunc_end0:
.L_simem_size_0:
called_computation_lowered:
.L_overlay_start_0:
0x88: {  	s2 =	sld [smem:$0x3FD9]  }
0x89: {  	s3 =	sld [smem:$0x3FFE];
	_ =	sdelay $0x1  }
0x8a: {  	s1 =	srdreg.scid  }
0x8b: {  	s0 =	sand.u32 $0x1, s1  }
0x8c: {  	s17 =	sshll.u32 s0, $0xA;
	s2 =	sadd.s32 s3, s2  }
0x8d: {  	s2 =	sadd.s32 s2, s17  }
0x8e: {  	[smem:$0x3FC2] =	sst s2  }
0x8f: {  	_ = 	snop  }
0x90: {  	s2 =	sld [smem:$0x3FC7]  }
0x91: {  	s18 =	sld [smem:$0x3FC6]  }
0x92: {  	s4 =	sld [smem:$0x3FC5]  }
0x93: {  	s5 =	sld [smem:$0x3FD0];
	(tm) =	ssettm $0x1  }
0x94: {  	s6 =	sld [smem:$0x3FFB];
	_ =	sdelay $0x3  }
0x95: {  	_ =	strace s6  }
0x96: {  	s6 =	sld [smem:$0x3FFC];
	_ =	sdelay $0x3  }
0x97: {  	_ =	strace s6  }
0x98: {  	s6 =	sld [smem:$0x3FFD];
	_ =	sdelay $0x3  }
0x99: {  	_ =	strace s6  }
0x9a: {  	_ =	strace $0x8FFFFFFF  }
0x9b: {  	s19 =	sld [smem:$0x3FDB];
	_ =	sdelay $0x1  }
0x9c: {  	s7 =	simm.s32 $_scs_section_size  }
0x9d: {  	s8 =	simm.s32 $_size__tile_overlayer_lowered;
	s9 =	simm.s32 $_tile_overlayer_lowered  }
0x9e: {  	s22 =	simm.s32 $0x1BFF;
	s21 =	sshll.u32 s9, $0x1;
	s6 =	sadd.s32 s7, s19  }
0x9f: {  	s10 =	simm.s32 $0x0;
	s20 =	sshll.u32 s8, $0x1;
	s8 =	sadd.s32 s21, s6  }
0xa0: {  	[timem:s10], [sflag:s22] =	dma.local [hbm:s8], s20  }
0xa1: {  	_ =	swait.ge [sflag:s22], s20  }
0xa2: {  	s7 =	ssub.s32 $0x0, s20;
	[sflag:s22] =	ssyncset.done $0x0  }
0xa3: {  	[sflag:s22] =	ssyncadd.s32 s7;
	_ =	sdelay $0x1  }
0xa4: {  	s23 =	simm.s32 $0x1B8B  }
0xa5: {  	_ =	swait.ge [sflag:s23], $0x1  }
0xa6: {  	[sflag:s23] =	ssyncset.done $0x0  }
0xa7: {  	s25 =	simm.s32 $0x1B8E;
	s24 =	sld [smem:$0x3FFE];
	[sflag:s23] =	ssyncadd.s32 $0xFFFFFFFF  }
0xa8: {  	s26 =	simm.s32 $execute0_lowered;
	[smem:$0x3FD2] =	sst s25  }
0xa9: {  	s8 =	sshll.u32 s26, $0x1;
	_ =	strace $0x80000046;
	[dreg:$0x1] =	wrdreg $0xFFFFFFFF  }
0xaa: {  	s28 =	simm.s32 $_size_execute0_lowered;
	s6 =	sadd.s32 s6, s8;
	[dreg:$0x0] =	wrdreg $0x0  }
0xab: {  	s8 =	sshll.u32 s28, $0x1;
	[dreg:$0x2] =	wrdreg s6  }
0xac: {  	[dreg:$0x3] =	wrdreg s8  }
0xad: {  	[dreg:$0x4] =	wrdreg $0xC0  }
0xae: {  	_ =	task [dreg:s10], $0x5FFFF  }
0xaf: {  	[dreg:$0x1] =	wrdreg $0xFFFFFFFF  }
0xb0: {  	[dreg:$0x0] =	wrdreg $0x60  }
0xb1: {  	[dreg:$0x2] =	wrdreg s24  }
0xb2: {  	[dreg:$0x3] =	wrdreg s5  }
0xb3: {  	[dreg:$0x4] =	wrdreg s2  }
0xb4: {  	[dreg:$0x5] =	wrdreg s18  }
0xb5: {  	[dreg:$0x6] =	wrdreg s4  }
0xb6: {  	[dreg:$0x7] =	wrdreg $0x83000  }
0xb7: {  	[dreg:$0x8] =	wrdreg $0x9  }
0xb8: {  	_ =	task.clear_ibuf [dreg:s10], $0x9FFFF;
	_ =	strace $0x90000046  }
0xb9: {  	s29 =	simm.s32 $0x9;
	_ =	strace $0x80000048  }
0xba: {  	_ =	swait.ge [sflag:s29], $0x1  }
0xbb: {  	[sflag:s29] =	ssyncadd.s32 $0xFFFFFFFF  }
0xbc: {  	_ =	strace $0x90000048  }
0xbd: {  	_ =	sfence  }
0xbe: {  	s30 =	sld [smem:$0x0];
	_ =	sdelay $0x2  }
0xbf: {  	s31 =	sshll.u32 s1, $0xD;
	s1 =	sshrl.u32 s1, $0x2  }
0xc0: {  	s3 =	sand.u32 $0x4000, s31;
	s1 =	sadd.s32 s1, s30  }
0xc1: {  	s0 =	sor.u32 s3, s0;
	s1 =	sshll.u32 s1, $0x11  }
0xc2: {  	s0 =	sor.u32 s1, s0  }
0xc3: {  	s0 =	sadd.s32 $0x8F2B, s0  }
0xc4: {  	[sflag:s0] =	ssyncadd.remote.s32 $0x1  }
0xc5: {  	_ =	sfence.sel $0xFFFF  }
0xc6: {  	[dreg:$0x0] =	wrdreg $0xFFFFFFFF;
	(pc) =	sbr.abs _section_cstart, $3  }
0xc7: {  	[dreg:$0x1] =	wrdreg $0xFFFFFFFF  }
0xc8: {  	_ =	task.clear_ibuf [dreg:s10], $0x2FFFF;
	_ =	strace $0x9FFFFFFF  }
0xc9: {  	(tm) =	ssettm $0x7FFFFFFF  }
tec
execute0_lowered:
.L_overlay_start_1:
0x0: {  	(tag) =	ssettag $0x1  }
0x1: {  	s0 =	rddreg [dreg:$0x0]  }
0x2: {  	s1 =	rddreg [dreg:$0x1]  }
0x3: {  	s5 =	rddreg [dreg:$0x5];
	s7 =	simm.s32 $0x0;
	v0 =	vimm.s32 $0xEFCDAB89  }
0x4: {  	s13 =	stileid.u32;
	s2 =	srdreg.scid;
	v1 =	vimm.s32 $0x67452301;
	v2 =	vimm.s32 $0xDCFE98BA;
	v3 =	vimm.s32 $0x54761032;
	s17 =	simm.s32 $0x3  }
0x5: {  	v4 =	vimm.s32 $0xBA98FEDC;
	s18 =	simm.s32 $0x8100;
	s19 =	simm.s32 $0x8180;
	s20 =	simm.s32 $0x8200  }
0x6: {  	v5 =	vimm.s32 $0x32107654;
	v6 =	vimm.s32 $0xFEDCBA98;
	s21 =	simm.s32 $0x8280;
	s22 =	simm.s32 $0x80;
	s23 =	simm.s32 $0x1  }
0x7: {  	v7 =	vimm.s32 $0x76543210;
	s24 =	simm.s32 $0x2;
	s25 =	simm.s32 $0x100;
	s28 =	simm.s32 $0x0;
	v0 =	vunpack.c.l.s4.s8 v0;
	v1 =	vunpack.c.l.s4.s8 v1  }
0x8: {  	[smem:$0x7FF] =	sst s7;
	s3 =	smul.u32 $0x2800, s13;
	s2 =	sand.u32 $0x1, s2;
	v2 =	vunpack.c.l.s4.s8 v2;
	v4 =	vunpack.c.l.s4.s8 v4;
	v5 =	vunpack.c.l.s4.s8 v5  }
0x9: {  	s8 =	sadd.s32 $0xA800, s0;
	s9 =	sadd.s32 $0xA00, s0;
	s10 =	sadd.s32 $0x32800, s0;
	v3 =	vunpack.c.l.s4.s8 v3;
	v6 =	vunpack.c.l.s4.s8 v6;
	v7 =	vunpack.c.l.s4.s8 v7  }
0xa: {  	s12 =	smul.u32 $0x50000, s13;
	s31 =	sshll.u32 s13, $0x6;
	_ =	strace $0x80000047;
	v0 =	vunpack.c.0.s8.s32 v0;
	v4 =	vunpack.c.0.s8.s32 v4;
	v5 =	vunpack.c.0.s8.s32 v5  }
0xb: {  	s4 =	smul.u32 $0x28000, s2;
	s11 =	ssub.s32 $0x2, s2;
	s2 =	sshll.u32 s2, $0x4;
	v1 =	vunpack.c.0.s8.s32 v1;
	v2 =	vunpack.c.0.s8.s32 v2;
	v54 =	vunpack.c.0.s8.s32 v6  }
0xc: {  	s6 =	sadd.s32 s3, s0;
	s26 =	sshrl.u32 s11, $0x1;
	s2 =	sor.u32 s13, s2;
	v3 =	vunpack.c.0.s8.s32 v3;
	v55 =	vcombine.low v5, v4;
	v4 =	vunpack.c.0.s8.s32 v7  }
0xd: {  	s30 =	sshrl.u32 s12, $0x2;
	s12 =	sor.u32 $0x1C03, s31;
	s3 =	sadd.s32 s3, s4;
	v0 =	vcombine.low v1, v0;
	v5 =	vand.u32 $0xF, v54  }
0xe: {  	s29 =	ssub.s32 s11, s26;
	s4 =	sadd.s32 s30, s5;
	s11 =	sadd.s32 $0x32A00, s6;
	v2 =	vcombine.low v3, v2;
	v7 =	vcombine.low v5, v4  }
0xf: {  	s13 =	smul.u32 $0x4F, s2;
	s26 =	simm.s32 $0x4100;
	s0 =	sadd.s32 s3, s0  }
0x10: {  	s15 =	smax.u32 s29, $0x1;
	s16 =	sshrl.u32 s4, $0x3;
	s14 =	sadd.s32 $0x5AA00, s0;
	v58 =	vand.u32 $0xF, v0;
	v61 =	vand.u32 $0xF, v2;
	v63 =	vand.u32 $0xF, v55;
	[tilespmem:$0x1FFF0] =	vst v7  }
.LBB2_1:
0x11: {  	[spmem:s16], [sflag:s12] =	dma.local [hbm:s11], $0x2800  }
0x12: {  	_ =	swait.ge [sflag:s17], $0x2800  }
0x13: {  	[sflag:s17] =	ssyncset.done $0x0  }
0x14: {  	[sflag:s17] =	ssyncadd.s32 $0xFFFFD800  }
0x15: {  	s0 =	rddreg [dreg:$0x2]  }
0x16: {  	[tilespmem:s18], [sflag:$0x3] =	stream.linear.gather [hbm4b:s0+s7], $0x80, $0x38;
	[tilespmem:$0x1C300] =	vst v63  }
0x17: {  	_ =	swait.ge [sflag:s17], $0x80  }
0x18: {  	[sflag:s17] =	ssyncset.done $0x0  }
0x19: {  	[sflag:s17] =	ssyncadd.s32 $0xFFFFFF80  }
0x1a: {  	s30 =	rddreg [dreg:$0x3]  }
0x1b: {  	[tilespmem:s19], [sflag:$0x3] =	stream.linear.gather [hbm4b:s30+s7], $0x80, $0x38;
	[tilespmem:$0x1C300] =	vst v63  }
0x1c: {  	_ =	swait.ge [sflag:s17], $0x80  }
0x1d: {  	[sflag:s17] =	ssyncset.done $0x0  }
0x1e: {  	[sflag:s17] =	ssyncadd.s32 $0xFFFFFF80  }
0x1f: {  	s31 =	rddreg [dreg:$0x4]  }
0x20: {  	[tilespmem:s20], [sflag:$0x3] =	stream.linear.gather [hbm4b:s31+s7], $0x80, $0x38;
	[tilespmem:$0x1C300] =	vst v63  }
0x21: {  	_ =	swait.ge [sflag:s17], $0x80  }
0x22: {  	[sflag:s17] =	ssyncset.done $0x0  }
0x23: {  	[sflag:s17] =	ssyncadd.s32 $0xFFFFFF80  }
0x24: {  	[tilespmem:s21], [sflag:$0x3] =	stream.linear.gather [hbm4b:s10+s7], $0x80, $0x38;
	[tilespmem:$0x1C300] =	vst v63  }
0x25: {  	_ =	swait.ge [sflag:s17], $0x80  }
0x26: {  	[sflag:s17] =	ssyncset.done $0x0  }
0x27: {  	[sflag:s17] =	ssyncadd.s32 $0xFFFFFF80  }
0x28: {  	[bflag:$0x0] =	sbarrier.arrive $0xFFFF  }
0x29: {  	v4 =	vld [tilespmem:$0x8230]  }
0x2a: {  	v57 =	vld [tilespmem:$0x8180]  }
0x2b: {  	v59 =	vld [tilespmem:$0x8100]  }
0x2c: {  	v60 =	vld [tilespmem:$0x8110]  }
0x2d: {  	v2 =	vld [tilespmem:$0x8120]  }
0x2e: {  	v11 =	vld [tilespmem:$0x8190];
	[tilespmem:$0x1FF20] =	vst v4  }
0x2f: {  	v14 =	vld [tilespmem:$0x81A0];
	[tilespmem:$0x1FF40] =	vst v57  }
0x30: {  	v3 =	vld [tilespmem:$0x8130];
	[tilespmem:$0x1FF50] =	vst v59  }
0x31: {  	v33 =	vld [tilespmem:$0x81B0];
	[tilespmem:$0x1FF60] =	vst v60  }
0x32: {  	v46 =	vld [tilespmem:$0x8200];
	[tilespmem:$0x1FF70] =	vst v2  }
0x33: {  	v55 =	vld [tilespmem:$0x8210];
	[tilespmem:$0x1FF80] =	vst v11  }
0x34: {  	v56 =	vld [tilespmem:$0x8220];
	[tilespmem:$0x1FF90] =	vst v14  }
0x35: {  	v4 =	vld [tilespmem:$0x8280];
	[tilespmem:$0x1FFA0] =	vst v3  }
0x36: {  	[tilespmem:$0x1FFB0] =	vst v33  }
0x37: {  	[tilespmem:$0x1FFC0] =	vst v46  }
0x38: {  	[tilespmem:$0x1FFD0] =	vst v55  }
0x39: {  	[tilespmem:$0x1FFE0] =	vst v56  }
0x3a: {  	s29 =	simm.s32 $0x0;
	[tilespmem:$0x1FF30] =	vst v4  }
.LBB2_2:
0x3b: {  	s0 =	sadd.s32 s13, s29  }
0x3c: {  	s0 =	sshll.u32 s0, $0x4  }
0x3d: {  	s2 =	sadd.s32 s1, s0  }
0x3e: {  	[tilespmem:s7], [sflag:$0x1] =	stream.linear.gather [hbm4b:s2+s7], $0x80, $0x38;
	[tilespmem:$0x1C300] =	vst v63  }
0x3f: {  	s0 =	sadd.s32 s9, s0  }
0x40: {  	[tilespmem:s22], [sflag:$0x2] =	stream.linear.gather [hbm4b:s0+s7], $0x80, $0x38;
	[tilespmem:$0x1C300] =	vst v63  }
0x41: {  	_ =	swait.ge [sflag:s23], $0x80  }
0x42: {  	[sflag:s23] =	ssyncset.done $0x0  }
0x43: {  	[sflag:s23] =	ssyncadd.s32 $0xFFFFFF80  }
0x44: {  	_ =	swait.ge [sflag:s24], $0x80  }
0x45: {  	[sflag:s24] =	ssyncset.done $0x0  }
0x46: {  	[sflag:s24] =	ssyncadd.s32 $0xFFFFFF80  }
0x47: {  	[tilespmem:s25], [sflag:$0x1] =	stream.indirect.gather [hbm4b:s8+s22], $0x80, s7, s22, $0xb8;
	[tilespmem:$0x1C300] =	vst v63  }
0x48: {  	_ = 	snop  }
0x49: {  	[tilespmem:s26], [sflag:$0x2] =	stream.indirect.gather [hbm4b:s8+s22], $0x80, s22, s22, $0xb8;
	[tilespmem:$0x1C300] =	vst v63  }
0x4a: {  	_ =	swait.ge [sflag:s23], $0x4000  }
0x4b: {  	[sflag:s23] =	ssyncset.done $0x0  }
0x4c: {  	[sflag:s23] =	ssyncadd.s32 $0xFFFFC000  }
0x4d: {  	_ =	swait.ge [sflag:s24], $0x4000  }
0x4e: {  	[sflag:s24] =	ssyncset.done $0x0  }
0x4f: {  	s30 =	simm.s32 $0x200;
	[sflag:s24] =	ssyncadd.s32 $0xFFFFC000  }
0x50: {  	v30 =	vld [tilespmem:s30+$0x80]  }
0x51: {  	s31 =	simm.s32 $0x4200;
	v28 =	vld [tilespmem:s30+$0x90]  }
0x52: {  	v32 =	vld [tilespmem:s31+$0x80]  }
0x53: {  	v31 =	vld [tilespmem:s31+$0x90]  }
0x54: {  	v26 =	vld [tilespmem:s30+$0xA0]  }
0x55: {  	v29 =	vld [tilespmem:s31+$0xA0]  }
0x56: {  	v22 =	vld [tilespmem:s30+$0xB0]  }
0x57: {  	v27 =	vld [tilespmem:s31+$0xB0]  }
0x58: {  	v9 =	vld [tilespmem:s30+$0xC0];
	v4 =	vmul.f32 v32, v30;
	v5 =	vmul.f32 v31, v28  }
0x59: {  	v24 =	vld [tilespmem:s31+$0xC0]  }
0x5a: {  	v21 =	vld [tilespmem:s30+$0xD0];
	v4 =	vadd.f32 v5, v4;
	v5 =	vmul.f32 v29, v26  }
0x5b: {  	v25 =	vld [tilespmem:s31+$0xD0]  }
0x5c: {  	v19 =	vld [tilespmem:s30+$0xE0];
	v4 =	vadd.f32 v5, v4;
	v5 =	vmul.f32 v27, v22  }
0x5d: {  	v23 =	vld [tilespmem:s31+$0xE0]  }
0x5e: {  	v6 =	vld [tilespmem:s30+$0xF0];
	v4 =	vadd.f32 v5, v4;
	v5 =	vmul.f32 v24, v9  }
0x5f: {  	v20 =	vld [tilespmem:s31+$0xF0]  }
0x60: {  	v4 =	vadd.f32 v5, v4;
	v5 =	vmul.f32 v25, v21;
	_ =	sdelay $0x1  }
0x61: {  	v4 =	vadd.f32 v5, v4;
	v5 =	vmul.f32 v23, v19;
	_ =	sdelay $0x1  }
0x62: {  	v4 =	vadd.f32 v5, v4;
	v5 =	vmul.f32 v20, v6;
	_ =	sdelay $0x1  }
0x63: {  	v4 =	vadd.f32 v5, v4;
	_ =	sdelay $0x1  }
0x64: {  	v15 =	vld [tilespmem:s30+$0xFFFFFF10];
	v5 =	vperm.xlane v4, v58;
	_ =	sdelay $0x1  }
0x65: {  	v4 =	vadd.f32 v4, v5;
	_ =	sdelay $0x1  }
0x66: {  	v5 =	vperm.xlane v4, v61  }
0x67: {  	[tilespmem:$0x1F840] =	vst v15  }
0x68: {  	v34 =	vld [tilespmem:s30+$0xFFFFFF80];
	v4 =	vadd.f32 v4, v5;
	_ =	sdelay $0x1  }
0x69: {  	v5 =	vperm.xlane v4, v63;
	_ =	sdelay $0x1  }
0x6a: {  	v36 =	vld [tilespmem:s31+$0xFFFFFF00];
	v4 =	vadd.f32 v4, v5  }
0x6b: {  	v37 =	vld [tilespmem:s31+$0xFFFFFF10];
	[tilespmem:$0x1F9C0] =	vst v34  }
0x6c: {  	v5 =	vperm.xlane v4, v7;
	v7 =	vld [tilespmem:s30+$0xFFFFFF90];
	_ =	sdelay $0x4  }
0x6d: {  	[tilespmem:$0x1F9F0] =	vst v7  }
0x6e: {  	v35 =	vld [tilespmem:s31+$0xFFFFFF80];
	_ =	sdelay $0x4  }
0x6f: {  	[tilespmem:$0x1F9B0] =	vst v35  }
0x70: {  	v39 =	vld [tilespmem:s31+$0xFFFFFF90];
	_ =	sdelay $0x4  }
0x71: {  	[tilespmem:$0x1F9E0] =	vst v39  }
0x72: {  	v0 =	vld [tilespmem:s30+$0xFFFFFF20]  }
0x73: {  	v4 =	vadd.f32 v4, v5;
	_ =	sdelay $0x1  }
0x74: {  	v8 =	vmul.f32 v4, v60;
	_ =	sdelay $0x1  }
0x75: {  	v5 =	vmul.f32 v4, v59;
	v13 =	vadd.f32 v8, v11;
	v8 =	vld [tilespmem:s30+$0xFFFFFF00];
	[tilespmem:$0x1F890] =	vst v0  }
0x76: {  	v1 =	vld [tilespmem:s30+$0xFFFFFF30]  }
0x77: {  	v12 =	vadd.f32 v5, v57;
	_ =	sdelay $0x1  }
0x78: {  	v5 =	vmul.f32 v4, v2;
	v10 =	vmul.f32 v12, v12;
	_ =	sdelay $0x1  }
0x79: {  	v48 =	vmovc v14;
	v5 =	vadd.f32 v5, v14;
	v14 =	vmul.f32 v37, v15;
	v15 =	vmin.f32 v10, $2.500000000e+01;
	v10 =	vld [tilespmem:s31+$0xFFFFFF20];
	[tilespmem:$0x1F8D0] =	vst v1  }
0x7a: {  	v51 =	vld [tilespmem:s31+$0xFFFFFF30];
	_ =	sdelay $0x4  }
0x7b: {  	[tilespmem:$0x1F8A0] =	vst v51  }
0x7c: {  	v42 =	vmul.f32 v51, v1;
	v1 =	vld [tilespmem:s30+$0x0];
	_ =	sdelay $0x4  }
0x7d: {  	[tilespmem:$0x1FE00] =	vst v1  }
0x7e: {  	v49 =	vmov v2;
	v2 =	vld [tilespmem:s30+$0xFFFFFFA0];
	_ =	sdelay $0x1  }
0x7f: {  	v50 =	vmov v11;
	v11 =	vmul.f32 v13, v13  }
0x80: {  	v16 =	vmul.f32 v5, v5  }
0x81: {  	v4 =	vmul.f32 v4, v3;
	v18 =	vmin.f32 v11, $2.500000000e+01;
	v17 =	vmul.f32 $2.800000000e+01, v15  }
0x82: {  	v45 =	vmul.f32 $2.800000000e+01, v18;
	v16 =	vmin.f32 v16, $2.500000000e+01;
	v41 =	vmul.f32 v10, v0;
	v0 =	vld [tilespmem:s30+$0x10];
	[tilespmem:$0x1FA10] =	vst v2  }
0x83: {  	v17 =	vadd.f32 $3.150000000e+03, v17;
	v52 =	vmul.f32 $2.800000000e+01, v16;
	v11 =	vld [tilespmem:s31+$0xFFFFFFA0]  }
0x84: {  	v47 =	vmovc v3;
	v3 =	vmovc v33;
	v4 =	vadd.f32 v4, v33;
	v33 =	vmul.f32 v35, v34;
	v34 =	vadd.f32 $3.150000000e+03, v45  }
0x85: {  	v17 =	vmul.f32 v17, v15;
	v35 =	vadd.f32 $3.150000000e+03, v52  }
0x86: {  	v34 =	vmul.f32 v34, v18  }
0x87: {  	v17 =	vadd.f32 $6.237000000e+04, v17;
	v35 =	vmul.f32 v35, v16  }
0x88: {  	v34 =	vadd.f32 $6.237000000e+04, v34;
	[tilespmem:$0x1FA00] =	vst v11  }
0x89: {  	v39 =	vmul.f32 v39, v7;
	v17 =	vmul.f32 v17, v15;
	v35 =	vadd.f32 $6.237000000e+04, v35;
	v7 =	vld [tilespmem:s30+$0xFFFFFFB0]  }
0x8a: {  	v34 =	vmul.f32 v34, v18  }
0x8b: {  	v17 =	vadd.f32 $1.351350000e+05, v17;
	v35 =	vmul.f32 v35, v16  }
0x8c: {  	v34 =	vadd.f32 $1.351350000e+05, v34  }
0x8d: {  	v35 =	vadd.f32 $1.351350000e+05, v35;
	(erf) = vrcp.f32 v17  }
0x8e: {  	(erf) = vrcp.f32 v34;
	[tilespmem:$0x1FA30] =	vst v7  }
0x8f: {  	(erf) = vrcp.f32 v35;
	v35 =	vld [tilespmem:s31+$0xFFFFFFB0];
	_ =	sdelay $0x4  }
0x90: {  	[tilespmem:$0x1FA20] =	vst v35  }
0x91: {  	v51 =	vld [tilespmem:s30+$0xFFFFFF40];
	_ =	sdelay $0x4  }
0x92: {  	[tilespmem:$0x1F910] =	vst v51  }
0x93: {  	v52 =	vld [tilespmem:s31+$0xFFFFFF40];
	_ =	sdelay $0x1  }
0x94: {  	v45 =	vadd.f32 $3.780000000e+02, v18;
	_ =	sdelay $0x1  }
0x95: {  	v45 =	vmul.f32 v45, v18  }
0x96: {  	[tilespmem:$0x1F8E0] =	vst v52  }
0x97: {  	v43 =	vadd.f32 $3.780000000e+02, v16;
	v62 =	vadd.f32 $1.732500000e+04, v45;
	v45 =	vmax.f32 v5, $-5.000000000e+00;
	v5 =	vld [tilespmem:s30+$0xFFFFFFC0];
	_ =	sdelay $0x1  }
0x98: {  	v43 =	vmul.f32 v43, v16;
	_ =	sdelay $0x1  }
0x99: {  	v43 =	vadd.f32 $1.732500000e+04, v43  }
0x9a: {  	[tilespmem:$0x1FA50] =	vst v5  }
0x9b: {  	v16 =	vmul.f32 v43, v16;
	v43 =	vld [tilespmem:s31+$0xFFFFFFC0]  }
0x9c: {  	v38 =	vmul.f32 v4, v4;
	_ =	sdelay $0x1  }
0x9d: {  	v38 =	vmin.f32 v38, $2.500000000e+01  }
0x9e: {  	v53 =	vmul.f32 $2.800000000e+01, v38;
	v40 =	vmul.f32 v36, v8  }
0x9f: {  	[tilespmem:$0x1FA40] =	vst v43  }
0xa0: {  	v14 =	vadd.f32 v14, v40;
	v40 =	vadd.f32 $3.150000000e+03, v53;
	v53 =	vld [tilespmem:s30+$0xFFFFFF50];
	_ =	sdelay $0x4  }
0xa1: {  	v13 =	vmax.f32 v13, $-5.000000000e+00;
	[tilespmem:$0x1F950] =	vst v53  }
0xa2: {  	v18 =	vmul.f32 v62, v18;
	v62 =	vmin.f32 v13, $5.000000000e+00;
	v13 =	vld [tilespmem:s30+$0xFFFFFFD0]  }
0xa3: {  	v17 =	vadd.f32 $3.780000000e+02, v38  }
0xa4: {  	v44 =	vadd.f32 $3.780000000e+02, v15  }
0xa5: {  	v17 =	vmul.f32 v17, v38  }
0xa6: {  	v44 =	vmul.f32 v44, v15  }
0xa7: {  	v40 =	vmul.f32 v40, v38;
	v34 =	vadd.f32 $1.732500000e+04, v17;
	v17 =	vld [tilespmem:s31+$0xFFFFFF50];
	[tilespmem:$0x1FA70] =	vst v13  }
0xa8: {  	v54 =	vadd.f32 $1.732500000e+04, v44;
	v44 =	vld [tilespmem:s31+$0xFFFFFFD0]  }
0xa9: {  	v40 =	vadd.f32 $6.237000000e+04, v40  }
0xaa: {  	v15 =	vmul.f32 v54, v15  }
0xab: {  	v40 =	vmul.f32 v40, v38  }
0xac: {  	v12 =	vmax.f32 v12, $-5.000000000e+00;
	v15 =	vadd.f32 $1.351350000e+05, v15;
	v18 =	vadd.f32 $1.351350000e+05, v18  }
0xad: {  	v12 =	vmin.f32 v12, $5.000000000e+00;
	v16 =	vadd.f32 $1.351350000e+05, v16;
	v40 =	vadd.f32 $1.351350000e+05, v40;
	[tilespmem:$0x1FA60] =	vst v44  }
0xae: {  	v12 =	vmul.f32 v15, v12;
	v15 =	vmul.f32 v18, v62;
	v18 =	vmin.f32 v45, $5.000000000e+00;
	v45 =	vld [tilespmem:s30+$0xFFFFFF60];
	_ =	sdelay $0x2  }
0xaf: {  	(erf) = vrcp.f32 v40;
	v40 =	vpop (erf)  }
0xb0: {  	v18 =	vmul.f32 v16, v18;
	v16 =	vpop (erf)  }
0xb1: {  	v34 =	vmul.f32 v34, v38;
	v38 =	vmul.f32 v40, v12;
	v12 =	vpop (erf);
	[tilespmem:$0x1F960] =	vst v45  }
0xb2: {  	v18 =	vmul.f32 v12, v18;
	v12 =	vld [tilespmem:s30+$0xFFFFFFE0];
	_ =	sdelay $0x3  }
0xb3: {  	v14 =	vadd.f32 v41, v14  }
0xb4: {  	v15 =	vmul.f32 v16, v15;
	v16 =	vld [tilespmem:s31+$0xFFFFFF60];
	[tilespmem:$0x1FA90] =	vst v12  }
0xb5: {  	v14 =	vadd.f32 v42, v14;
	v42 =	vld [tilespmem:s30+$0xFFFFFF70];
	_ =	sdelay $0x3  }
0xb6: {  	v62 =	vmul.f32 v52, v51  }
0xb7: {  	[tilespmem:$0x1F9A0] =	vst v42  }
0xb8: {  	v52 =	vadd.f32 v62, v14;
	v62 =	vld [tilespmem:s31+$0xFFFFFFE0];
	_ =	sdelay $0x1  }
0xb9: {  	v4 =	vmax.f32 v4, $-5.000000000e+00;
	v34 =	vadd.f32 $1.351350000e+05, v34  }
0xba: {  	v4 =	vmin.f32 v4, $5.000000000e+00  }
0xbb: {  	v4 =	vmul.f32 v34, v4  }
0xbc: {  	v34 =	vmul.f32 v38, v46;
	v38 =	vmul.f32 v15, v55;
	v15 =	vld [tilespmem:s31+$0xFFFFFF70];
	[tilespmem:$0x1FA80] =	vst v62  }
0xbd: {  	v14 =	vld [tilespmem:s30+$0xFFFFFFF0];
	_ =	sdelay $0x4  }
0xbe: {  	[tilespmem:$0x1FAB0] =	vst v14  }
0xbf: {  	v41 =	vld [tilespmem:s31+$0xFFFFFFF0];
	_ =	sdelay $0x4  }
0xc0: {  	v51 =	vmul.f32 v35, v7;
	v7 =	vld [tilespmem:$0x1FF20];
	[tilespmem:$0x1FAA0] =	vst v41  }
0xc1: {  	v33 =	vadd.f32 v39, v33;
	v54 =	vmul.f32 v11, v2;
	v11 =	vld [tilespmem:s31+$0x0]  }
0xc2: {  	v18 =	vmul.f32 v18, v56;
	v34 =	vadd.f32 v38, v34;
	v2 =	vpop (erf)  }
0xc3: {  	v4 =	vmul.f32 v2, v4;
	v33 =	vadd.f32 v54, v33  }
0xc4: {  	v18 =	vadd.f32 v34, v18  }
0xc5: {  	v33 =	vadd.f32 v51, v33;
	v4 =	vmul.f32 v4, v7;
	v2 =	vmul.f32 v43, v5  }
0xc6: {  	[tilespmem:$0x1FDE0] =	vst v11  }
0xc7: {  	v4 =	vadd.f32 v18, v4;
	v18 =	vadd.f32 v2, v33;
	v54 =	vmul.f32 v17, v53;
	v2 =	vld [tilespmem:s31+$0x10];
	_ =	sdelay $0x1  }
0xc8: {  	v43 =	vadd.f32 v54, v52;
	v45 =	vmul.f32 v16, v45;
	_ =	sdelay $0x1  }
0xc9: {  	v52 =	vadd.f32 v45, v43;
	v53 =	vmul.f32 v15, v42  }
0xca: {  	v51 =	vmul.f32 v44, v13;
	[tilespmem:$0x1FE10] =	vst v2  }
0xcb: {  	v34 =	vadd.f32 v53, v52;
	v5 =	vld [tilespmem:s30+$0x20]  }
0xcc: {  	v54 =	vperm.xlane v4, v58;
	v18 =	vadd.f32 v51, v18;
	v62 =	vmul.f32 v62, v12;
	v35 =	vld [tilespmem:s31+$0x20]  }
0xcd: {  	v38 =	vperm.xlane v34, v58;
	v42 =	vld [tilespmem:s30+$0x30]  }
0xce: {  	v4 =	vadd.f32 v4, v54;
	v18 =	vadd.f32 v62, v18;
	v13 =	vld [tilespmem:s31+$0x30];
	[tilespmem:$0x1F660] =	vst v0  }
0xcf: {  	v53 =	vadd.f32 v34, v38;
	v45 =	vmul.f32 v41, v14;
	v52 =	vmul.f32 v2, v0;
	v0 =	vld [tilespmem:s30+$0x40]  }
0xd0: {  	v54 =	vld [tilespmem:s31+$0x40];
	[tilespmem:$0x1F670] =	vst v5  }
0xd1: {  	v39 =	vperm.xlane v4, v61;
	v18 =	vadd.f32 v45, v18;
	v45 =	vperm.xlane v53, v61;
	[tilespmem:$0x1F680] =	vst v35  }
0xd2: {  	v51 =	vmul.f32 v11, v1;
	v1 =	vmul.f32 v35, v5;
	v35 =	vld [tilespmem:s30+$0x50]  }
0xd3: {  	v4 =	vadd.f32 v4, v39;
	v44 =	vld [tilespmem:s31+$0x50];
	[tilespmem:$0x1F690] =	vst v13  }
0xd4: {  	v33 =	vadd.f32 v53, v45;
	v45 =	vld [tilespmem:$0x1FFF0];
	[tilespmem:$0x1F6A0] =	vst v42  }
0xd5: {  	v62 =	vadd.f32 v52, v51;
	v51 =	vperm.xlane v4, v63;
	v52 =	vmul.f32 v13, v42;
	v13 =	vld [tilespmem:s30+$0x60]  }
0xd6: {  	v2 =	vperm.xlane v18, v58;
	v53 =	vld [tilespmem:s31+$0x60]  }
0xd7: {  	v4 =	vadd.f32 v4, v51;
	[tilespmem:$0x1F6B0] =	vst v0  }
0xd8: {  	v12 =	vld [tilespmem:$0x1FF30];
	v18 =	vadd.f32 v18, v2;
	[tilespmem:$0x1F6C0] =	vst v54  }
0xd9: {  	v41 =	vperm.xlane v4, v45;
	v34 =	vadd.f32 v1, v62;
	v5 =	vld [tilespmem:s30+$0x70]  }
0xda: {  	v39 =	vperm.xlane v18, v61;
	v62 =	vld [tilespmem:s31+$0x70]  }
0xdb: {  	v4 =	vadd.f32 v4, v41;
	v34 =	vadd.f32 v52, v34;
	[tilespmem:$0x1F700] =	vst v53;
	v52 =	vmul.f32 v53, v13;
	v53 =	vld [tilespmem:$0x1FFF0]  }
0xdc: {  	v40 =	vperm.xlane v33, v63;
	v54 =	vmul.f32 v54, v0  }
0xdd: {  	v18 =	vadd.f32 v18, v39;
	v4 =	vadd.f32 v4, v12  }
0xde: {  	v33 =	vadd.f32 v33, v40;
	v34 =	vadd.f32 v54, v34;
	[tilespmem:$0x1F6D0] =	vst v35;
	v51 =	vmul.f32 v44, v35;
	v35 =	vld [tilespmem:$0x1FFF0]  }
0xdf: {  	v39 =	vperm.xlane v18, v63;
	v4 =	vmul.f32 $1.000000010e-01, v4  }
0xe0: {  	v34 =	vadd.f32 v51, v34;
	v54 =	vmul.f32 v62, v5;
	v40 =	vperm.xlane v33, v53  }
0xe1: {  	v18 =	vadd.f32 v18, v39;
	[tilespmem:$0x1F6E0] =	vst v44;
	v42 =	vmul.f32 v4, v30;
	v44 =	vmul.f32 v4, v31  }
0xe2: {  	v34 =	vadd.f32 v52, v34;
	v52 =	vmul.f32 v4, v28;
	v39 =	vadd.f32 v33, v40  }
0xe3: {  	[tilespmem:$0x1FB60] =	vst v42;
	v42 =	vmul.f32 v4, v19;
	v38 =	vperm.xlane v18, v35  }
0xe4: {  	v35 =	vmul.f32 v4, v9;
	v41 =	vmul.f32 v39, v59  }
0xe5: {  	[tilespmem:$0x1F720] =	vst v62;
	v62 =	vadd.f32 v54, v34;
	v53 =	vmul.f32 v4, v29;
	v54 =	vmul.f32 v4, v26  }
0xe6: {  	v18 =	vadd.f32 v18, v38;
	v45 =	vmul.f32 v39, v60;
	v30 =	vadd.f32 v41, v57  }
0xe7: {  	v34 =	vmul.f32 v4, v24;
	v43 =	vperm.xlane v62, v58  }
0xe8: {  	v28 =	vmul.f32 v18, v59;
	v31 =	vadd.f32 v45, v50;
	v29 =	vmul.f32 v30, v30  }
0xe9: {  	v40 =	vmul.f32 v4, v32;
	v51 =	vadd.f32 v62, v43;
	v62 =	vmul.f32 v4, v27  }
0xea: {  	v28 =	vadd.f32 v28, v57;
	v27 =	vmin.f32 v29, $2.500000000e+01;
	v29 =	vmul.f32 v31, v31  }
0xeb: {  	v33 =	vmul.f32 v4, v22;
	v22 =	vmul.f32 $2.800000000e+01, v27  }
0xec: {  	v26 =	vperm.xlane v51, v61;
	v24 =	vmin.f32 v29, $2.500000000e+01;
	v29 =	vmul.f32 v28, v28  }
0xed: {  	[tilespmem:$0x1FB50] =	vst v40;
	v40 =	vmul.f32 v4, v21;
	v9 =	vadd.f32 $3.150000000e+03, v22;
	v21 =	vmul.f32 $2.800000000e+01, v24  }
0xee: {  	v38 =	vmul.f32 v4, v25;
	v26 =	vadd.f32 v51, v26;
	v25 =	vmin.f32 v29, $2.500000000e+01  }
0xef: {  	[tilespmem:$0x1FB70] =	vst v44;
	v44 =	vld [tilespmem:$0x1FFF0];
	v9 =	vmul.f32 v9, v27;
	v22 =	vmul.f32 $2.800000000e+01, v25;
	v21 =	vadd.f32 $3.150000000e+03, v21  }
0xf0: {  	v41 =	vmul.f32 v4, v23;
	v23 =	vperm.xlane v26, v63  }
0xf1: {  	v22 =	vadd.f32 $3.150000000e+03, v22;
	v9 =	vadd.f32 $6.237000000e+04, v9;
	v19 =	vmul.f32 v21, v24  }
0xf2: {  	v43 =	vmul.f32 v4, v20;
	v23 =	vadd.f32 v26, v23;
	v29 =	vmul.f32 v18, v60  }
0xf3: {  	v22 =	vmul.f32 v22, v25;
	v9 =	vmul.f32 v9, v27;
	v19 =	vadd.f32 $6.237000000e+04, v19  }
0xf4: {  	v45 =	vmul.f32 v4, v6;
	v20 =	vperm.xlane v23, v44;
	v21 =	vadd.f32 v29, v50  }
0xf5: {  	v4 =	vadd.f32 $6.237000000e+04, v22;
	v6 =	vadd.f32 $1.351350000e+05, v9;
	v19 =	vmul.f32 v19, v24  }
0xf6: {  	v0 =	vmul.f32 v39, v47;
	v9 =	vadd.f32 v23, v20;
	v20 =	vmul.f32 v21, v21  }
0xf7: {  	(erf) = vrcp.f32 v6;
	v4 =	vmul.f32 v4, v25;
	v6 =	vadd.f32 $1.351350000e+05, v19  }
0xf8: {  	v23 =	vmin.f32 v20, $2.500000000e+01;
	v19 =	vmul.f32 v9, v59;
	v20 =	vmul.f32 v9, v60  }
0xf9: {  	v4 =	vadd.f32 $1.351350000e+05, v4;
	(erf) = vrcp.f32 v6;
	v6 =	vmul.f32 $2.800000000e+01, v23  }
0xfa: {  	v26 =	vmul.f32 v39, v49;
	v51 =	vmul.f32 v9, v49;
	v22 =	vadd.f32 v19, v57  }
0xfb: {  	[tilespmem:$0x1FBC0] =	vst v33;
	v33 =	vadd.f32 v20, v50;
	(erf) = vrcp.f32 v4;
	v4 =	vadd.f32 $3.150000000e+03, v6  }
0xfc: {  	[tilespmem:$0x1F710] =	vst v5;
	v19 =	vadd.f32 v26, v48;
	v6 =	vmul.f32 v18, v49;
	v26 =	vmul.f32 v22, v22  }
0xfd: {  	[tilespmem:$0x1FB80] =	vst v52;
	v29 =	vmul.f32 v33, v33;
	v4 =	vmul.f32 v4, v23  }
0xfe: {  	v5 =	vmovc v50;
	[tilespmem:$0x1FB90] =	vst v53;
	v50 =	vmul.f32 v19, v19;
	v20 =	vadd.f32 v6, v48;
	v26 =	vmin.f32 v26, $2.500000000e+01  }
0xff: {  	[tilespmem:$0x1FBA0] =	vst v54;
	v29 =	vmin.f32 v29, $2.500000000e+01;
	v6 =	vmul.f32 $2.800000000e+01, v26;
	v4 =	vadd.f32 $6.237000000e+04, v4  }
0x100: {  	[tilespmem:$0x1FBD0] =	vst v34;
	v32 =	vmin.f32 v50, $2.500000000e+01;
	v52 =	vmul.f32 $2.800000000e+01, v29;
	v54 =	vmul.f32 v20, v20  }
0x101: {  	[tilespmem:$0x1FBB0] =	vst v62;
	v62 =	vmul.f32 $2.800000000e+01, v32;
	v4 =	vmul.f32 v4, v23  }
0x102: {  	[tilespmem:$0x1FC10] =	vst v41;
	v53 =	vadd.f32 $3.150000000e+03, v6;
	v44 =	vadd.f32 $3.150000000e+03, v52;
	v41 =	vmin.f32 v54, $2.500000000e+01  }
0x103: {  	v1 =	vmovc v48;
	[tilespmem:$0x1FC00] =	vst v40;
	v6 =	vadd.f32 v51, v48;
	v48 =	vmul.f32 $2.800000000e+01, v41;
	v4 =	vadd.f32 $1.351350000e+05, v4  }
0x104: {  	[tilespmem:$0x1FC40] =	vst v45;
	v45 =	vadd.f32 $3.150000000e+03, v62;
	v40 =	vmul.f32 v53, v26;
	v34 =	vmul.f32 v44, v29  }
0x105: {  	v2 =	vmovc v49;
	v49 =	vmul.f32 v6, v6;
	(erf) = vrcp.f32 v4;
	v4 =	vadd.f32 $3.150000000e+03, v48  }
0x106: {  	[tilespmem:$0x1FBF0] =	vst v38;
	v18 =	vmul.f32 v18, v47;
	v38 =	vmul.f32 v45, v32;
	v40 =	vadd.f32 $6.237000000e+04, v40  }
0x107: {  	[tilespmem:$0x1FC20] =	vst v42;
	v34 =	vadd.f32 $6.237000000e+04, v34;
	v42 =	vmin.f32 v49, $2.500000000e+01;
	v4 =	vmul.f32 v4, v41  }
0x108: {  	v38 =	vadd.f32 $6.237000000e+04, v38;
	v51 =	vmul.f32 $2.800000000e+01, v42;
	v40 =	vmul.f32 v40, v26  }
0x109: {  	v50 =	vadd.f32 $3.780000000e+02, v27;
	v34 =	vmul.f32 v34, v29;
	v4 =	vadd.f32 $6.237000000e+04, v4  }
0x10a: {  	v38 =	vmul.f32 v38, v32;
	v52 =	vadd.f32 $3.150000000e+03, v51;
	v40 =	vadd.f32 $1.351350000e+05, v40  }
0x10b: {  	v62 =	vadd.f32 $3.780000000e+02, v24;
	v34 =	vadd.f32 $1.351350000e+05, v34;
	v4 =	vmul.f32 v4, v41  }
0x10c: {  	[tilespmem:$0x1F6F0] =	vst v13;
	v38 =	vadd.f32 $1.351350000e+05, v38;
	v54 =	vmul.f32 v52, v42;
	(erf) = vrcp.f32 v40  }
0x10d: {  	[tilespmem:$0x1FBE0] =	vst v35;
	v39 =	vadd.f32 v18, v3;
	(erf) = vrcp.f32 v34;
	v4 =	vadd.f32 $1.351350000e+05, v4  }
0x10e: {  	s0 =	simm.s32 $0x400;
	[tilespmem:$0x1FC30] =	vst v43;
	v35 =	vmul.f32 v62, v24;
	(erf) = vrcp.f32 v38;
	v38 =	vadd.f32 $6.237000000e+04, v54  }
0x10f: {  	v40 =	vadd.f32 v0, v3;
	v0 =	vld [tilespmem:s0+$0x80];
	(erf) = vrcp.f32 v4;
	v4 =	vmul.f32 v9, v47  }
0x110: {  	v43 =	vmul.f32 v50, v27;
	v45 =	vadd.f32 $1.732500000e+04, v35;
	v18 =	vmul.f32 v38, v42  }
0x111: {  	v11 =	vmovc v47;
	v47 =	vadd.f32 $3.780000000e+02, v25;
	v9 =	vadd.f32 v4, v3;
	v4 =	vmul.f32 v40, v40  }
0x112: {  	v34 =	vmul.f32 v45, v24;
	v24 =	vmul.f32 v39, v39;
	v18 =	vadd.f32 $1.351350000e+05, v18  }
0x113: {  	v53 =	vadd.f32 $1.732500000e+04, v43;
	v43 =	vmin.f32 v4, $2.500000000e+01;
	v4 =	vmul.f32 v47, v25  }
0x114: {  	v44 =	vmin.f32 v24, $2.500000000e+01;
	[tilespmem:$0x1FAD0] =	vst v0;
	(erf) = vrcp.f32 v18;
	v18 =	vmul.f32 $2.800000000e+01, v43  }
0x115: {  	v50 =	vadd.f32 $3.780000000e+02, v23;
	v24 =	vmul.f32 $2.800000000e+01, v44;
	v13 =	vld [tilespmem:s0+$0x90];
	v4 =	vadd.f32 $1.732500000e+04, v4  }
0x116: {  	v18 =	vadd.f32 $3.150000000e+03, v18  }
0x117: {  	v51 =	vmul.f32 v50, v23;
	v47 =	vmul.f32 v4, v25;
	v4 =	vadd.f32 $3.150000000e+03, v24  }
0x118: {  	v18 =	vmul.f32 v18, v43  }
0x119: {  	v45 =	vadd.f32 $1.732500000e+04, v51;
	v48 =	vmul.f32 v9, v9;
	v4 =	vmul.f32 v4, v44  }
0x11a: {  	s6 =	simm.s32 $0x4400;
	[tilespmem:$0x1FAE0] =	vst v13;
	v18 =	vadd.f32 $6.237000000e+04, v18  }
0x11b: {  	v38 =	vmin.f32 v48, $2.500000000e+01;
	v48 =	vmul.f32 v45, v23;
	v23 =	vld [tilespmem:s6+$0x80];
	v4 =	vadd.f32 $6.237000000e+04, v4  }
0x11c: {  	v18 =	vmul.f32 v18, v43  }
0x11d: {  	v49 =	vmul.f32 $2.800000000e+01, v38;
	v4 =	vmul.f32 v4, v44  }
0x11e: {  	v24 =	vadd.f32 $3.780000000e+02, v26;
	v18 =	vadd.f32 $1.351350000e+05, v18  }
0x11f: {  	v25 =	vadd.f32 $3.150000000e+03, v49;
	v4 =	vadd.f32 $1.351350000e+05, v4  }
0x120: {  	v24 =	vmul.f32 v24, v26;
	[tilespmem:$0x1FAC0] =	vst v23;
	(erf) = vrcp.f32 v18  }
0x121: {  	v25 =	vmul.f32 v25, v38;
	(erf) = vrcp.f32 v4;
	v4 =	vld [tilespmem:s0+$0xA0];
	_ =	sdelay $0x1  }
0x122: {  	v24 =	vadd.f32 $1.732500000e+04, v24;
	v25 =	vadd.f32 $6.237000000e+04, v25;
	_ =	sdelay $0x1  }
0x123: {  	v30 =	vmax.f32 v30, $-5.000000000e+00;
	v49 =	vmul.f32 v24, v26;
	v26 =	vmul.f32 v25, v38;
	v25 =	vld [tilespmem:s6+$0x90]  }
0x124: {  	v30 =	vmin.f32 v30, $5.000000000e+00;
	v31 =	vmax.f32 v31, $-5.000000000e+00;
	v28 =	vmax.f32 v28, $-5.000000000e+00;
	[tilespmem:$0x1FB00] =	vst v4  }
0x125: {  	v28 =	vmin.f32 v28, $5.000000000e+00;
	v22 =	vmax.f32 v22, $-5.000000000e+00;
	v19 =	vmax.f32 v19, $-5.000000000e+00;
	v45 =	vld [tilespmem:s6+$0xA0]  }
0x126: {  	v22 =	vmin.f32 v22, $5.000000000e+00;
	v27 =	vmul.f32 v53, v27;
	v26 =	vadd.f32 $1.351350000e+05, v26  }
0x127: {  	v53 =	vadd.f32 $3.780000000e+02, v32;
	v52 =	vadd.f32 $3.780000000e+02, v29;
	v54 =	vmul.f32 v23, v0  }
0x128: {  	(erf) = vrcp.f32 v26;
	v26 =	vadd.f32 $3.780000000e+02, v42;
	v62 =	vmul.f32 v25, v13  }
0x129: {  	v14 =	vmovc v46;
	v27 =	vadd.f32 $1.351350000e+05, v27;
	v46 =	vmul.f32 v52, v29;
	v18 =	vmul.f32 v53, v32  }
0x12a: {  	v26 =	vmul.f32 v26, v42;
	v0 =	vadd.f32 v62, v54;
	v52 =	vmul.f32 v45, v4  }
0x12b: {  	v19 =	vmin.f32 v19, $5.000000000e+00;
	v24 =	vadd.f32 $1.732500000e+04, v46;
	v18 =	vadd.f32 $1.732500000e+04, v18;
	[tilespmem:$0x1FAF0] =	vst v45  }
0x12c: {  	v27 =	vmul.f32 v27, v30;
	v26 =	vadd.f32 $1.732500000e+04, v26;
	v30 =	vadd.f32 v52, v0;
	v0 =	vld [tilespmem:s0+$0xD0]  }
0x12d: {  	v34 =	vadd.f32 $1.351350000e+05, v34;
	v29 =	vmul.f32 v24, v29;
	v24 =	vadd.f32 $3.780000000e+02, v41;
	v35 =	vld [tilespmem:s0+$0xB0]  }
0x12e: {  	v51 =	vmul.f32 v18, v32;
	v42 =	vmul.f32 v26, v42;
	v26 =	vmin.f32 v31, $5.000000000e+00;
	v18 =	vld [tilespmem:s6+$0xB0]  }
0x12f: {  	v46 =	vadd.f32 $3.780000000e+02, v43;
	v50 =	vmul.f32 v34, v26;
	v26 =	vadd.f32 $1.351350000e+05, v47;
	v45 =	vld [tilespmem:s0+$0xC0]  }
0x130: {  	v53 =	vadd.f32 $1.351350000e+05, v48;
	v24 =	vmul.f32 v24, v41;
	v54 =	vmax.f32 v21, $-5.000000000e+00;
	v21 =	vld [tilespmem:s6+$0xC0]  }
0x131: {  	v62 =	vadd.f32 $3.780000000e+02, v44;
	v34 =	vmin.f32 v54, $5.000000000e+00;
	v28 =	vmul.f32 v26, v28;
	[tilespmem:$0x1FB10] =	vst v0  }
0x132: {  	v48 =	vadd.f32 $1.351350000e+05, v29;
	v52 =	vmul.f32 v53, v34;
	v53 =	vmul.f32 v46, v43;
	v26 =	vld [tilespmem:s6+$0xD0]  }
0x133: {  	v54 =	vmax.f32 v33, $-5.000000000e+00;
	v34 =	vmul.f32 v62, v44;
	v47 =	vmul.f32 v18, v35;
	v62 =	vld [tilespmem:s0+$0xE0]  }
0x134: {  	v24 =	vadd.f32 $1.732500000e+04, v24;
	v33 =	vmin.f32 v54, $5.000000000e+00;
	v46 =	vadd.f32 $1.351350000e+05, v49;
	v31 =	vld [tilespmem:s6+$0xE0]  }
0x135: {  	v49 =	vadd.f32 $1.732500000e+04, v53;
	v54 =	vmul.f32 v21, v45;
	v47 =	vadd.f32 v47, v30;
	v30 =	vld [tilespmem:s0+$0xF0]  }
0x136: {  	v22 =	vmul.f32 v46, v22;
	v46 =	vmul.f32 v48, v33;
	v48 =	vadd.f32 $1.732500000e+04, v34;
	v34 =	vld [tilespmem:s6+$0xF0]  }
0x137: {  	v20 =	vmax.f32 v20, $-5.000000000e+00;
	v53 =	vpop (erf);
	v47 =	vadd.f32 v54, v47;
	v0 =	vmul.f32 v26, v0  }
0x138: {  	v20 =	vmin.f32 v20, $5.000000000e+00;
	v41 =	vmul.f32 v24, v41;
	v43 =	vmul.f32 v49, v43;
	v33 =	vpop (erf)  }
0x139: {  	v44 =	vmul.f32 v48, v44;
	v32 =	vpop (erf);
	v47 =	vadd.f32 v0, v47;
	v0 =	vmul.f32 v31, v62  }
0x13a: {  	v49 =	vmul.f32 v33, v50;
	v33 =	vpop (erf);
	v28 =	vmul.f32 v32, v28;
	v32 =	vadd.f32 $1.351350000e+05, v51  }
0x13b: {  	v48 =	vmul.f32 v33, v52;
	v33 =	vmul.f32 v34, v30;
	v47 =	vadd.f32 v0, v47  }
0x13c: {  	v39 =	vmax.f32 v39, $-5.000000000e+00;
	v41 =	vadd.f32 $1.351350000e+05, v41;
	v27 =	vmul.f32 v53, v27;
	v52 =	vpop (erf)  }
0x13d: {  	v39 =	vmin.f32 v39, $5.000000000e+00;
	v51 =	vpop (erf);
	v19 =	vmul.f32 v32, v19;
	v47 =	vadd.f32 v33, v47  }
0x13e: {  	v40 =	vmax.f32 v40, $-5.000000000e+00;
	v20 =	vmul.f32 v41, v20;
	v27 =	vmul.f32 v27, v14;
	v0 =	vpop (erf)  }
0x13f: {  	v43 =	vadd.f32 $1.351350000e+05, v43;
	v32 =	vpop (erf);
	v19 =	vmul.f32 v0, v19;
	v33 =	vperm.xlane v47, v58  }
0x140: {  	v40 =	vmin.f32 v40, $5.000000000e+00;
	v20 =	vmul.f32 v32, v20;
	v32 =	vmul.f32 v49, v55  }
0x141: {  	v40 =	vmul.f32 v43, v40;
	v0 =	vadd.f32 $1.351350000e+05, v44;
	v41 =	vadd.f32 v47, v33  }
0x142: {  	v49 =	vpop (erf);
	v19 =	vmul.f32 v19, v56;
	v33 =	vadd.f32 $3.780000000e+02, v38;
	v27 =	vadd.f32 v32, v27  }
0x143: {  	v39 =	vmul.f32 v0, v39;
	v54 =	vpop (erf);
	v53 =	vperm.xlane v41, v61  }
0x144: {  	v40 =	vmul.f32 v54, v40;
	v0 =	vmul.f32 v33, v38;
	v19 =	vadd.f32 v27, v19  }
0x145: {  	v27 =	vmul.f32 v28, v14;
	v28 =	vmul.f32 v48, v55;
	v41 =	vadd.f32 v41, v53  }
0x146: {  	v20 =	vmul.f32 v20, v56;
	v47 =	vld [tilespmem:$0x1FFF0];
	v40 =	vmul.f32 v40, v7;
	v32 =	vpop (erf);
	v43 =	vadd.f32 $1.732500000e+04, v0  }
0x147: {  	v27 =	vadd.f32 v28, v27;
	v28 =	vmul.f32 v32, v39;
	v33 =	vperm.xlane v41, v63  }
0x148: {  	v44 =	vmul.f32 v52, v22;
	v19 =	vadd.f32 v19, v40;
	v38 =	vmul.f32 v43, v38  }
0x149: {  	v20 =	vadd.f32 v27, v20;
	v22 =	vmul.f32 v28, v7;
	v43 =	vadd.f32 v41, v33  }
0x14a: {  	v6 =	vmax.f32 v6, $-5.000000000e+00;
	v27 =	vperm.xlane v19, v58  }
0x14b: {  	v20 =	vadd.f32 v20, v22;
	v22 =	vadd.f32 $1.351350000e+05, v42;
	v28 =	vperm.xlane v43, v47  }
0x14c: {  	v6 =	vmin.f32 v6, $5.000000000e+00;
	v19 =	vadd.f32 v19, v27  }
0x14d: {  	v48 =	vmul.f32 v51, v46;
	v6 =	vmul.f32 v22, v6;
	v27 =	vadd.f32 v43, v28  }
0x14e: {  	v9 =	vmax.f32 v9, $-5.000000000e+00;
	v22 =	vperm.xlane v20, v58;
	v28 =	vperm.xlane v19, v61  }
0x14f: {  	v9 =	vmin.f32 v9, $5.000000000e+00;
	v50 =	vmul.f32 v49, v6;
	v39 =	vmul.f32 v27, v59  }
0x150: {  	v6 =	vadd.f32 v20, v22;
	v19 =	vadd.f32 v19, v28;
	v22 =	vmul.f32 v27, v60  }
0x151: {  	[tilespmem:$0x1FB20] =	vst v44;
	v28 =	vadd.f32 $1.351350000e+05, v38;
	v51 =	vmul.f32 v27, v2;
	v20 =	vadd.f32 v39, v57  }
0x152: {  	[tilespmem:$0x1FB30] =	vst v48;
	v52 =	vperm.xlane v6, v61;
	v27 =	vmul.f32 v27, v11;
	v22 =	vadd.f32 v22, v5  }
0x153: {  	v49 =	vld [tilespmem:$0x1FFF0];
	[tilespmem:$0x1FB40] =	vst v50;
	v9 =	vmul.f32 v28, v9;
	v28 =	vadd.f32 v51, v1;
	v39 =	vmul.f32 v20, v20  }
0x154: {  	v4 =	vld [tilespmem:s0+$0xFFFFFF90];
	v53 =	vperm.xlane v19, v63;
	v54 =	vmul.f32 v22, v22  }
0x155: {  	v24 =	vld [tilespmem:s0+$0xFFFFFF10];
	v6 =	vadd.f32 v6, v52;
	v0 =	vmul.f32 v28, v28;
	v39 =	vmin.f32 v39, $2.500000000e+01  }
0x156: {  	v52 =	vld [tilespmem:$0x1FFF0];
	v19 =	vadd.f32 v19, v53;
	v43 =	vmin.f32 v54, $2.500000000e+01;
	v1 =	vmul.f32 $2.800000000e+01, v39  }
0x157: {  	v29 =	vld [tilespmem:s6+$0xFFFFFF10];
	v32 =	vperm.xlane v6, v63;
	v38 =	vmin.f32 v0, $2.500000000e+01;
	v33 =	vmul.f32 $2.800000000e+01, v43  }
0x158: {  	v23 =	vmovc v5;
	v27 =	vadd.f32 v27, v3;
	v5 =	vld [tilespmem:s6+$0xFFFFFF90];
	v48 =	vmul.f32 $2.800000000e+01, v38;
	v2 =	vadd.f32 $3.150000000e+03, v1  }
0x159: {  	v53 =	vld [tilespmem:s0+$0xFFFFFF80];
	v6 =	vadd.f32 v6, v32;
	v50 =	vperm.xlane v19, v49;
	v42 =	vadd.f32 $3.150000000e+03, v33  }
0x15a: {  	v51 =	vmul.f32 v27, v27;
	v54 =	vld [tilespmem:s6+$0xFFFFFF80];
	v44 =	vadd.f32 $3.150000000e+03, v48;
	v40 =	vmul.f32 v2, v39  }
0x15b: {  	v32 =	vld [tilespmem:s6+$0xFFFFFF00];
	v19 =	vadd.f32 v19, v50;
	v2 =	vperm.xlane v6, v52;
	v42 =	vmul.f32 v42, v43;
	v33 =	vpop (erf)  }
0x15c: {  	v0 =	vld [tilespmem:s0+$0x0];
	[tilespmem:$0x1F730] =	vst v4;
	v44 =	vmul.f32 v44, v38;
	v50 =	vmul.f32 v33, v9;
	v40 =	vadd.f32 $6.237000000e+04, v40  }
0x15d: {  	v47 =	vmin.f32 v51, $2.500000000e+01;
	[tilespmem:$0x1F740] =	vst v5;
	v48 =	vadd.f32 v6, v2;
	v41 =	vadd.f32 $6.237000000e+04, v42  }
0x15e: {  	v51 =	vadd.f32 $6.237000000e+04, v44;
	[tilespmem:$0x1FC60] =	vst v50;
	v6 =	vmul.f32 v40, v39;
	v40 =	vmul.f32 $2.800000000e+01, v47  }
0x15f: {  	v33 =	vld [tilespmem:s0+$0x10];
	v41 =	vmul.f32 v41, v43  }
0x160: {  	v52 =	vmul.f32 v5, v4;
	v5 =	vld [tilespmem:s6+$0x0];
	v9 =	vadd.f32 $3.150000000e+03, v40;
	v40 =	vmul.f32 v51, v38  }
0x161: {  	v4 =	vld [tilespmem:s6+$0x10];
	v6 =	vadd.f32 $1.351350000e+05, v6  }
0x162: {  	v44 =	vld [tilespmem:s6+$0xFFFFFF20]  }
0x163: {  	v1 =	vadd.f32 $3.780000000e+02, v43;
	(erf) = vrcp.f32 v6;
	v6 =	vadd.f32 $1.351350000e+05, v41;
	v41 =	vmovc v29;
	v29 =	vld [tilespmem:s0+$0xFFFFFF00]  }
0x164: {  	v2 =	vadd.f32 $1.351350000e+05, v40;
	v40 =	vmov v24;
	v24 =	vld [tilespmem:s0+$0xFFFFFF20]  }
0x165: {  	(erf) = vrcp.f32 v6;
	v6 =	vmul.f32 v1, v43;
	v1 =	vld [tilespmem:s6+$0xFFFFFFA0]  }
0x166: {  	v46 =	vmul.f32 v54, v53;
	(erf) = vrcp.f32 v2;
	v2 =	vld [tilespmem:s0+$0xFFFFFFA0];
	[tilespmem:$0x1F750] =	vst v0  }
0x167: {  	v20 =	vmax.f32 v20, $-5.000000000e+00;
	v9 =	vmul.f32 v9, v47;
	[tilespmem:$0x1F760] =	vst v5  }
0x168: {  	v13 =	vmovc v7;
	v22 =	vmax.f32 v22, $-5.000000000e+00;
	v7 =	vadd.f32 v52, v46;
	v52 =	vadd.f32 $3.780000000e+02, v39;
	[tilespmem:$0x1F770] =	vst v4  }
0x169: {  	v27 =	vmax.f32 v27, $-5.000000000e+00;
	v49 =	vadd.f32 $3.780000000e+02, v47;
	v9 =	vadd.f32 $6.237000000e+04, v9;
	[tilespmem:$0x1F780] =	vst v33  }
0x16a: {  	v42 =	vmul.f32 v52, v39;
	v52 =	vadd.f32 $3.780000000e+02, v38;
	v51 =	vmul.f32 v5, v0;
	v5 =	vld [tilespmem:s0+$0x20]  }
0x16b: {  	v0 =	vmul.f32 v4, v33;
	v9 =	vmul.f32 v9, v47;
	v6 =	vadd.f32 $1.732500000e+04, v6;
	v33 =	vld [tilespmem:s6+$0x20]  }
0x16c: {  	v20 =	vmin.f32 v20, $5.000000000e+00;
	v42 =	vadd.f32 $1.732500000e+04, v42;
	v46 =	vmul.f32 v52, v38;
	v4 =	vld [tilespmem:s0+$0xFFFFFFB0]  }
0x16d: {  	v49 =	vmul.f32 v49, v47;
	v11 =	vld [tilespmem:s0+$0x30];
	v9 =	vadd.f32 $1.351350000e+05, v9;
	v6 =	vmul.f32 v6, v43  }
0x16e: {  	v39 =	vmul.f32 v42, v39;
	v46 =	vadd.f32 $1.732500000e+04, v46;
	v3 =	vld [tilespmem:s6+$0x30];
	v52 =	vadd.f32 v0, v51  }
0x16f: {  	v51 =	vld [tilespmem:s0+$0xFFFFFF30];
	v43 =	vadd.f32 $1.732500000e+04, v49;
	(erf) = vrcp.f32 v9;
	v6 =	vadd.f32 $1.351350000e+05, v6  }
0x170: {  	v22 =	vmin.f32 v22, $5.000000000e+00;
	v39 =	vadd.f32 $1.351350000e+05, v39;
	v0 =	vld [tilespmem:s6+$0xFFFFFF30];
	v9 =	vmul.f32 v46, v38  }
0x171: {  	v49 =	vmovc v24;
	v24 =	vld [tilespmem:s6+$0xFFFFFFB0];
	v38 =	vmul.f32 v43, v47;
	v22 =	vmul.f32 v6, v22;
	v6 =	vmax.f32 v28, $-5.000000000e+00  }
0x172: {  	v20 =	vmul.f32 v39, v20;
	v50 =	vmul.f32 v32, v29;
	v46 =	vmovc v29;
	v29 =	vld [tilespmem:s6+$0xFFFFFF40];
	v28 =	vmin.f32 v6, $5.000000000e+00  }
0x173: {  	v42 =	vmov v32;
	v47 =	vld [tilespmem:s6+$0xFFFFFFC0];
	v32 =	vpop (erf);
	v9 =	vadd.f32 $1.351350000e+05, v9;
	v38 =	vadd.f32 $1.351350000e+05, v38  }
0x174: {  	v27 =	vmin.f32 v27, $5.000000000e+00;
	v39 =	vmul.f32 v41, v40;
	v20 =	vmul.f32 v32, v20;
	v32 =	vld [tilespmem:s0+$0xFFFFFFC0]  }
0x175: {  	v19 =	vadd.f32 v19, v12;
	v6 =	vld [tilespmem:s0+$0xFFFFFF40];
	[tilespmem:$0x1F790] =	vst v2;
	v9 =	vmul.f32 v9, v28;
	v27 =	vmul.f32 v38, v27;
	v28 =	vpop (erf)  }
0x176: {  	[tilespmem:$0x1F7A0] =	vst v1;
	v38 =	vadd.f32 v48, v12;
	v48 =	vmul.f32 v1, v2;
	v22 =	vmul.f32 v28, v22;
	v28 =	vpop (erf)  }
0x177: {  	v39 =	vadd.f32 v39, v50;
	v1 =	vld [tilespmem:s0+$0xFFFFFF50];
	[tilespmem:$0x1F7B0] =	vst v5;
	v9 =	vmul.f32 v28, v9;
	v28 =	vmul.f32 v44, v49  }
0x178: {  	v19 =	vmul.f32 $1.000000010e-01, v19;
	[tilespmem:$0x1F7C0] =	vst v33;
	v43 =	vpop (erf)  }
0x179: {  	v2 =	vld [tilespmem:s6+$0xFFFFFF50];
	[tilespmem:$0x1F7D0] =	vst v0;
	v27 =	vmul.f32 v43, v27;
	v28 =	vadd.f32 v28, v39  }
0x17a: {  	v39 =	vmul.f32 v33, v5;
	v43 =	vadd.f32 v48, v7;
	v33 =	vld [tilespmem:s0+$0xFFFFFFD0];
	v7 =	vmul.f32 v19, v36;
	[tilespmem:$0x1F7E0] =	vst v4  }
0x17b: {  	v8 =	vmul.f32 v19, v8;
	v48 =	vmul.f32 v0, v51;
	[tilespmem:$0x1F7F0] =	vst v24  }
0x17c: {  	[tilespmem:$0x1FC50] =	vst v7  }
0x17d: {  	v7 =	vmul.f32 v24, v4;
	v28 =	vadd.f32 v48, v28;
	v4 =	vld [tilespmem:s6+$0xFFFFFFD0];
	[tilespmem:$0x1FC70] =	vst v8;
	v8 =	vmul.f32 v29, v6;
	_ =	sdelay $0x1  }
0x17e: {  	v50 =	vmov v12;
	v12 =	vmul.f32 v19, v37;
	[tilespmem:$0x1F800] =	vst v6;
	v28 =	vadd.f32 v8, v28;
	v8 =	vld [tilespmem:$0x1F840]  }
0x17f: {  	[tilespmem:$0x1F810] =	vst v29  }
0x180: {  	v6 =	vld [tilespmem:s0+$0xFFFFFF60];
	[tilespmem:$0x1FC80] =	vst v12  }
0x181: {  	[tilespmem:$0x1F820] =	vst v32  }
0x182: {  	[tilespmem:$0x1F830] =	vst v47  }
0x183: {  	v24 =	vld [tilespmem:s6+$0xFFFFFF60];
	[tilespmem:$0x1F850] =	vst v1;
	v8 =	vmul.f32 v19, v8  }
0x184: {  	[tilespmem:$0x1F860] =	vst v2  }
0x185: {  	v39 =	vadd.f32 v39, v52;
	v52 =	vld [tilespmem:$0x1F890];
	[tilespmem:$0x1FC90] =	vst v8  }
0x186: {  	v8 =	vld [tilespmem:s0+$0xFFFFFF70]  }
0x187: {  	v29 =	vld [tilespmem:s6+$0xFFFFFF70]  }
0x188: {  	v20 =	vmul.f32 v20, v14;
	v48 =	vmul.f32 v2, v1;
	v1 =	vld [tilespmem:s0+$0xFFFFFFE0];
	[tilespmem:$0x1F870] =	vst v33  }
0x189: {  	v22 =	vmul.f32 v22, v55;
	v47 =	vmul.f32 v47, v32;
	v32 =	vld [tilespmem:$0x1F8A0];
	[tilespmem:$0x1F880] =	vst v4  }
0x18a: {  	v37 =	vmul.f32 v19, v10;
	v2 =	vld [tilespmem:s6+$0xFFFFFFE0]  }
0x18b: {  	v9 =	vmul.f32 v9, v56;
	v20 =	vadd.f32 v22, v20;
	v10 =	vmul.f32 v4, v33;
	v4 =	vld [tilespmem:s0+$0x40];
	[tilespmem:$0x1F8B0] =	vst v6  }
0x18c: {  	v28 =	vadd.f32 v48, v28;
	v33 =	vmul.f32 v24, v6;
	[tilespmem:$0x1F8C0] =	vst v24  }
0x18d: {  	v9 =	vadd.f32 v20, v9;
	v20 =	vmul.f32 v27, v13;
	v6 =	vld [tilespmem:s6+$0x40]  }
0x18e: {  	v5 =	vmul.f32 $1.000000010e-01, v38;
	v43 =	vadd.f32 v7, v43;
	v27 =	vadd.f32 v33, v28;
	v33 =	vld [tilespmem:$0x1F950]  }
0x18f: {  	v9 =	vadd.f32 v9, v20;
	v38 =	vmul.f32 v19, v52;
	v52 =	vmul.f32 v19, v32;
	v32 =	vld [tilespmem:s0+$0xFFFFFFF0];
	[tilespmem:$0x1F920] =	vst v3  }
0x190: {  	v20 =	vmul.f32 v3, v11;
	v43 =	vadd.f32 v47, v43;
	v3 =	vmul.f32 v19, v17;
	[tilespmem:$0x1F8F0] =	vst v8  }
0x191: {  	[tilespmem:$0x1F900] =	vst v29;
	v28 =	vmul.f32 v29, v8  }
0x192: {  	v22 =	vadd.f32 v10, v43;
	v10 =	vmov v11;
	v11 =	vld [tilespmem:s6+$0xFFFFFFF0];
	[tilespmem:$0x1FCA0] =	vst v3  }
0x193: {  	v47 =	vld [tilespmem:$0x1F8D0];
	[tilespmem:$0x1F930] =	vst v1;
	v27 =	vadd.f32 v28, v27;
	v28 =	vmul.f32 v2, v1;
	v1 =	vmul.f32 v19, v33  }
0x194: {  	v20 =	vadd.f32 v20, v39;
	v39 =	vmul.f32 v19, v16;
	v8 =	vld [tilespmem:$0x1F910];
	[tilespmem:$0x1F940] =	vst v2  }
0x195: {  	v3 =	vld [tilespmem:$0x1F960];
	[tilespmem:$0x1FCB0] =	vst v1  }
0x196: {  	v17 =	vperm.xlane v9, v58;
	v22 =	vadd.f32 v28, v22;
	v28 =	vperm.xlane v27, v58;
	v36 =	vld [tilespmem:s0+$0x50];
	[tilespmem:$0x1FCC0] =	vst v39  }
0x197: {  	v12 =	vld [tilespmem:s6+$0x50]  }
0x198: {  	v9 =	vadd.f32 v9, v17;
	v17 =	vadd.f32 v27, v28;
	[tilespmem:$0x1F990] =	vst v32;
	v27 =	vmul.f32 v11, v32;
	v32 =	vld [tilespmem:$0x1F9A0]  }
0x199: {  	v33 =	vld [tilespmem:$0x1F9B0];
	_ =	sdelay $0x1  }
0x19a: {  	v48 =	vld [tilespmem:$0x1F8E0];
	v43 =	vmul.f32 v19, v47;
	v47 =	vmul.f32 v19, v8  }
0x19b: {  	v8 =	vmul.f32 v19, v3;
	[tilespmem:$0x1F970] =	vst v4;
	v3 =	vmul.f32 v19, v15  }
0x19c: {  	[tilespmem:$0x1F980] =	vst v6;
	v0 =	vmul.f32 v19, v32  }
0x19d: {  	v1 =	vmul.f32 v5, v33;
	[tilespmem:$0x1FCD0] =	vst v3  }
0x19e: {  	[tilespmem:$0x1FCE0] =	vst v0  }
0x19f: {  	v48 =	vmul.f32 v19, v48;
	v19 =	vperm.xlane v9, v61;
	v0 =	vld [tilespmem:s0+$0x60];
	[tilespmem:$0x1FCF0] =	vst v1  }
0x1a0: {  	v1 =	vld [tilespmem:s6+$0x60]  }
0x1a1: {  	v9 =	vadd.f32 v9, v19;
	v19 =	vmul.f32 v12, v36;
	[tilespmem:$0x1F9D0] =	vst v36;
	v36 =	vld [tilespmem:$0x1F9E0];
	_ =	sdelay $0x1  }
0x1a2: {  	v39 =	vld [tilespmem:$0x1F9F0];
	_ =	sdelay $0x1  }
0x1a3: {  	v32 =	vld [tilespmem:$0x1FA00]  }
0x1a4: {  	v3 =	vld [tilespmem:$0x1F9C0];
	v2 =	vmul.f32 v5, v36  }
0x1a5: {  	v16 =	vmul.f32 v6, v4;
	v33 =	vld [tilespmem:$0x1FA10]  }
0x1a6: {  	v36 =	vld [tilespmem:$0x1FA20];
	[tilespmem:$0x1FD10] =	vst v2;
	v2 =	vmul.f32 v5, v39  }
0x1a7: {  	v16 =	vadd.f32 v16, v20;
	v20 =	vadd.f32 v27, v22;
	v22 =	vperm.xlane v17, v61  }
0x1a8: {  	v39 =	vld [tilespmem:$0x1FA30];
	[tilespmem:$0x1FD20] =	vst v2;
	v2 =	vmul.f32 v5, v32  }
0x1a9: {  	v17 =	vadd.f32 v17, v22;
	v22 =	vperm.xlane v20, v58;
	v3 =	vmul.f32 v5, v3  }
0x1aa: {  	v19 =	vadd.f32 v19, v16;
	v16 =	vperm.xlane v9, v63;
	v32 =	vld [tilespmem:$0x1FA40];
	[tilespmem:$0x1FD30] =	vst v2;
	v2 =	vmul.f32 v5, v33  }
0x1ab: {  	[tilespmem:$0x1FD00] =	vst v3;
	v15 =	vmov v1;
	v27 =	vmul.f32 v1, v0;
	v1 =	vmul.f32 v5, v36  }
0x1ac: {  	v20 =	vadd.f32 v20, v22;
	v33 =	vld [tilespmem:$0x1FA50];
	[tilespmem:$0x1FD40] =	vst v2  }
0x1ad: {  	v22 =	vperm.xlane v17, v63;
	v9 =	vadd.f32 v9, v16;
	v16 =	vld [tilespmem:s0+$0x70];
	[tilespmem:$0x1FD50] =	vst v1;
	v1 =	vmul.f32 v5, v39  }
0x1ae: {  	v36 =	vld [tilespmem:$0x1FA60]  }
0x1af: {  	v22 =	vadd.f32 v17, v22;
	v17 =	vld [tilespmem:s6+$0x70];
	[tilespmem:$0x1FD60] =	vst v1;
	v1 =	vmul.f32 v5, v32  }
0x1b0: {  	v39 =	vld [tilespmem:$0x1FA70]  }
0x1b1: {  	v7 =	vld [tilespmem:$0x1FFF0];
	[tilespmem:$0x1FD70] =	vst v1;
	v1 =	vmul.f32 v5, v33  }
0x1b2: {  	v32 =	vld [tilespmem:$0x1FA80]  }
0x1b3: {  	[tilespmem:$0x1FD80] =	vst v1;
	v1 =	vmul.f32 v5, v36  }
0x1b4: {  	v33 =	vld [tilespmem:$0x1FA90]  }
0x1b5: {  	[tilespmem:$0x1FD90] =	vst v1;
	v1 =	vmul.f32 v5, v39  }
0x1b6: {  	v36 =	vld [tilespmem:$0x1FAA0]  }
0x1b7: {  	v19 =	vadd.f32 v27, v19;
	v27 =	vperm.xlane v9, v7;
	[tilespmem:$0x1FDA0] =	vst v1;
	v1 =	vmul.f32 v5, v32  }
0x1b8: {  	v39 =	vld [tilespmem:$0x1FAB0]  }
0x1b9: {  	v9 =	vadd.f32 v9, v27;
	[tilespmem:$0x1FDB0] =	vst v1;
	v1 =	vmul.f32 v5, v33  }
0x1ba: {  	v32 =	vld [tilespmem:$0x1FAC0]  }
0x1bb: {  	v9 =	vadd.f32 v9, v50;
	[tilespmem:$0x1FDC0] =	vst v1;
	v1 =	vmul.f32 v5, v36  }
0x1bc: {  	v33 =	vld [tilespmem:$0x1FAD0]  }
0x1bd: {  	v4 =	vmul.f32 $1.000000010e-01, v9;
	[tilespmem:$0x1FDD0] =	vst v1;
	v1 =	vmul.f32 v5, v39;
	_ =	sdelay $0x1  }
0x1be: {  	[tilespmem:$0x1FDF0] =	vst v1;
	v1 =	vmul.f32 v4, v32  }
0x1bf: {  	v28 =	vperm.xlane v20, v61  }
0x1c0: {  	v36 =	vmul.f32 v4, v25;
	[tilespmem:$0x1FE20] =	vst v1;
	v1 =	vmul.f32 v4, v33;
	v33 =	vld [tilespmem:$0x1FAF0];
	_ =	sdelay $0x1  }
0x1c1: {  	v20 =	vadd.f32 v20, v28;
	v28 =	vperm.xlane v22, v7;
	[tilespmem:$0x1FE40] =	vst v36;
	v36 =	vld [tilespmem:$0x1FB00];
	_ =	sdelay $0x1  }
0x1c2: {  	v29 =	vadd.f32 v22, v28;
	v27 =	vperm.xlane v20, v63;
	v32 =	vld [tilespmem:$0x1FAE0]  }
0x1c3: {  	v2 =	vmul.f32 v4, v33  }
0x1c4: {  	v20 =	vadd.f32 v20, v27;
	v27 =	vmul.f32 v29, v59;
	v28 =	vmul.f32 v17, v16  }
0x1c5: {  	[tilespmem:$0x1FE60] =	vst v2;
	v2 =	vmul.f32 v4, v36;
	v36 =	vmul.f32 v4, v18  }
0x1c6: {  	v19 =	vadd.f32 v28, v19;
	v39 =	vadd.f32 v27, v57;
	v5 =	vperm.xlane v20, v7;
	[tilespmem:$0x1FE30] =	vst v1  }
0x1c7: {  	v1 =	vmul.f32 v4, v32;
	[tilespmem:$0x1FE80] =	vst v36;
	v36 =	vmul.f32 v4, v21  }
0x1c8: {  	v9 =	vperm.xlane v19, v58;
	v28 =	vadd.f32 v20, v5;
	v20 =	vmul.f32 v39, v39  }
0x1c9: {  	v25 =	vmul.f32 v29, v60;
	[tilespmem:$0x1FEA0] =	vst v36;
	v36 =	vmul.f32 v4, v26  }
0x1ca: {  	v19 =	vadd.f32 v19, v9;
	v24 =	vmin.f32 v20, $2.500000000e+01;
	v20 =	vmul.f32 v28, v59;
	[tilespmem:$0x1FE50] =	vst v1  }
0x1cb: {  	v32 =	vadd.f32 v25, v23;
	v1 =	vmov v23;
	v23 =	vmul.f32 $2.800000000e+01, v24;
	[tilespmem:$0x1FEC0] =	vst v36;
	v36 =	vld [tilespmem:$0x1FB10]  }
0x1cc: {  	v33 =	vadd.f32 v20, v57;
	v20 =	vperm.xlane v19, v61  }
0x1cd: {  	v35 =	vmul.f32 v4, v35;
	v18 =	vadd.f32 $3.150000000e+03, v23  }
0x1ce: {  	v45 =	vmul.f32 v4, v45;
	v19 =	vadd.f32 v19, v20;
	v20 =	vmul.f32 v32, v32  }
0x1cf: {  	[tilespmem:$0x1FE90] =	vst v35;
	v23 =	vmul.f32 v33, v33;
	v18 =	vmul.f32 v18, v24  }
0x1d0: {  	[tilespmem:$0x1FE70] =	vst v2;
	v35 =	vmin.f32 v20, $2.500000000e+01;
	v2 =	vmul.f32 v4, v36;
	v36 =	vmul.f32 v4, v31  }
0x1d1: {  	[tilespmem:$0x1FEB0] =	vst v45;
	v20 =	vperm.xlane v19, v63;
	v18 =	vadd.f32 $6.237000000e+04, v18;
	v31 =	vmul.f32 v4, v62  }
0x1d2: {  	v45 =	vmin.f32 v23, $2.500000000e+01;
	[tilespmem:$0x1FEE0] =	vst v36;
	v36 =	vmul.f32 v4, v30;
	v30 =	vld [tilespmem:$0x1FB20]  }
0x1d3: {  	v19 =	vadd.f32 v19, v20;
	v20 =	vmul.f32 $2.800000000e+01, v45;
	v18 =	vmul.f32 v18, v24;
	[tilespmem:$0x1FEF0] =	vst v31;
	v31 =	vld [tilespmem:$0x1FB30];
	_ =	sdelay $0x1  }
0x1d4: {  	v23 =	vperm.xlane v19, v7;
	v20 =	vadd.f32 $3.150000000e+03, v20;
	v18 =	vadd.f32 $1.351350000e+05, v18;
	_ =	sdelay $0x1  }
0x1d5: {  	v62 =	vadd.f32 v19, v23;
	v19 =	vmul.f32 v20, v45;
	(erf) = vrcp.f32 v18  }
0x1d6: {  	v18 =	vmul.f32 v30, v14;
	v20 =	vmul.f32 v31, v55  }
0x1d7: {  	v3 =	vld [tilespmem:$0x1FB40]  }
0x1d8: {  	v34 =	vmul.f32 v4, v34;
	v18 =	vadd.f32 v20, v18;
	v20 =	vmul.f32 v62, v59;
	v59 =	vld [tilespmem:$0x1FB50];
	_ =	sdelay $0x1  }
0x1d9: {  	[tilespmem:$0x1FF00] =	vst v34  }
0x1da: {  	[tilespmem:$0x1FED0] =	vst v2  }
0x1db: {  	v23 =	vmul.f32 v3, v56;
	v3 =	vld [tilespmem:$0x1FF90];
	[tilespmem:$0x1FF10] =	vst v36  }
0x1dc: {  	v36 =	vld [tilespmem:$0x1FF70];
	[tilespmem:s31+$0x80] =	vst v59  }
0x1dd: {  	v2 =	vld [tilespmem:$0x1FB60];
	_ =	sdelay $0x4  }
0x1de: {  	[tilespmem:s30+$0x80] =	vst v2  }
0x1df: {  	v2 =	vld [tilespmem:$0x1FB70];
	_ =	sdelay $0x4  }
0x1e0: {  	[tilespmem:s31+$0x90] =	vst v2  }
0x1e1: {  	v2 =	vld [tilespmem:$0x1FB80];
	_ =	sdelay $0x4  }
0x1e2: {  	[tilespmem:s30+$0x90] =	vst v2  }
0x1e3: {  	v2 =	vld [tilespmem:$0x1FB90];
	_ =	sdelay $0x4  }
0x1e4: {  	[tilespmem:s31+$0xA0] =	vst v2  }
0x1e5: {  	v2 =	vld [tilespmem:$0x1FBA0];
	_ =	sdelay $0x4  }
0x1e6: {  	[tilespmem:s30+$0xA0] =	vst v2  }
0x1e7: {  	v2 =	vld [tilespmem:$0x1FBB0];
	_ =	sdelay $0x4  }
0x1e8: {  	[tilespmem:s31+$0xB0] =	vst v2  }
0x1e9: {  	v2 =	vld [tilespmem:$0x1FBC0];
	_ =	sdelay $0x4  }
0x1ea: {  	[tilespmem:s30+$0xB0] =	vst v2  }
0x1eb: {  	v2 =	vld [tilespmem:$0x1FBD0];
	_ =	sdelay $0x4  }
0x1ec: {  	[tilespmem:s31+$0xC0] =	vst v2  }
0x1ed: {  	v2 =	vld [tilespmem:$0x1FBE0]  }
0x1ee: {  	v21 =	vmul.f32 $2.800000000e+01, v35;
	_ =	sdelay $0x1  }
0x1ef: {  	v21 =	vadd.f32 $3.150000000e+03, v21;
	_ =	sdelay $0x1  }
0x1f0: {  	v21 =	vmul.f32 v21, v35;
	v6 =	vld [tilespmem:$0x1FFA0];
	[tilespmem:s30+$0xC0] =	vst v2  }
0x1f1: {  	v2 =	vld [tilespmem:$0x1FBF0]  }
0x1f2: {  	v4 =	vadd.f32 $6.237000000e+04, v21  }
0x1f3: {  	v19 =	vadd.f32 $6.237000000e+04, v19  }
0x1f4: {  	v4 =	vmul.f32 v4, v35  }
0x1f5: {  	v34 =	vmov v60;
	v21 =	vmul.f32 v28, v60;
	v19 =	vmul.f32 v19, v45  }
0x1f6: {  	v4 =	vadd.f32 $1.351350000e+05, v4;
	v57 =	vadd.f32 v20, v57;
	v20 =	vmul.f32 v62, v34;
	[tilespmem:s31+$0xD0] =	vst v2  }
0x1f7: {  	v60 =	vadd.f32 v21, v1;
	v19 =	vadd.f32 $1.351350000e+05, v19;
	v2 =	vld [tilespmem:$0x1FC00]  }
0x1f8: {  	(erf) = vrcp.f32 v4;
	v31 =	vadd.f32 v20, v1;
	v20 =	vmul.f32 v28, v36  }
0x1f9: {  	v4 =	vmul.f32 v60, v60;
	(erf) = vrcp.f32 v19  }
0x1fa: {  	v19 =	vmul.f32 v29, v36;
	v34 =	vadd.f32 v20, v3;
	v20 =	vmul.f32 v62, v36  }
0x1fb: {  	v30 =	vadd.f32 v18, v23;
	v18 =	vmul.f32 v57, v57  }
0x1fc: {  	v21 =	vmin.f32 v4, $2.500000000e+01;
	v1 =	vadd.f32 v19, v3;
	v36 =	vadd.f32 v20, v3;
	v3 =	vld [tilespmem:$0x1FFB0];
	[tilespmem:s30+$0xD0] =	vst v2  }
0x1fd: {  	v25 =	vmul.f32 $2.800000000e+01, v21;
	v23 =	vmin.f32 v18, $2.500000000e+01;
	v18 =	vmul.f32 v31, v31;
	v2 =	vld [tilespmem:$0x1FC10];
	_ =	sdelay $0x1  }
0x1fe: {  	v22 =	vmin.f32 v18, $2.500000000e+01;
	v18 =	vadd.f32 $3.150000000e+03, v25  }
0x1ff: {  	v19 =	vmul.f32 $2.800000000e+01, v23;
	v25 =	vmul.f32 v1, v1  }
0x200: {  	v5 =	vmul.f32 $2.800000000e+01, v22;
	v18 =	vmul.f32 v18, v21  }
0x201: {  	v4 =	vmul.f32 v34, v34;
	v19 =	vadd.f32 $3.150000000e+03, v19;
	v27 =	vmin.f32 v25, $2.500000000e+01;
	[tilespmem:s31+$0xE0] =	vst v2  }
0x202: {  	v5 =	vadd.f32 $3.150000000e+03, v5;
	v9 =	vadd.f32 $6.237000000e+04, v18;
	v18 =	vmul.f32 v36, v36;
	v2 =	vld [tilespmem:$0x1FC20]  }
0x203: {  	v26 =	vmin.f32 v4, $2.500000000e+01;
	v25 =	vmul.f32 v19, v23;
	v4 =	vmul.f32 $2.800000000e+01, v27  }
0x204: {  	v19 =	vmul.f32 v5, v22;
	v5 =	vmul.f32 $2.800000000e+01, v26;
	v20 =	vmin.f32 v18, $2.500000000e+01  }
0x205: {  	v9 =	vmul.f32 v9, v21;
	v18 =	vadd.f32 $3.150000000e+03, v4;
	v4 =	vmul.f32 $2.800000000e+01, v20  }
0x206: {  	v25 =	vadd.f32 $6.237000000e+04, v25;
	v5 =	vadd.f32 $3.150000000e+03, v5  }
0x207: {  	v9 =	vadd.f32 $1.351350000e+05, v9;
	v18 =	vmul.f32 v18, v27;
	v4 =	vadd.f32 $3.150000000e+03, v4;
	[tilespmem:s30+$0xE0] =	vst v2  }
0x208: {  	v19 =	vadd.f32 $6.237000000e+04, v19;
	v25 =	vmul.f32 v25, v23;
	v5 =	vmul.f32 v5, v26;
	v2 =	vld [tilespmem:$0x1FC30]  }
0x209: {  	(erf) = vrcp.f32 v9;
	v9 =	vadd.f32 $6.237000000e+04, v18;
	v4 =	vmul.f32 v4, v20  }
0x20a: {  	v19 =	vmul.f32 v19, v22;
	v25 =	vadd.f32 $1.351350000e+05, v25;
	v5 =	vadd.f32 $6.237000000e+04, v5  }
0x20b: {  	v9 =	vmul.f32 v9, v27;
	v4 =	vadd.f32 $6.237000000e+04, v4  }
0x20c: {  	(erf) = vrcp.f32 v25;
	v18 =	vadd.f32 $1.351350000e+05, v19;
	v5 =	vmul.f32 v5, v26  }
0x20d: {  	v19 =	vadd.f32 $3.780000000e+02, v24;
	v9 =	vadd.f32 $1.351350000e+05, v9;
	v4 =	vmul.f32 v4, v20;
	[tilespmem:s31+$0xF0] =	vst v2  }
0x20e: {  	(erf) = vrcp.f32 v18;
	v5 =	vadd.f32 $1.351350000e+05, v5;
	v25 =	vmul.f32 v29, v6;
	v2 =	vld [tilespmem:$0x1FC40]  }
0x20f: {  	v18 =	vadd.f32 $3.780000000e+02, v35;
	(erf) = vrcp.f32 v9;
	v4 =	vadd.f32 $1.351350000e+05, v4  }
0x210: {  	v19 =	vmul.f32 v19, v24;
	(erf) = vrcp.f32 v5;
	v25 =	vadd.f32 v25, v3  }
0x211: {  	v18 =	vmul.f32 v18, v35;
	(erf) = vrcp.f32 v4  }
0x212: {  	v19 =	vadd.f32 $1.732500000e+04, v19;
	v4 =	vmul.f32 v28, v6;
	v5 =	vmul.f32 v25, v25  }
0x213: {  	v9 =	vadd.f32 $1.732500000e+04, v18;
	[tilespmem:s30+$0xF0] =	vst v2  }
0x214: {  	v18 =	vmul.f32 v19, v24;
	v59 =	vmovc v3;
	v24 =	vmin.f32 v5, $2.500000000e+01;
	v5 =	vadd.f32 v4, v3;
	v3 =	vld [tilespmem:$0x1FC50];
	_ =	sdelay $0x3  }
0x215: {  	v29 =	vmul.f32 v62, v6  }
0x216: {  	[tilespmem:s31+$0xFFFFFF00] =	vst v3  }
0x217: {  	v4 =	vadd.f32 v29, v59;
	v59 =	vld [tilespmem:$0x1FC70];
	_ =	sdelay $0x4  }
0x218: {  	v3 =	vld [tilespmem:$0x1FC60];
	[tilespmem:s30+$0xFFFFFF00] =	vst v59  }
0x219: {  	v2 =	vld [tilespmem:$0x1FC80];
	_ =	sdelay $0x4  }
0x21a: {  	[tilespmem:s31+$0xFFFFFF10] =	vst v2  }
0x21b: {  	v28 =	vadd.f32 $3.780000000e+02, v21;
	v2 =	vld [tilespmem:$0x1FC90];
	_ =	sdelay $0x1  }
0x21c: {  	v28 =	vmul.f32 v28, v21  }
0x21d: {  	v19 =	vadd.f32 $3.780000000e+02, v45  }
0x21e: {  	v28 =	vadd.f32 $1.732500000e+04, v28;
	v62 =	vmul.f32 v3, v13  }
0x21f: {  	v9 =	vmul.f32 v9, v35;
	v19 =	vmul.f32 v19, v45;
	[tilespmem:s30+$0xFFFFFF10] =	vst v2  }
0x220: {  	v21 =	vmul.f32 v28, v21;
	v59 =	vmul.f32 v5, v5;
	v30 =	vadd.f32 v30, v62;
	[tilespmem:s31+$0xFFFFFF20] =	vst v37  }
0x221: {  	v35 =	vmul.f32 $2.800000000e+01, v24;
	v62 =	vmul.f32 v4, v4;
	[tilespmem:s30+$0xFFFFFF20] =	vst v38  }
0x222: {  	v28 =	vmin.f32 v59, $2.500000000e+01;
	v59 =	vperm.xlane v30, v58;
	v2 =	vadd.f32 $3.780000000e+02, v23;
	[tilespmem:s31+$0xFFFFFF30] =	vst v52  }
0x223: {  	v19 =	vadd.f32 $1.732500000e+04, v19;
	v29 =	vadd.f32 $3.150000000e+03, v35;
	v35 =	vmin.f32 v62, $2.500000000e+01;
	[tilespmem:s30+$0xFFFFFF30] =	vst v43  }
0x224: {  	v30 =	vadd.f32 v30, v59;
	v59 =	vmul.f32 v2, v23;
	v2 =	vmul.f32 $2.800000000e+01, v35;
	[tilespmem:s31+$0xFFFFFF40] =	vst v48  }
0x225: {  	[tilespmem:s30+$0xFFFFFF40] =	vst v47  }
0x226: {  	v19 =	vmul.f32 v19, v45;
	v45 =	vadd.f32 $3.150000000e+03, v2;
	v2 =	vld [tilespmem:$0x1FCA0];
	_ =	sdelay $0x4  }
0x227: {  	[tilespmem:s31+$0xFFFFFF50] =	vst v2  }
0x228: {  	v2 =	vld [tilespmem:$0x1FCB0];
	_ =	sdelay $0x4  }
0x229: {  	[tilespmem:s30+$0xFFFFFF50] =	vst v2  }
0x22a: {  	v2 =	vld [tilespmem:$0x1FCC0]  }
0x22b: {  	v37 =	vadd.f32 $1.732500000e+04, v59;
	v59 =	vperm.xlane v30, v61;
	_ =	sdelay $0x1  }
0x22c: {  	v30 =	vadd.f32 v30, v59;
	_ =	sdelay $0x1  }
0x22d: {  	[tilespmem:s31+$0xFFFFFF60] =	vst v2;
	v2 =	vperm.xlane v30, v63  }
0x22e: {  	[tilespmem:s30+$0xFFFFFF60] =	vst v8  }
0x22f: {  	v30 =	vadd.f32 v30, v2;
	v2 =	vld [tilespmem:$0x1FCD0];
	_ =	sdelay $0x4  }
0x230: {  	[tilespmem:s31+$0xFFFFFF70] =	vst v2  }
0x231: {  	v2 =	vld [tilespmem:$0x1FCE0];
	_ =	sdelay $0x4  }
0x232: {  	[tilespmem:s30+$0xFFFFFF70] =	vst v2  }
0x233: {  	v2 =	vld [tilespmem:$0x1FCF0];
	_ =	sdelay $0x4  }
0x234: {  	[tilespmem:s31+$0xFFFFFF80] =	vst v2  }
0x235: {  	v2 =	vld [tilespmem:$0x1FD00];
	_ =	sdelay $0x4  }
0x236: {  	[tilespmem:s30+$0xFFFFFF80] =	vst v2  }
0x237: {  	v2 =	vld [tilespmem:$0x1FD10];
	_ =	sdelay $0x4  }
0x238: {  	[tilespmem:s31+$0xFFFFFF90] =	vst v2  }
0x239: {  	v2 =	vld [tilespmem:$0x1FD20];
	_ =	sdelay $0x4  }
0x23a: {  	[tilespmem:s30+$0xFFFFFF90] =	vst v2  }
0x23b: {  	v2 =	vld [tilespmem:$0x1FD30];
	_ =	sdelay $0x4  }
0x23c: {  	[tilespmem:s31+$0xFFFFFFA0] =	vst v2  }
0x23d: {  	v2 =	vld [tilespmem:$0x1FD40];
	_ =	sdelay $0x4  }
0x23e: {  	[tilespmem:s30+$0xFFFFFFA0] =	vst v2  }
0x23f: {  	v2 =	vld [tilespmem:$0x1FD50];
	_ =	sdelay $0x4  }
0x240: {  	[tilespmem:s31+$0xFFFFFFB0] =	vst v2  }
0x241: {  	v2 =	vld [tilespmem:$0x1FD60];
	_ =	sdelay $0x4  }
0x242: {  	[tilespmem:s30+$0xFFFFFFB0] =	vst v2  }
0x243: {  	v2 =	vld [tilespmem:$0x1FD70]  }
0x244: {  	v29 =	vmul.f32 v29, v24;
	_ =	sdelay $0x1  }
0x245: {  	v29 =	vadd.f32 $6.237000000e+04, v29;
	v38 =	vmul.f32 $2.800000000e+01, v28;
	_ =	sdelay $0x1  }
0x246: {  	v29 =	vmul.f32 v29, v24;
	v38 =	vadd.f32 $3.150000000e+03, v38;
	[tilespmem:s31+$0xFFFFFFC0] =	vst v2  }
0x247: {  	v62 =	vadd.f32 $3.780000000e+02, v22;
	v2 =	vld [tilespmem:$0x1FD80]  }
0x248: {  	v29 =	vadd.f32 $1.351350000e+05, v29;
	v38 =	vmul.f32 v38, v28  }
0x249: {  	v52 =	vmul.f32 v62, v22  }
0x24a: {  	(erf) = vrcp.f32 v29;
	v29 =	vadd.f32 $6.237000000e+04, v38  }
0x24b: {  	v43 =	vadd.f32 $1.732500000e+04, v52;
	v62 =	vmul.f32 v45, v35  }
0x24c: {  	v48 =	vadd.f32 $3.780000000e+02, v27;
	v52 =	vadd.f32 $3.780000000e+02, v26;
	v29 =	vmul.f32 v29, v28;
	[tilespmem:s30+$0xFFFFFFC0] =	vst v2  }
0x24d: {  	v23 =	vmul.f32 v37, v23;
	v37 =	vadd.f32 $6.237000000e+04, v62;
	v2 =	vld [tilespmem:$0x1FD90]  }
0x24e: {  	v62 =	vmul.f32 v48, v27;
	v48 =	vmul.f32 v52, v26;
	v29 =	vadd.f32 $1.351350000e+05, v29;
	_ =	sdelay $0x1  }
0x24f: {  	(erf) = vrcp.f32 v29;
	v29 =	vadd.f32 $1.732500000e+04, v48;
	_ =	sdelay $0x1  }
0x250: {  	v18 =	vadd.f32 $1.351350000e+05, v18;
	v26 =	vmul.f32 v29, v26;
	v29 =	vmax.f32 v39, $-5.000000000e+00;
	[tilespmem:s31+$0xFFFFFFD0] =	vst v2  }
0x251: {  	v32 =	vmax.f32 v32, $-5.000000000e+00;
	v9 =	vadd.f32 $1.351350000e+05, v9;
	v29 =	vmin.f32 v29, $5.000000000e+00;
	v47 =	vld [tilespmem:$0x1FDA0]  }
0x252: {  	v29 =	vmul.f32 v18, v29;
	v18 =	vmin.f32 v32, $5.000000000e+00  }
0x253: {  	v9 =	vmul.f32 v9, v18;
	v18 =	vadd.f32 $1.351350000e+05, v21;
	_ =	sdelay $0x1  }
0x254: {  	v21 =	vadd.f32 $1.351350000e+05, v23;
	v23 =	vmax.f32 v60, $-5.000000000e+00  }
0x255: {  	v23 =	vmin.f32 v23, $5.000000000e+00;
	[tilespmem:s30+$0xFFFFFFD0] =	vst v47  }
0x256: {  	v23 =	vmul.f32 v18, v23;
	v18 =	vmov v0;
	v0 =	vld [tilespmem:$0x1FDB0];
	_ =	sdelay $0x4  }
0x257: {  	[tilespmem:s31+$0xFFFFFFE0] =	vst v0  }
0x258: {  	v0 =	vld [tilespmem:$0x1FDC0];
	_ =	sdelay $0x4  }
0x259: {  	[tilespmem:s30+$0xFFFFFFE0] =	vst v0  }
0x25a: {  	v0 =	vld [tilespmem:$0x1FDD0]  }
0x25b: {  	v59 =	vadd.f32 $3.780000000e+02, v20;
	_ =	sdelay $0x1  }
0x25c: {  	v52 =	vmul.f32 v59, v20;
	v59 =	vperm.xlane v30, v7;
	_ =	sdelay $0x1  }
0x25d: {  	v30 =	vadd.f32 v30, v59;
	[tilespmem:s31+$0xFFFFFFF0] =	vst v0  }
0x25e: {  	v0 =	vld [tilespmem:$0x1FDE0]  }
0x25f: {  	v22 =	vmul.f32 v43, v22;
	v43 =	vmax.f32 v57, $-5.000000000e+00;
	v30 =	vadd.f32 v30, v50;
	v57 =	vld [tilespmem:$0x1FDF0]  }
0x260: {  	v45 =	vadd.f32 $3.780000000e+02, v24  }
0x261: {  	v32 =	vmin.f32 v43, $5.000000000e+00;
	v59 =	vmul.f32 $1.000000010e-01, v30  }
0x262: {  	v21 =	vmul.f32 v21, v32;
	v32 =	vmul.f32 v45, v24  }
0x263: {  	v38 =	vadd.f32 $1.732500000e+04, v62;
	v62 =	vadd.f32 $1.732500000e+04, v52;
	v52 =	vmul.f32 v59, v0  }
0x264: {  	v32 =	vadd.f32 $1.732500000e+04, v32;
	[tilespmem:s30+$0xFFFFFFF0] =	vst v57  }
0x265: {  	v0 =	vld [tilespmem:$0x1FE00];
	[tilespmem:s31+$0x0] =	vst v52  }
0x266: {  	v24 =	vmul.f32 v32, v24;
	v32 =	vld [tilespmem:$0x1FE10];
	_ =	sdelay $0x2  }
0x267: {  	v33 =	vmax.f32 v33, $-5.000000000e+00;
	v19 =	vadd.f32 $1.351350000e+05, v19  }
0x268: {  	v39 =	vmin.f32 v33, $5.000000000e+00;
	v60 =	vmul.f32 v59, v0  }
0x269: {  	v19 =	vmul.f32 v19, v39;
	v39 =	vmul.f32 v59, v32  }
0x26a: {  	v50 =	vadd.f32 $3.780000000e+02, v35;
	[tilespmem:s30+$0x0] =	vst v60  }
0x26b: {  	[tilespmem:s31+$0x10] =	vst v39  }
0x26c: {  	v33 =	vmul.f32 v50, v35;
	v50 =	vld [tilespmem:$0x1FE20];
	_ =	sdelay $0x4  }
0x26d: {  	[tilespmem:s6+$0x80] =	vst v50  }
0x26e: {  	v0 =	vld [tilespmem:$0x1FE30];
	_ =	sdelay $0x4  }
0x26f: {  	[tilespmem:s0+$0x80] =	vst v0  }
0x270: {  	v0 =	vld [tilespmem:$0x1FE40];
	_ =	sdelay $0x4  }
0x271: {  	[tilespmem:s6+$0x90] =	vst v0  }
0x272: {  	v0 =	vld [tilespmem:$0x1FE50];
	_ =	sdelay $0x4  }
0x273: {  	[tilespmem:s0+$0x90] =	vst v0  }
0x274: {  	v0 =	vld [tilespmem:$0x1FE60];
	_ =	sdelay $0x4  }
0x275: {  	[tilespmem:s6+$0xA0] =	vst v0  }
0x276: {  	v0 =	vld [tilespmem:$0x1FE70];
	_ =	sdelay $0x4  }
0x277: {  	[tilespmem:s0+$0xA0] =	vst v0  }
0x278: {  	v0 =	vld [tilespmem:$0x1FE80];
	_ =	sdelay $0x4  }
0x279: {  	[tilespmem:s6+$0xB0] =	vst v0  }
0x27a: {  	v0 =	vld [tilespmem:$0x1FE90];
	_ =	sdelay $0x4  }
0x27b: {  	[tilespmem:s0+$0xB0] =	vst v0  }
0x27c: {  	v0 =	vld [tilespmem:$0x1FEA0];
	_ =	sdelay $0x4  }
0x27d: {  	[tilespmem:s6+$0xC0] =	vst v0  }
0x27e: {  	v0 =	vld [tilespmem:$0x1FEB0];
	_ =	sdelay $0x4  }
0x27f: {  	[tilespmem:s0+$0xC0] =	vst v0  }
0x280: {  	v0 =	vld [tilespmem:$0x1FEC0];
	_ =	sdelay $0x4  }
0x281: {  	[tilespmem:s6+$0xD0] =	vst v0  }
0x282: {  	v0 =	vld [tilespmem:$0x1FED0];
	_ =	sdelay $0x4  }
0x283: {  	[tilespmem:s0+$0xD0] =	vst v0  }
0x284: {  	v0 =	vld [tilespmem:$0x1FEE0];
	_ =	sdelay $0x1  }
0x285: {  	v31 =	vmax.f32 v31, $-5.000000000e+00  }
0x286: {  	v31 =	vmin.f32 v31, $5.000000000e+00  }
0x287: {  	v25 =	vmax.f32 v25, $-5.000000000e+00;
	v22 =	vadd.f32 $1.351350000e+05, v22;
	v37 =	vmul.f32 v37, v35  }
0x288: {  	v5 =	vmax.f32 v5, $-5.000000000e+00;
	v20 =	vmul.f32 v62, v20;
	v48 =	vadd.f32 $3.780000000e+02, v28;
	v62 =	vpop (erf);
	[tilespmem:s6+$0xE0] =	vst v0  }
0x289: {  	v5 =	vmin.f32 v5, $5.000000000e+00;
	v22 =	vmul.f32 v22, v31;
	v37 =	vadd.f32 $1.351350000e+05, v37;
	v43 =	vpop (erf);
	v0 =	vld [tilespmem:$0x1FEF0]  }
0x28a: {  	v4 =	vmax.f32 v4, $-5.000000000e+00;
	v27 =	vmul.f32 v38, v27;
	v9 =	vmul.f32 v43, v9  }
0x28b: {  	v20 =	vadd.f32 $1.351350000e+05, v20;
	(erf) = vrcp.f32 v37;
	v29 =	vmul.f32 v62, v29;
	v47 =	vpop (erf)  }
0x28c: {  	v26 =	vadd.f32 $1.351350000e+05, v26;
	v9 =	vmul.f32 v9, v55;
	v30 =	vmul.f32 v48, v28;
	v48 =	vpop (erf)  }
0x28d: {  	v24 =	vadd.f32 $1.351350000e+05, v24;
	v33 =	vadd.f32 $1.732500000e+04, v33;
	v52 =	vmul.f32 v47, v19;
	v19 =	vpop (erf)  }
0x28e: {  	v21 =	vmul.f32 v19, v21;
	v19 =	vadd.f32 $1.351350000e+05, v27;
	v27 =	vmax.f32 v1, $-5.000000000e+00;
	[tilespmem:s0+$0xE0] =	vst v0  }
0x28f: {  	v30 =	vadd.f32 $1.732500000e+04, v30;
	v57 =	vmax.f32 v34, $-5.000000000e+00;
	v27 =	vmin.f32 v27, $5.000000000e+00;
	v60 =	vpop (erf);
	v0 =	vld [tilespmem:$0x1FF00]  }
0x290: {  	v45 =	vmul.f32 v33, v35;
	v33 =	vmul.f32 v60, v22;
	v22 =	vmin.f32 v57, $5.000000000e+00  }
0x291: {  	v19 =	vmul.f32 v19, v27;
	v22 =	vmul.f32 v26, v22;
	v26 =	vmax.f32 v36, $-5.000000000e+00  }
0x292: {  	v28 =	vmul.f32 v30, v28;
	v23 =	vmul.f32 v48, v23;
	v27 =	vpop (erf);
	v26 =	vmin.f32 v26, $5.000000000e+00  }
0x293: {  	v20 =	vmul.f32 v20, v26;
	v26 =	vmul.f32 v27, v19;
	v19 =	vmin.f32 v25, $5.000000000e+00;
	v25 =	vpop (erf)  }
0x294: {  	v62 =	vmul.f32 v25, v22;
	v24 =	vmul.f32 v24, v19;
	v19 =	vadd.f32 $1.351350000e+05, v28;
	v25 =	vpop (erf);
	[tilespmem:s6+$0xF0] =	vst v0  }
0x295: {  	v23 =	vmul.f32 v23, v55;
	v22 =	vadd.f32 $1.351350000e+05, v45;
	v28 =	vmul.f32 v25, v20;
	v0 =	vld [tilespmem:$0x1FF10]  }
0x296: {  	v4 =	vmin.f32 v4, $5.000000000e+00;
	v19 =	vmul.f32 v19, v5;
	v5 =	vmul.f32 v29, v14  }
0x297: {  	v20 =	vmul.f32 v52, v14;
	v4 =	vmul.f32 v22, v4  }
0x298: {  	v22 =	vadd.f32 v9, v5;
	v5 =	vmul.f32 v21, v14;
	v9 =	vmul.f32 v33, v55;
	v21 =	vpop (erf)  }
0x299: {  	v27 =	vmul.f32 v26, v56;
	v20 =	vadd.f32 v23, v20;
	v25 =	vmul.f32 v21, v24;
	v26 =	vpop (erf)  }
0x29a: {  	s3 =	simm.s32 $0x4;
	s4 =	simm.s32 $0x600;
	s2 =	simm.s32 $0x4400;
	v24 =	vmul.f32 v62, v56;
	v5 =	vadd.f32 v9, v5;
	v9 =	vmul.f32 v28, v56;
	v23 =	vpop (erf);
	[tilespmem:s0+$0xF0] =	vst v0  }
.LBB2_3:
0x29b: {  	v8 =	vld [tilespmem:s4+$0x80]  }
0x29c: {  	v2 =	vld [tilespmem:s4+$0x90]  }
0x29d: {  	v0 =	vld [tilespmem:$0x1F660]  }
0x29e: {  	v45 =	vld [tilespmem:$0x1F680]  }
0x29f: {  	v1 =	vld [tilespmem:$0x1F780]  }
0x2a0: {  	v3 =	vld [tilespmem:s4+$0xA0]  }
0x2a1: {  	v48 =	vld [tilespmem:$0x1F670]  }
0x2a2: {  	v50 =	vld [tilespmem:$0x1F7B0]  }
0x2a3: {  	v55 =	vld [tilespmem:$0x1F690]  }
0x2a4: {  	v56 =	vld [tilespmem:$0x1F7C0]  }
0x2a5: {  	v57 =	vld [tilespmem:$0x1F920]  }
0x2a6: {  	v62 =	vld [tilespmem:s4+$0xB0]  }
0x2a7: {  	v43 =	vld [tilespmem:$0x1F6A0]  }
0x2a8: {  	s6 =	sadd.s32 $0x200, s6;
	v13 =	vld [tilespmem:s4+$0xC0]  }
0x2a9: {  	[tilespmem:$0x1F4F0] =	vst v11;
	v14 =	vld [tilespmem:s6+$0x90]  }
0x2aa: {  	v21 =	vld [tilespmem:$0x1FF50];
	[tilespmem:$0x1F500] =	vst v8  }
0x2ab: {  	v22 =	vadd.f32 v22, v27;
	v27 =	vld [tilespmem:$0x1FF20];
	[tilespmem:$0x1F540] =	vst v3  }
0x2ac: {  	v26 =	vmul.f32 v26, v19;
	v19 =	vld [tilespmem:s6+$0xA0];
	[tilespmem:$0x1F560] =	vst v62  }
0x2ad: {  	v34 =	vld [tilespmem:s6+$0x80];
	[tilespmem:$0x1F570] =	vst v13  }
0x2ae: {  	v24 =	vadd.f32 v20, v24;
	v20 =	vld [tilespmem:s6+$0xB0];
	v47 =	vmov v1;
	[tilespmem:$0x1F510] =	vst v14  }
0x2af: {  	v30 =	vld [tilespmem:s6+$0xC0];
	v52 =	vmov v50;
	[tilespmem:$0x1F660] =	vst v47  }
0x2b0: {  	v4 =	vmul.f32 v23, v4;
	v11 =	vld [tilespmem:s6+$0xFFFFFF00];
	[tilespmem:$0x1F670] =	vst v52  }
0x2b1: {  	v6 =	vmov v56;
	v23 =	vmul.f32 v25, v27;
	v25 =	vmul.f32 v59, v45;
	[tilespmem:$0x1F530] =	vst v19;
	v45 =	vld [tilespmem:$0x1F6C0]  }
0x2b2: {  	v60 =	vmov v57;
	[tilespmem:$0x1F680] =	vst v6;
	v47 =	vld [tilespmem:$0x1F6B0]  }
0x2b3: {  	[tilespmem:$0x1F690] =	vst v60;
	v50 =	vmul.f32 v19, v3;
	v3 =	vld [tilespmem:s4+$0xE0]  }
0x2b4: {  	v56 =	vmov v10;
	[tilespmem:$0x1F550] =	vst v20;
	v19 =	vld [tilespmem:s6+$0xE0];
	v23 =	vadd.f32 v22, v23;
	v22 =	vmul.f32 v59, v0  }
0x2b5: {  	v5 =	vadd.f32 v5, v9;
	v9 =	vmul.f32 v26, v27;
	v33 =	vmul.f32 v34, v8;
	[tilespmem:$0x1F6A0] =	vst v56;
	v8 =	vld [tilespmem:s4+$0xF0]  }
0x2b6: {  	v4 =	vmul.f32 v4, v27;
	v35 =	vmul.f32 v14, v2;
	v14 =	vld [tilespmem:s6+$0xD0];
	[tilespmem:s30+$0x10] =	vst v22  }
0x2b7: {  	v26 =	vmul.f32 v59, v55;
	v55 =	vld [tilespmem:$0x1F6E0];
	[tilespmem:s31+$0x20] =	vst v25  }
0x2b8: {  	v37 =	vmul.f32 v20, v62;
	v60 =	vld [tilespmem:$0x1F6D0];
	v9 =	vadd.f32 v24, v9;
	v4 =	vadd.f32 v5, v4;
	[tilespmem:$0x1F5B0] =	vst v3  }
0x2b9: {  	v5 =	vmul.f32 v59, v48;
	v48 =	vld [tilespmem:s4+$0xD0];
	v24 =	vperm.xlane v23, v58;
	[tilespmem:$0x1F5A0] =	vst v19  }
0x2ba: {  	v20 =	vld [tilespmem:$0x1FF60];
	v6 =	vperm.xlane v9, v58;
	v31 =	vperm.xlane v4, v58;
	[tilespmem:$0x1F5C0] =	vst v8  }
0x2bb: {  	v22 =	vld [tilespmem:$0x1FF40];
	v32 =	vmul.f32 v59, v45;
	v25 =	vadd.f32 v23, v24;
	[tilespmem:s30+$0x20] =	vst v5;
	v5 =	vmul.f32 v59, v43  }
0x2bc: {  	v56 =	vmul.f32 v19, v3;
	v19 =	vld [tilespmem:$0x1FF80];
	v6 =	vadd.f32 v9, v6;
	[tilespmem:s31+$0x30] =	vst v26;
	v26 =	vadd.f32 v35, v33  }
0x2bd: {  	v4 =	vadd.f32 v4, v31;
	v43 =	vld [tilespmem:$0x1F700];
	v9 =	vperm.xlane v25, v61;
	[tilespmem:s30+$0x30] =	vst v5;
	v5 =	vmul.f32 v59, v47  }
0x2be: {  	[tilespmem:$0x1F590] =	vst v48;
	v52 =	vperm.xlane v6, v61;
	v47 =	vmul.f32 v14, v48;
	v48 =	vld [tilespmem:$0x1F980];
	v33 =	vadd.f32 v50, v26  }
0x2bf: {  	v3 =	vmovc v18;
	v36 =	vperm.xlane v4, v61;
	[tilespmem:s31+$0x40] =	vst v32;
	v32 =	vmov v12;
	v12 =	vld [tilespmem:s6+$0xFFFFFF80];
	v9 =	vadd.f32 v25, v9  }
0x2c0: {  	[tilespmem:s30+$0x40] =	vst v5;
	v5 =	vmul.f32 v59, v55;
	v6 =	vadd.f32 v6, v52;
	v62 =	vadd.f32 v37, v33;
	v33 =	vld [tilespmem:$0x1F970]  }
0x2c1: {  	v31 =	vmul.f32 v30, v13;
	v4 =	vadd.f32 v4, v36;
	v55 =	vld [tilespmem:$0x1F6F0];
	[tilespmem:$0x1F6F0] =	vst v3;
	v57 =	vperm.xlane v9, v63  }
0x2c2: {  	v26 =	vld [tilespmem:$0x1FF30];
	v3 =	vmov v11;
	[tilespmem:s31+$0x50] =	vst v5;
	v5 =	vmul.f32 v59, v60;
	v38 =	vperm.xlane v6, v63  }
0x2c3: {  	[tilespmem:$0x1F630] =	vst v3;
	v10 =	vperm.xlane v4, v63;
	v45 =	vadd.f32 v31, v62;
	v62 =	vld [tilespmem:$0x1F720];
	v9 =	vadd.f32 v9, v57  }
0x2c4: {  	v50 =	vmov v48;
	[tilespmem:s30+$0x50] =	vst v5;
	v5 =	vmul.f32 v59, v43;
	v6 =	vadd.f32 v6, v38;
	v57 =	vld [tilespmem:$0x1F9D0]  }
0x2c5: {  	[tilespmem:$0x1F6C0] =	vst v50;
	v10 =	vadd.f32 v4, v10;
	v39 =	vmov v33;
	v33 =	vld [tilespmem:s6+$0xF0];
	v52 =	vperm.xlane v9, v7  }
0x2c6: {  	v37 =	vld [tilespmem:$0x1F710];
	[tilespmem:s31+$0x60] =	vst v5;
	v5 =	vmul.f32 v59, v55;
	v43 =	vperm.xlane v6, v7  }
0x2c7: {  	v50 =	vld [tilespmem:s4+$0xFFFFFF00];
	v35 =	vadd.f32 v47, v45;
	v13 =	vperm.xlane v10, v7;
	[tilespmem:$0x1F6B0] =	vst v39;
	v9 =	vadd.f32 v9, v52  }
0x2c8: {  	v38 =	vld [tilespmem:s6+$0xFFFFFF10];
	v45 =	vmov v16;
	[tilespmem:s30+$0x60] =	vst v5;
	v5 =	vmul.f32 v59, v62;
	v6 =	vadd.f32 v6, v43  }
0x2c9: {  	v4 =	vld [tilespmem:s4+$0xFFFFFF80];
	v10 =	vadd.f32 v10, v13;
	[tilespmem:$0x1F710] =	vst v45;
	v60 =	vmov v57;
	v9 =	vadd.f32 v9, v26  }
0x2ca: {  	v35 =	vadd.f32 v56, v35;
	v52 =	vld [tilespmem:s4+$0xFFFFFF90];
	[tilespmem:$0x1F6D0] =	vst v60;
	v6 =	vadd.f32 v6, v26;
	v31 =	vmul.f32 v33, v8  }
0x2cb: {  	v62 =	vld [tilespmem:s6+$0xFFFFFF90];
	[tilespmem:s31+$0x70] =	vst v5;
	v5 =	vmul.f32 v59, v37;
	v43 =	vmovc v15;
	v10 =	vadd.f32 v10, v26;
	v9 =	vmul.f32 $1.000000010e-01, v9  }
0x2cc: {  	v39 =	vld [tilespmem:s4+$0xFFFFFF10];
	v57 =	vmul.f32 v3, v50;
	[tilespmem:$0x1F700] =	vst v43;
	v45 =	vmul.f32 $1.000000010e-01, v6;
	v13 =	vadd.f32 v31, v35  }
0x2cd: {  	v56 =	vld [tilespmem:$0x1F7D0];
	v8 =	vmov v38;
	[tilespmem:s30+$0x70] =	vst v5;
	v59 =	vmul.f32 $1.000000010e-01, v10;
	v6 =	vmul.f32 v9, v42  }
0x2ce: {  	v3 =	vld [tilespmem:$0x1F860];
	s31 =	smov.u32 s2;
	[tilespmem:$0x1F610] =	vst v8;
	v11 =	vmul.f32 v9, v46;
	v5 =	vperm.xlane v13, v58  }
0x2cf: {  	v48 =	vld [tilespmem:s4+$0x10];
	s30 =	smov.u32 s0;
	v10 =	vmul.f32 v12, v4;
	[tilespmem:s31+$0xFFFFFF00] =	vst v6;
	v6 =	vmul.f32 v9, v41  }
0x2d0: {  	v5 =	vadd.f32 v13, v5;
	v13 =	vmul.f32 v62, v52;
	v15 =	vld [tilespmem:s4+$0xFFFFFF20];
	[tilespmem:s30+$0xFFFFFF00] =	vst v11;
	v11 =	vmul.f32 v9, v40  }
0x2d1: {  	v43 =	vld [tilespmem:s6+$0xFFFFFFA0];
	[tilespmem:s31+$0xFFFFFF10] =	vst v6;
	v6 =	vmul.f32 v9, v44  }
0x2d2: {  	v10 =	vadd.f32 v13, v10;
	v8 =	vld [tilespmem:s6+$0xFFFFFF20];
	v13 =	vmul.f32 v9, v49;
	[tilespmem:s30+$0xFFFFFF10] =	vst v11  }
0x2d3: {  	v60 =	vld [tilespmem:s4+$0x20];
	v11 =	vmul.f32 v9, v56;
	[tilespmem:s31+$0xFFFFFF20] =	vst v6  }
0x2d4: {  	v35 =	vld [tilespmem:s4+$0x0];
	[tilespmem:s30+$0xFFFFFF20] =	vst v13  }
0x2d5: {  	v40 =	vld [tilespmem:$0x1F810];
	v6 =	vmul.f32 v9, v51;
	[tilespmem:s31+$0xFFFFFF30] =	vst v11  }
0x2d6: {  	v18 =	vld [tilespmem:s4+$0xFFFFFF30]  }
0x2d7: {  	[tilespmem:s30+$0xFFFFFF30] =	vst v6;
	v6 =	vmul.f32 v9, v3;
	v3 =	vld [tilespmem:$0x1F850]  }
0x2d8: {  	[tilespmem:$0x1F580] =	vst v14;
	v36 =	vld [tilespmem:s6+$0x0]  }
0x2d9: {  	[tilespmem:$0x1F6E0] =	vst v32;
	v47 =	vmov v17;
	v37 =	vld [tilespmem:s6+$0x10]  }
0x2da: {  	[tilespmem:$0x1F720] =	vst v47;
	v32 =	vld [tilespmem:s6+$0x20];
	v11 =	vmul.f32 v9, v40  }
0x2db: {  	[tilespmem:$0x1F650] =	vst v50;
	v41 =	vld [tilespmem:$0x1F800];
	v16 =	vperm.xlane v5, v61  }
0x2dc: {  	v42 =	vld [tilespmem:s6+$0xFFFFFF30];
	[tilespmem:s31+$0xFFFFFF40] =	vst v11;
	v11 =	vmul.f32 v9, v3;
	v3 =	vmov v15  }
0x2dd: {  	v14 =	vmul.f32 v38, v39;
	v55 =	vmov v39;
	v5 =	vadd.f32 v5, v16;
	[tilespmem:$0x1F600] =	vst v3;
	v3 =	vld [tilespmem:$0x1F8C0]  }
0x2de: {  	v38 =	vld [tilespmem:s4+$0xFFFFFFA0];
	[tilespmem:$0x1F620] =	vst v55;
	v17 =	vmul.f32 v36, v35;
	v16 =	vmul.f32 v37, v48  }
0x2df: {  	v24 =	vld [tilespmem:$0x1FF70];
	[tilespmem:$0x1F780] =	vst v48;
	v31 =	vperm.xlane v5, v63  }
0x2e0: {  	v23 =	vld [tilespmem:$0x1FF90];
	[tilespmem:$0x1F7B0] =	vst v60;
	v13 =	vadd.f32 v16, v17;
	v16 =	vmul.f32 v9, v41  }
0x2e1: {  	v14 =	vadd.f32 v14, v57;
	[tilespmem:$0x1F7C0] =	vst v32;
	v56 =	vld [tilespmem:$0x1F900];
	v17 =	vmul.f32 v8, v15;
	v5 =	vadd.f32 v5, v31  }
0x2e2: {  	v41 =	vmov v12;
	[tilespmem:s30+$0xFFFFFF40] =	vst v16;
	v16 =	vmul.f32 v9, v3;
	v3 =	vld [tilespmem:$0x1F8B0]  }
0x2e3: {  	v57 =	vld [tilespmem:$0x1F8F0];
	[tilespmem:$0x1F640] =	vst v8;
	v14 =	vadd.f32 v17, v14;
	v17 =	vperm.xlane v5, v7;
	v15 =	vmul.f32 v43, v38  }
0x2e4: {  	v47 =	vld [tilespmem:s6+$0xFFFFFFB0];
	[tilespmem:$0x1F5D0] =	vst v41  }
0x2e5: {  	v48 =	vld [tilespmem:s4+$0xFFFFFFB0];
	[tilespmem:s31+$0xFFFFFF50] =	vst v6;
	v5 =	vadd.f32 v5, v17;
	v15 =	vadd.f32 v15, v10;
	v10 =	vmul.f32 v32, v60  }
0x2e6: {  	v29 =	vld [tilespmem:s4+$0x30];
	v8 =	vmul.f32 v9, v56;
	[tilespmem:$0x1F7D0] =	vst v42  }
0x2e7: {  	[tilespmem:s30+$0xFFFFFF50] =	vst v11;
	v13 =	vadd.f32 v10, v13;
	v10 =	vmul.f32 v5, v21;
	v55 =	vmul.f32 v9, v3;
	v3 =	vld [tilespmem:s6+$0x30]  }
0x2e8: {  	v7 =	vmul.f32 v9, v57;
	v11 =	vmul.f32 v5, v20;
	[tilespmem:s31+$0xFFFFFF60] =	vst v16  }
0x2e9: {  	v40 =	vadd.f32 v10, v22;
	v16 =	vmul.f32 v5, v24;
	v60 =	vld [tilespmem:s4+$0xFFFFFF40];
	v9 =	vmul.f32 v42, v18;
	[tilespmem:s30+$0xFFFFFF60] =	vst v55  }
0x2ea: {  	v12 =	vmul.f32 v47, v48;
	v41 =	vadd.f32 v11, v19;
	v32 =	vld [tilespmem:s6+$0xFFFFFF40];
	[tilespmem:s31+$0xFFFFFF70] =	vst v8;
	v8 =	vmul.f32 v45, v54  }
0x2eb: {  	v28 =	vld [tilespmem:s4+$0xFFFFFFC0];
	v17 =	vadd.f32 v16, v23;
	[tilespmem:s30+$0xFFFFFF70] =	vst v7;
	v7 =	vadd.f32 v9, v14;
	v14 =	vmul.f32 v40, v40  }
0x2ec: {  	v25 =	vld [tilespmem:$0x1FFA0];
	v42 =	vmov v4;
	[tilespmem:s31+$0xFFFFFF80] =	vst v8;
	v8 =	vmul.f32 v45, v53;
	v9 =	vmul.f32 v3, v29  }
0x2ed: {  	v50 =	vld [tilespmem:s6+$0xFFFFFFC0];
	v4 =	vadd.f32 v12, v15;
	v12 =	vmul.f32 v41, v41;
	[tilespmem:$0x1F5F0] =	vst v42;
	v44 =	vmin.f32 v14, $2.500000000e+01  }
0x2ee: {  	[tilespmem:s30+$0xFFFFFF80] =	vst v8;
	v42 =	vadd.f32 v9, v13;
	v8 =	vmul.f32 v17, v17;
	v9 =	vmul.f32 $2.800000000e+01, v44;
	v13 =	vld [tilespmem:$0x1FFB0];
	_ =	sdelay $0x1  }
0x2ef: {  	v10 =	vld [tilespmem:s4+$0x40];
	v46 =	vmin.f32 v12, $2.500000000e+01;
	v1 =	vmin.f32 v8, $2.500000000e+01;
	v8 =	vadd.f32 $3.150000000e+03, v9  }
0x2f0: {  	v5 =	vmul.f32 v5, v25;
	v12 =	vmul.f32 $2.800000000e+01, v46;
	[tilespmem:$0x1F920] =	vst v3;
	v3 =	vld [tilespmem:s6+$0x40]  }
0x2f1: {  	v15 =	vmul.f32 v50, v28;
	v41 =	vmax.f32 v41, $-5.000000000e+00;
	v6 =	vld [tilespmem:s4+$0xFFFFFF50];
	v8 =	vmul.f32 v8, v44  }
0x2f2: {  	v39 =	vld [tilespmem:s6+$0xFFFFFF50];
	v16 =	vadd.f32 $3.150000000e+03, v12;
	v0 =	vadd.f32 v5, v13;
	v5 =	vmul.f32 v32, v60  }
0x2f3: {  	v41 =	vmin.f32 v41, $5.000000000e+00;
	v9 =	vmul.f32 $2.800000000e+01, v1;
	v8 =	vadd.f32 $6.237000000e+04, v8  }
0x2f4: {  	v14 =	vmul.f32 v0, v0;
	v49 =	vadd.f32 v5, v7;
	v7 =	vmul.f32 v16, v46  }
0x2f5: {  	[tilespmem:$0x1F520] =	vst v2;
	v51 =	vadd.f32 v15, v4;
	v2 =	vmul.f32 v3, v10;
	v9 =	vadd.f32 $3.150000000e+03, v9  }
0x2f6: {  	[tilespmem:$0x1F980] =	vst v3;
	v8 =	vmul.f32 v8, v44;
	v3 =	vmin.f32 v14, $2.500000000e+01;
	v7 =	vadd.f32 $6.237000000e+04, v7  }
0x2f7: {  	[tilespmem:$0x1F850] =	vst v6;
	v53 =	vmul.f32 v39, v6;
	v6 =	vmovc v58;
	v58 =	vadd.f32 $3.780000000e+02, v46;
	v14 =	vmul.f32 $2.800000000e+01, v3  }
0x2f8: {  	v9 =	vmul.f32 v9, v1;
	v56 =	vadd.f32 $1.351350000e+05, v8;
	v54 =	vmul.f32 v7, v46  }
0x2f9: {  	[tilespmem:$0x1F860] =	vst v39;
	v39 =	vadd.f32 $3.780000000e+02, v44;
	v58 =	vmul.f32 v58, v46;
	v15 =	vadd.f32 $3.150000000e+03, v14  }
0x2fa: {  	v9 =	vadd.f32 $6.237000000e+04, v9;
	(erf) = vrcp.f32 v56;
	v54 =	vadd.f32 $1.351350000e+05, v54  }
0x2fb: {  	v16 =	vadd.f32 $3.780000000e+02, v1;
	v7 =	vmovc v61;
	v61 =	vmul.f32 v39, v44;
	v55 =	vmul.f32 v15, v3  }
0x2fc: {  	v57 =	vld [tilespmem:s6+$0x60];
	v9 =	vmul.f32 v9, v1;
	v56 =	vadd.f32 $3.780000000e+02, v3;
	(erf) = vrcp.f32 v54  }
0x2fd: {  	v11 =	vld [tilespmem:s6+$0x50];
	v54 =	vadd.f32 $1.732500000e+04, v61;
	v61 =	vmul.f32 v16, v1;
	v55 =	vadd.f32 $6.237000000e+04, v55  }
0x2fe: {  	[tilespmem:$0x1F5E0] =	vst v18;
	v18 =	vld [tilespmem:s4+$0x50];
	v58 =	vadd.f32 $1.732500000e+04, v58;
	v8 =	vmovc v63;
	v63 =	vadd.f32 $1.351350000e+05, v9;
	v56 =	vmul.f32 v56, v3  }
0x2ff: {  	v12 =	vld [tilespmem:s4+$0x60];
	v44 =	vmul.f32 v54, v44;
	v54 =	vadd.f32 $1.732500000e+04, v61;
	v55 =	vmul.f32 v55, v3  }
0x300: {  	[tilespmem:$0x1F970] =	vst v10;
	v10 =	vld [tilespmem:s4+$0xFFFFFF60];
	v46 =	vmul.f32 v58, v46;
	(erf) = vrcp.f32 v63;
	v63 =	vmax.f32 v17, $-5.000000000e+00  }
0x301: {  	[tilespmem:$0x1F800] =	vst v60;
	v60 =	vld [tilespmem:s4+$0xFFFFFFD0];
	v1 =	vmul.f32 v54, v1;
	v54 =	vadd.f32 $1.732500000e+04, v56;
	v55 =	vadd.f32 $1.351350000e+05, v55  }
0x302: {  	v40 =	vmax.f32 v40, $-5.000000000e+00;
	[tilespmem:$0x1F810] =	vst v32;
	v32 =	vld [tilespmem:s6+$0xFFFFFFD0];
	v58 =	vmovc v6;
	v6 =	vadd.f32 $1.351350000e+05, v46;
	v44 =	vadd.f32 $1.351350000e+05, v44  }
0x303: {  	v40 =	vmin.f32 v40, $5.000000000e+00;
	v5 =	vld [tilespmem:s6+$0xFFFFFF60];
	v3 =	vmul.f32 v54, v3;
	(erf) = vrcp.f32 v55  }
0x304: {  	v41 =	vmul.f32 v6, v41;
	v6 =	vmin.f32 v63, $5.000000000e+00;
	v63 =	vmovc v8;
	v8 =	vld [tilespmem:$0x1FFD0];
	v40 =	vmul.f32 v44, v40  }
0x305: {  	v4 =	vld [tilespmem:s6+$0xFFFFFF70];
	v0 =	vmax.f32 v0, $-5.000000000e+00;
	v3 =	vadd.f32 $1.351350000e+05, v3;
	v55 =	vpop (erf)  }
0x306: {  	v0 =	vmin.f32 v0, $5.000000000e+00;
	v15 =	vld [tilespmem:s4+$0xFFFFFF70];
	v56 =	vpop (erf);
	v40 =	vmul.f32 v55, v40  }
0x307: {  	v2 =	vadd.f32 v2, v42;
	v16 =	vld [tilespmem:s4+$0x70];
	v0 =	vmul.f32 v3, v0;
	v41 =	vmul.f32 v56, v41  }
0x308: {  	[tilespmem:$0x1F9D0] =	vst v18;
	v17 =	vld [tilespmem:s6+$0x70];
	v1 =	vadd.f32 $1.351350000e+05, v1;
	v55 =	vmul.f32 v32, v60;
	v56 =	vmul.f32 v11, v18  }
0x309: {  	v3 =	vadd.f32 v53, v49;
	v53 =	vmul.f32 v5, v10;
	v18 =	vmovc v12;
	v41 =	vmul.f32 v41, v8;
	v8 =	vld [tilespmem:$0x1FFE0]  }
0x30a: {  	v1 =	vmul.f32 v1, v6;
	v2 =	vadd.f32 v56, v2;
	v56 =	vmul.f32 v57, v18  }
0x30b: {  	v31 =	vld [tilespmem:s4+$0xFFFFFFE0];
	v54 =	vpop (erf);
	v42 =	vadd.f32 v55, v51;
	v3 =	vadd.f32 v53, v3;
	v55 =	vmul.f32 v4, v15  }
0x30c: {  	v14 =	vld [tilespmem:s6+$0xFFFFFFE0];
	v1 =	vmul.f32 v54, v1;
	v2 =	vadd.f32 v56, v2;
	v49 =	vpop (erf)  }
0x30d: {  	v0 =	vmul.f32 v49, v0;
	v49 =	vadd.f32 v55, v3;
	v3 =	vmul.f32 v17, v16  }
0x30e: {  	v1 =	vmul.f32 v1, v8;
	v8 =	vld [tilespmem:$0x1F740]  }
0x30f: {  	v2 =	vadd.f32 v3, v2;
	v3 =	vld [tilespmem:$0x1F730];
	_ =	sdelay $0x1  }
0x310: {  	v54 =	vmul.f32 v14, v31  }
0x311: {  	v39 =	vld [tilespmem:s4+$0xFFFFFFF0]  }
0x312: {  	v9 =	vld [tilespmem:s6+$0xFFFFFFF0];
	v42 =	vadd.f32 v54, v42;
	v54 =	vmul.f32 v45, v8;
	v8 =	vmov v52  }
0x313: {  	v3 =	vmul.f32 v45, v3;
	[tilespmem:$0x1F730] =	vst v8  }
0x314: {  	v8 =	vld [tilespmem:$0x1F7A0];
	[tilespmem:s31+$0xFFFFFF90] =	vst v54  }
0x315: {  	[tilespmem:s30+$0xFFFFFF90] =	vst v3;
	v3 =	vld [tilespmem:$0x1F790];
	_ =	sdelay $0x1  }
0x316: {  	[tilespmem:$0x1F8F0] =	vst v15;
	v6 =	vld [tilespmem:$0x1FFC0];
	v15 =	vmov v57;
	v57 =	vmul.f32 v9, v39;
	_ =	sdelay $0x1  }
0x317: {  	v51 =	vadd.f32 v57, v42;
	v57 =	vmul.f32 v45, v8  }
0x318: {  	v3 =	vmul.f32 v45, v3  }
0x319: {  	v8 =	vld [tilespmem:$0x1F7F0];
	[tilespmem:s31+$0xFFFFFFA0] =	vst v57  }
0x31a: {  	v40 =	vmul.f32 v40, v6;
	[tilespmem:s30+$0xFFFFFFA0] =	vst v3;
	v3 =	vld [tilespmem:$0x1F7E0];
	_ =	sdelay $0x1  }
0x31b: {  	v40 =	vadd.f32 v41, v40;
	v56 =	vperm.xlane v51, v58;
	_ =	sdelay $0x1  }
0x31c: {  	v1 =	vadd.f32 v40, v1;
	v40 =	vadd.f32 v51, v56;
	v51 =	vmul.f32 v45, v8  }
0x31d: {  	v3 =	vmul.f32 v45, v3  }
0x31e: {  	v8 =	vld [tilespmem:$0x1F830];
	[tilespmem:s31+$0xFFFFFFB0] =	vst v51  }
0x31f: {  	[tilespmem:s30+$0xFFFFFFB0] =	vst v3;
	v3 =	vld [tilespmem:$0x1F820];
	_ =	sdelay $0x3  }
0x320: {  	v54 =	vmul.f32 v45, v8  }
0x321: {  	v3 =	vmul.f32 v45, v3  }
0x322: {  	v8 =	vld [tilespmem:$0x1F880];
	[tilespmem:s31+$0xFFFFFFC0] =	vst v54  }
0x323: {  	[tilespmem:s30+$0xFFFFFFC0] =	vst v3;
	v3 =	vld [tilespmem:$0x1F870]  }
0x324: {  	v0 =	vmul.f32 v0, v27;
	_ =	sdelay $0x1  }
0x325: {  	v0 =	vadd.f32 v1, v0  }
0x326: {  	v57 =	vmul.f32 v45, v8  }
0x327: {  	[tilespmem:$0x1F8C0] =	vst v5;
	v53 =	vperm.xlane v0, v58;
	v3 =	vmul.f32 v45, v3  }
0x328: {  	v5 =	vld [tilespmem:$0x1F940];
	[tilespmem:s31+$0xFFFFFFD0] =	vst v57  }
0x329: {  	v55 =	vperm.xlane v49, v58;
	v0 =	vadd.f32 v0, v53;
	[tilespmem:s30+$0xFFFFFFD0] =	vst v3;
	v3 =	vld [tilespmem:$0x1F930]  }
0x32a: {  	v61 =	vmov v7  }
0x32b: {  	v1 =	vadd.f32 v49, v55;
	v49 =	vperm.xlane v0, v61;
	_ =	sdelay $0x1  }
0x32c: {  	[tilespmem:$0x1F900] =	vst v4;
	v4 =	vmov v62;
	v0 =	vadd.f32 v0, v49;
	v49 =	vmul.f32 v45, v5  }
0x32d: {  	[tilespmem:$0x1F740] =	vst v4;
	v3 =	vmul.f32 v45, v3  }
0x32e: {  	v4 =	vld [tilespmem:$0x1F4F0];
	[tilespmem:s31+$0xFFFFFFE0] =	vst v49  }
0x32f: {  	[tilespmem:s30+$0xFFFFFFE0] =	vst v3;
	v3 =	vld [tilespmem:$0x1F990];
	_ =	sdelay $0x1  }
0x330: {  	v53 =	vperm.xlane v40, v61;
	_ =	sdelay $0x1  }
0x331: {  	v62 =	vperm.xlane v2, v58;
	v40 =	vadd.f32 v40, v53;
	v53 =	vmul.f32 v45, v4  }
0x332: {  	v7 =	vld [tilespmem:$0x1FFF0];
	v3 =	vmul.f32 v45, v3  }
0x333: {  	v2 =	vadd.f32 v2, v62;
	v62 =	vperm.xlane v40, v63;
	v8 =	vld [tilespmem:$0x1F760];
	[tilespmem:s31+$0xFFFFFFF0] =	vst v53  }
0x334: {  	v56 =	vperm.xlane v0, v63;
	[tilespmem:s30+$0xFFFFFFF0] =	vst v3;
	v3 =	vld [tilespmem:$0x1F750]  }
0x335: {  	v52 =	vperm.xlane v1, v61;
	v40 =	vadd.f32 v40, v62  }
0x336: {  	v55 =	vperm.xlane v2, v61;
	v0 =	vadd.f32 v0, v56  }
0x337: {  	v1 =	vadd.f32 v1, v52;
	v54 =	vperm.xlane v40, v7  }
0x338: {  	v2 =	vadd.f32 v2, v55;
	v52 =	vperm.xlane v0, v7;
	v55 =	vmul.f32 v59, v8;
	v8 =	vld [tilespmem:$0x1F770]  }
0x339: {  	v40 =	vadd.f32 v40, v54;
	v3 =	vmul.f32 v59, v3  }
0x33a: {  	v51 =	vperm.xlane v2, v63;
	v0 =	vadd.f32 v0, v52;
	[tilespmem:s31+$0x0] =	vst v55  }
0x33b: {  	[tilespmem:s30+$0x0] =	vst v3;
	v3 =	vmul.f32 v40, v21  }
0x33c: {  	v2 =	vadd.f32 v2, v51;
	v0 =	vadd.f32 v0, v26  }
0x33d: {  	v46 =	vperm.xlane v1, v63;
	v57 =	vmul.f32 v59, v8;
	v8 =	vmovc v35;
	v35 =	vadd.f32 v3, v22;
	v3 =	vld [tilespmem:$0x1F500]  }
0x33e: {  	v56 =	vperm.xlane v2, v7;
	v0 =	vmul.f32 $1.000000010e-01, v0;
	_ =	sdelay $0x1  }
0x33f: {  	v1 =	vadd.f32 v1, v46;
	v2 =	vadd.f32 v2, v56;
	v56 =	vmul.f32 v0, v34;
	_ =	sdelay $0x1  }
0x340: {  	v4 =	vld [tilespmem:$0x1F510];
	v46 =	vperm.xlane v1, v7;
	[tilespmem:s6+$0x80] =	vst v56;
	v3 =	vmul.f32 v0, v3  }
0x341: {  	[tilespmem:$0x1F750] =	vst v8;
	v8 =	vmov v36  }
0x342: {  	v1 =	vadd.f32 v1, v46;
	[tilespmem:s4+$0x80] =	vst v3;
	v3 =	vld [tilespmem:$0x1F520];
	_ =	sdelay $0x1  }
0x343: {  	v62 =	vmul.f32 v1, v21;
	[tilespmem:$0x1F760] =	vst v8;
	v8 =	vmov v37  }
0x344: {  	v53 =	vmul.f32 v2, v21;
	v21 =	vmul.f32 v0, v4;
	v4 =	vld [tilespmem:$0x1F530];
	_ =	sdelay $0x1  }
0x345: {  	v51 =	vadd.f32 v62, v22;
	[tilespmem:$0x1F770] =	vst v8;
	v8 =	vmov v38;
	v3 =	vmul.f32 v0, v3  }
0x346: {  	[tilespmem:s6+$0x90] =	vst v21  }
0x347: {  	v41 =	vmul.f32 v51, v51;
	[tilespmem:s4+$0x90] =	vst v3;
	v3 =	vld [tilespmem:$0x1F540]  }
0x348: {  	v49 =	vmul.f32 v1, v20;
	[tilespmem:$0x1F790] =	vst v8;
	v8 =	vmov v43;
	v21 =	vmul.f32 v0, v4;
	v4 =	vld [tilespmem:$0x1F550]  }
0x349: {  	[tilespmem:$0x1F8B0] =	vst v10;
	v10 =	vmovc v29;
	v27 =	vmax.f32 v51, $-5.000000000e+00;
	v30 =	vmul.f32 v0, v30;
	v55 =	vmul.f32 v2, v20  }
0x34a: {  	v52 =	vmul.f32 v40, v20;
	v62 =	vmul.f32 v40, v24;
	v54 =	vadd.f32 v49, v19;
	[tilespmem:s31+$0x10] =	vst v57  }
0x34b: {  	v27 =	vmin.f32 v27, $5.000000000e+00;
	v34 =	vadd.f32 v55, v19;
	v49 =	vmul.f32 v0, v33;
	[tilespmem:$0x1F7A0] =	vst v8;
	v8 =	vmovc v48  }
0x34c: {  	v42 =	vmul.f32 v54, v54;
	v36 =	vadd.f32 v52, v19;
	[tilespmem:$0x1F7E0] =	vst v8;
	v3 =	vmul.f32 v0, v3  }
0x34d: {  	v20 =	vadd.f32 v62, v23;
	v57 =	vmul.f32 v1, v24;
	v29 =	vmul.f32 v0, v4;
	v4 =	vld [tilespmem:$0x1F580];
	[tilespmem:s6+$0xA0] =	vst v21  }
0x34e: {  	v45 =	vmul.f32 v36, v36;
	v36 =	vmax.f32 v36, $-5.000000000e+00;
	v37 =	vadd.f32 v53, v22;
	v8 =	vmovc v47;
	[tilespmem:s4+$0xA0] =	vst v3;
	v3 =	vld [tilespmem:$0x1F560]  }
0x34f: {  	v38 =	vmax.f32 v54, $-5.000000000e+00;
	v1 =	vmul.f32 v1, v25;
	v19 =	vadd.f32 v57, v23  }
0x350: {  	v38 =	vmin.f32 v38, $5.000000000e+00;
	v22 =	vmul.f32 v35, v35;
	v48 =	vmul.f32 v2, v25  }
0x351: {  	v35 =	vmax.f32 v35, $-5.000000000e+00;
	[tilespmem:$0x1F7F0] =	vst v8;
	v8 =	vmovc v28;
	v28 =	vmul.f32 v2, v24;
	v24 =	vmul.f32 v19, v19  }
0x352: {  	v35 =	vmin.f32 v35, $5.000000000e+00;
	v47 =	vmul.f32 v34, v34;
	[tilespmem:$0x1F820] =	vst v8;
	v46 =	vmul.f32 v0, v4;
	v4 =	vmovc v32  }
0x353: {  	v19 =	vmax.f32 v19, $-5.000000000e+00;
	v26 =	vmin.f32 v24, $2.500000000e+01;
	[tilespmem:$0x1F880] =	vst v4;
	v3 =	vmul.f32 v0, v3  }
0x354: {  	v34 =	vmax.f32 v34, $-5.000000000e+00;
	v19 =	vmin.f32 v19, $5.000000000e+00;
	v55 =	vmul.f32 $2.800000000e+01, v26;
	v4 =	vld [tilespmem:$0x1F5A0];
	[tilespmem:s6+$0xB0] =	vst v29  }
0x355: {  	v8 =	vmovc v50;
	v21 =	vadd.f32 v28, v23;
	v28 =	vmin.f32 v41, $2.500000000e+01;
	v23 =	vmin.f32 v22, $2.500000000e+01;
	[tilespmem:s4+$0xB0] =	vst v3;
	v3 =	vld [tilespmem:$0x1F570]  }
0x356: {  	v22 =	vmul.f32 v37, v37;
	v37 =	vmax.f32 v37, $-5.000000000e+00;
	v50 =	vmul.f32 $2.800000000e+01, v28  }
0x357: {  	v12 =	vmovc v11;
	v52 =	vmul.f32 $2.800000000e+01, v23;
	v37 =	vmin.f32 v37, $5.000000000e+00;
	v32 =	vmin.f32 v47, $2.500000000e+01  }
0x358: {  	v11 =	vmovc v31;
	[tilespmem:$0x1F830] =	vst v8;
	v8 =	vmovc v60;
	v31 =	vmin.f32 v22, $2.500000000e+01;
	v22 =	vmul.f32 v40, v25;
	v24 =	vmul.f32 $2.800000000e+01, v32  }
0x359: {  	[tilespmem:$0x1F870] =	vst v8;
	v25 =	vmul.f32 v21, v21;
	v29 =	vmin.f32 v42, $2.500000000e+01;
	v5 =	vmul.f32 v0, v4;
	v4 =	vmovc v39  }
0x35a: {  	v60 =	vadd.f32 $3.150000000e+03, v24;
	v51 =	vmul.f32 $2.800000000e+01, v29;
	[tilespmem:$0x1F990] =	vst v4;
	v3 =	vmul.f32 v0, v3  }
0x35b: {  	v21 =	vmax.f32 v21, $-5.000000000e+00;
	v4 =	vadd.f32 v1, v13;
	v1 =	vadd.f32 $3.150000000e+03, v50;
	[tilespmem:s6+$0xC0] =	vst v30  }
0x35c: {  	v8 =	vmovc v14;
	v21 =	vmin.f32 v21, $5.000000000e+00;
	v2 =	vadd.f32 $3.150000000e+03, v51;
	v51 =	vmul.f32 v60, v32;
	[tilespmem:s4+$0xC0] =	vst v3;
	v3 =	vld [tilespmem:$0x1F590]  }
0x35d: {  	[tilespmem:$0x1F940] =	vst v8;
	v8 =	vmin.f32 v36, $5.000000000e+00;
	v39 =	vmin.f32 v25, $2.500000000e+01;
	v1 =	vmul.f32 v1, v28  }
0x35e: {  	v62 =	vmul.f32 $2.800000000e+01, v39;
	v25 =	vmul.f32 v4, v4;
	v43 =	vadd.f32 $6.237000000e+04, v51  }
0x35f: {  	v2 =	vmul.f32 v2, v29;
	v4 =	vmax.f32 v4, $-5.000000000e+00;
	v1 =	vadd.f32 $6.237000000e+04, v1  }
0x360: {  	v4 =	vmin.f32 v4, $5.000000000e+00;
	v30 =	vmin.f32 v45, $2.500000000e+01;
	v43 =	vmul.f32 v43, v32  }
0x361: {  	[tilespmem:$0x1F930] =	vst v11;
	v2 =	vadd.f32 $6.237000000e+04, v2;
	v1 =	vmul.f32 v1, v28;
	v3 =	vmul.f32 v0, v3  }
0x362: {  	v11 =	vmovc v9;
	v24 =	vmin.f32 v25, $2.500000000e+01;
	v9 =	vmul.f32 $2.800000000e+01, v30;
	v60 =	vadd.f32 $3.780000000e+02, v30;
	[tilespmem:s6+$0xD0] =	vst v46  }
0x363: {  	v2 =	vmul.f32 v2, v29;
	v43 =	vadd.f32 $1.351350000e+05, v43;
	v1 =	vadd.f32 $1.351350000e+05, v1;
	[tilespmem:s4+$0xD0] =	vst v3;
	v3 =	vld [tilespmem:$0x1F5B0]  }
0x364: {  	v51 =	vmul.f32 v60, v30;
	[tilespmem:s6+$0xE0] =	vst v5;
	v5 =	vadd.f32 v22, v13;
	v22 =	vadd.f32 v48, v13  }
0x365: {  	v2 =	vadd.f32 $1.351350000e+05, v2;
	(erf) = vrcp.f32 v1;
	v48 =	vadd.f32 $3.150000000e+03, v55  }
0x366: {  	v56 =	vadd.f32 $3.150000000e+03, v9;
	v53 =	vmul.f32 v5, v5;
	v54 =	vmul.f32 v22, v22  }
0x367: {  	(erf) = vrcp.f32 v2;
	v40 =	vmul.f32 v48, v26;
	v48 =	vadd.f32 $3.780000000e+02, v28  }
0x368: {  	v3 =	vmul.f32 v0, v3;
	v25 =	vmin.f32 v53, $2.500000000e+01;
	v9 =	vmin.f32 v54, $2.500000000e+01  }
0x369: {  	v53 =	vmul.f32 $2.800000000e+01, v24;
	v40 =	vadd.f32 $6.237000000e+04, v40;
	v48 =	vmul.f32 v48, v28  }
0x36a: {  	v5 =	vmax.f32 v5, $-5.000000000e+00;
	v54 =	vmul.f32 $2.800000000e+01, v25;
	v55 =	vmul.f32 $2.800000000e+01, v9  }
0x36b: {  	[tilespmem:s4+$0xE0] =	vst v3;
	v3 =	vld [tilespmem:$0x1F5C0];
	v45 =	vadd.f32 $3.150000000e+03, v53;
	v40 =	vmul.f32 v40, v26;
	v2 =	vadd.f32 $1.732500000e+04, v48  }
0x36c: {  	[tilespmem:s6+$0xF0] =	vst v49;
	v49 =	vmul.f32 v56, v30;
	v46 =	vadd.f32 $3.150000000e+03, v54;
	v47 =	vadd.f32 $3.150000000e+03, v55  }
0x36d: {  	v56 =	vadd.f32 $3.780000000e+02, v23;
	v54 =	vadd.f32 $3.780000000e+02, v26;
	v45 =	vmul.f32 v45, v24  }
0x36e: {  	v40 =	vadd.f32 $1.351350000e+05, v40;
	v2 =	vmul.f32 v2, v28;
	v41 =	vadd.f32 $6.237000000e+04, v49  }
0x36f: {  	v46 =	vmul.f32 v46, v25;
	v49 =	vadd.f32 $3.780000000e+02, v29;
	v47 =	vmul.f32 v47, v9  }
0x370: {  	v45 =	vadd.f32 $6.237000000e+04, v45;
	v0 =	vmul.f32 v0, v3;
	v3 =	vmul.f32 v20, v20  }
0x371: {  	v2 =	vadd.f32 $1.351350000e+05, v2;
	v41 =	vmul.f32 v41, v30;
	v49 =	vmul.f32 v49, v29  }
0x372: {  	v46 =	vadd.f32 $6.237000000e+04, v46;
	v47 =	vadd.f32 $6.237000000e+04, v47;
	v20 =	vmax.f32 v20, $-5.000000000e+00  }
0x373: {  	v1 =	vmul.f32 v45, v24;
	v2 =	vmul.f32 v2, v27;
	v27 =	vmin.f32 v34, $5.000000000e+00  }
0x374: {  	[tilespmem:s4+$0xF0] =	vst v0;
	v33 =	vmin.f32 v3, $2.500000000e+01;
	v0 =	vadd.f32 $3.150000000e+03, v52;
	v52 =	vadd.f32 $3.150000000e+03, v62  }
0x375: {  	v3 =	vmul.f32 $2.800000000e+01, v31;
	v62 =	vadd.f32 $3.780000000e+02, v31;
	v41 =	vadd.f32 $1.351350000e+05, v41  }
0x376: {  	v45 =	vmul.f32 v46, v25;
	v46 =	vmul.f32 v47, v9;
	v47 =	vadd.f32 $1.732500000e+04, v51  }
0x377: {  	v51 =	vadd.f32 $3.780000000e+02, v25;
	v57 =	vmul.f32 $2.800000000e+01, v33;
	v60 =	vadd.f32 $3.780000000e+02, v33  }
0x378: {  	v1 =	vadd.f32 $1.351350000e+05, v1;
	v3 =	vadd.f32 $3.150000000e+03, v3;
	v0 =	vmul.f32 v0, v23  }
0x379: {  	v44 =	vmul.f32 v52, v39;
	v52 =	vmul.f32 v62, v31;
	v62 =	vadd.f32 $3.780000000e+02, v39  }
0x37a: {  	v50 =	vadd.f32 $3.150000000e+03, v57;
	v3 =	vmul.f32 v3, v31;
	v0 =	vadd.f32 $6.237000000e+04, v0  }
0x37b: {  	v30 =	vmul.f32 v47, v30;
	v57 =	vadd.f32 $3.780000000e+02, v32;
	v44 =	vadd.f32 $6.237000000e+04, v44  }
0x37c: {  	v42 =	vmul.f32 v50, v33;
	v3 =	vadd.f32 $6.237000000e+04, v3;
	v0 =	vmul.f32 v0, v23  }
0x37d: {  	v30 =	vadd.f32 $1.351350000e+05, v30;
	v50 =	vmul.f32 v56, v23;
	v53 =	vmul.f32 v57, v32  }
0x37e: {  	v42 =	vadd.f32 $6.237000000e+04, v42;
	v3 =	vmul.f32 v3, v31;
	v0 =	vadd.f32 $1.351350000e+05, v0  }
0x37f: {  	v44 =	vmul.f32 v44, v39;
	v30 =	vmul.f32 v30, v8;
	v48 =	vadd.f32 $1.732500000e+04, v53  }
0x380: {  	v42 =	vmul.f32 v42, v33;
	v3 =	vadd.f32 $1.351350000e+05, v3;
	(erf) = vrcp.f32 v0  }
0x381: {  	v0 =	vadd.f32 $1.732500000e+04, v49;
	v49 =	vadd.f32 $3.780000000e+02, v24;
	(erf) = vrcp.f32 v41  }
0x382: {  	v41 =	vadd.f32 $1.732500000e+04, v50;
	v50 =	vmul.f32 v60, v33;
	v60 =	vmul.f32 v62, v39  }
0x383: {  	v44 =	vadd.f32 $1.351350000e+05, v44;
	(erf) = vrcp.f32 v3;
	v0 =	vmul.f32 v0, v29  }
0x384: {  	v62 =	vadd.f32 $3.780000000e+02, v9;
	v57 =	vmul.f32 v49, v24;
	(erf) = vrcp.f32 v43  }
0x385: {  	v3 =	vadd.f32 $1.732500000e+04, v52;
	v43 =	vmul.f32 v54, v26;
	v23 =	vmul.f32 v41, v23  }
0x386: {  	v42 =	vadd.f32 $1.351350000e+05, v42;
	v62 =	vmul.f32 v62, v9;
	(erf) = vrcp.f32 v40  }
0x387: {  	v41 =	vadd.f32 $1.732500000e+04, v50;
	v3 =	vmul.f32 v3, v31;
	v31 =	vmul.f32 v48, v32  }
0x388: {  	v40 =	vpop (erf);
	v32 =	vadd.f32 $1.732500000e+04, v60;
	v60 =	vmul.f32 v51, v25;
	v0 =	vadd.f32 $1.351350000e+05, v0  }
0x389: {  	(erf) = vrcp.f32 v42;
	v29 =	vadd.f32 $1.732500000e+04, v43;
	v2 =	vmul.f32 v40, v2  }
0x38a: {  	v42 =	vpop (erf);
	v23 =	vadd.f32 $1.351350000e+05, v23;
	(erf) = vrcp.f32 v44;
	v32 =	vmul.f32 v32, v39  }
0x38b: {  	v55 =	vld [tilespmem:$0x1FFD0];
	v3 =	vadd.f32 $1.351350000e+05, v3;
	v0 =	vmul.f32 v0, v38;
	v26 =	vmul.f32 v29, v26  }
0x38c: {  	v31 =	vadd.f32 $1.351350000e+05, v31;
	v29 =	vmul.f32 v41, v33;
	v35 =	vmul.f32 v23, v35  }
0x38d: {  	v52 =	vadd.f32 $1.732500000e+04, v60;
	v2 =	vmul.f32 v2, v6;
	v3 =	vmul.f32 v3, v37  }
0x38e: {  	v20 =	vmin.f32 v20, $5.000000000e+00;
	v27 =	vmul.f32 v31, v27;
	v0 =	vmul.f32 v42, v0;
	v43 =	vpop (erf)  }
0x38f: {  	v45 =	vadd.f32 $1.351350000e+05, v45;
	v25 =	vmul.f32 v52, v25;
	v44 =	vpop (erf);
	v50 =	vmul.f32 v43, v35  }
0x390: {  	v28 =	vadd.f32 $1.351350000e+05, v46;
	v0 =	vmul.f32 v0, v55;
	v48 =	vpop (erf);
	(erf) = vrcp.f32 v1  }
0x391: {  	v29 =	vadd.f32 $1.351350000e+05, v29;
	v30 =	vmul.f32 v44, v30;
	v1 =	vpop (erf);
	(erf) = vrcp.f32 v45  }
0x392: {  	v3 =	vmul.f32 v48, v3;
	(erf) = vrcp.f32 v28;
	v28 =	vadd.f32 $1.732500000e+04, v57  }
0x393: {  	v57 =	vadd.f32 $1.732500000e+04, v62;
	v1 =	vmul.f32 v1, v27;
	v27 =	vmul.f32 v29, v20  }
0x394: {  	v56 =	vld [tilespmem:$0x1FFE0];
	v62 =	vadd.f32 $1.351350000e+05, v26;
	v20 =	vmul.f32 v30, v55;
	v52 =	vmul.f32 v3, v6  }
0x395: {  	v53 =	vld [tilespmem:$0x1F5F0];
	v25 =	vadd.f32 $1.351350000e+05, v25;
	v33 =	vpop (erf);
	v24 =	vmul.f32 v28, v24;
	v9 =	vmul.f32 v57, v9  }
0x396: {  	v49 =	vld [tilespmem:$0x1F600];
	v60 =	vpop (erf);
	v28 =	vadd.f32 $1.351350000e+05, v32;
	v19 =	vmul.f32 v62, v19;
	v1 =	vmul.f32 v1, v55  }
0x397: {  	s3 =	sadd.s32 $0x4, s3;
	v54 =	vld [tilespmem:$0x1F5D0];
	v3 =	vmul.f32 v60, v27;
	v24 =	vadd.f32 $1.351350000e+05, v24;
	v9 =	vadd.f32 $1.351350000e+05, v9  }
0x398: {  	p0 =	slt.u32 s3, $0x7C;
	v51 =	vld [tilespmem:$0x1F5E0];
	v21 =	vmul.f32 v28, v21;
	v28 =	vmin.f32 v5, $5.000000000e+00;
	v5 =	vmax.f32 v22, $-5.000000000e+00  }
.Ltmp0:
0x399: {  	v40 =	vld [tilespmem:$0x1F620];
	v57 =	vmul.f32 v33, v19;
	v29 =	vmin.f32 v5, $5.000000000e+00;
	v5 =	vmul.f32 v50, v6;
	(pc) =	sbr.rel @p0 .LBB2_3-.Ltmp0, $4  }
0x39a: {  	v41 =	vld [tilespmem:$0x1F610];
	v46 =	vpop (erf);
	v19 =	vmul.f32 v25, v28;
	v60 =	vmul.f32 v24, v4  }
0x39b: {  	v42 =	vld [tilespmem:$0x1F630];
	v22 =	vadd.f32 v0, v2;
	v62 =	vmul.f32 v46, v21;
	v4 =	vmul.f32 v9, v29;
	v36 =	vpop (erf)  }
0x39c: {  	v44 =	vld [tilespmem:$0x1F640];
	v27 =	vmul.f32 v57, v56;
	v24 =	vmul.f32 v3, v56;
	v20 =	vadd.f32 v20, v5;
	v26 =	vpop (erf)  }
0x39d: {  	s2 =	smov.u32 s6;
	s0 =	smov.u32 s4;
	s4 =	sadd.s32 $0x200, s4;
	v46 =	vld [tilespmem:$0x1F650];
	v5 =	vadd.f32 v1, v52;
	v25 =	vmul.f32 v36, v60;
	v9 =	vmul.f32 v62, v56;
	v23 =	vpop (erf)  }
0x39e: {  	v6 =	vld [tilespmem:$0x1FF20];
	_ =	sdelay $0x4  }
0x39f: {  	v0 =	vadd.f32 v22, v27;
	v1 =	vmul.f32 v25, v6;
	_ =	sdelay $0x1  }
0x3a0: {  	v0 =	vadd.f32 v0, v1;
	_ =	sdelay $0x1  }
0x3a1: {  	v1 =	vperm.xlane v0, v58;
	_ =	sdelay $0x1  }
0x3a2: {  	v0 =	vadd.f32 v0, v1;
	_ =	sdelay $0x1  }
0x3a3: {  	v1 =	vperm.xlane v0, v61;
	_ =	sdelay $0x1  }
0x3a4: {  	v0 =	vadd.f32 v0, v1;
	v1 =	vld [tilespmem:$0x1F660];
	_ =	sdelay $0x1  }
0x3a5: {  	v2 =	vld [tilespmem:$0x1F680];
	_ =	sdelay $0x2  }
0x3a6: {  	v1 =	vmul.f32 v59, v1;
	_ =	sdelay $0x1  }
0x3a7: {  	v2 =	vmul.f32 v59, v2;
	[tilespmem:s30+$0x10] =	vst v1  }
0x3a8: {  	v1 =	vld [tilespmem:$0x1F670]  }
0x3a9: {  	[tilespmem:s31+$0x20] =	vst v2  }
0x3aa: {  	v2 =	vld [tilespmem:$0x1F690];
	_ =	sdelay $0x2  }
0x3ab: {  	v1 =	vmul.f32 v59, v1  }
0x3ac: {  	v3 =	vperm.xlane v0, v63  }
0x3ad: {  	v2 =	vmul.f32 v59, v2;
	[tilespmem:s30+$0x20] =	vst v1  }
0x3ae: {  	v0 =	vadd.f32 v0, v3;
	v3 =	vld [tilespmem:$0x1F6A0]  }
0x3af: {  	[tilespmem:s31+$0x30] =	vst v2  }
0x3b0: {  	v2 =	vld [tilespmem:$0x1F6C0];
	_ =	sdelay $0x2  }
0x3b1: {  	v3 =	vmul.f32 v59, v3;
	_ =	sdelay $0x1  }
0x3b2: {  	v2 =	vmul.f32 v59, v2;
	[tilespmem:s30+$0x30] =	vst v3  }
0x3b3: {  	v3 =	vld [tilespmem:$0x1F6B0]  }
0x3b4: {  	[tilespmem:s31+$0x40] =	vst v2  }
0x3b5: {  	v2 =	vld [tilespmem:$0x1F6E0];
	_ =	sdelay $0x2  }
0x3b6: {  	v3 =	vmul.f32 v59, v3;
	_ =	sdelay $0x1  }
0x3b7: {  	v2 =	vmul.f32 v59, v2;
	[tilespmem:s30+$0x40] =	vst v3  }
0x3b8: {  	v3 =	vld [tilespmem:$0x1F6D0]  }
0x3b9: {  	[tilespmem:s31+$0x50] =	vst v2  }
0x3ba: {  	v8 =	vld [tilespmem:$0x1F700];
	_ =	sdelay $0x2  }
0x3bb: {  	v3 =	vmul.f32 v59, v3;
	_ =	sdelay $0x1  }
0x3bc: {  	v19 =	vmul.f32 v26, v19;
	v57 =	vmul.f32 v59, v8;
	v8 =	vld [tilespmem:$0x1FF30];
	[tilespmem:s30+$0x50] =	vst v3  }
0x3bd: {  	v3 =	vld [tilespmem:$0x1F6F0]  }
0x3be: {  	v50 =	vadd.f32 v20, v24;
	v1 =	vmul.f32 v19, v6;
	_ =	sdelay $0x1  }
0x3bf: {  	v1 =	vadd.f32 v50, v1;
	_ =	sdelay $0x1  }
0x3c0: {  	v2 =	vperm.xlane v1, v58;
	v3 =	vmul.f32 v59, v3  }
0x3c1: {  	v52 =	vperm.xlane v0, v7;
	[tilespmem:s31+$0x60] =	vst v57  }
0x3c2: {  	v1 =	vadd.f32 v1, v2;
	v2 =	vld [tilespmem:$0x1F720];
	[tilespmem:s30+$0x60] =	vst v3  }
0x3c3: {  	v0 =	vadd.f32 v0, v52;
	v3 =	vld [tilespmem:$0x1F710];
	_ =	sdelay $0x1  }
0x3c4: {  	v0 =	vadd.f32 v0, v8;
	_ =	sdelay $0x1  }
0x3c5: {  	v0 =	vmul.f32 $1.000000010e-01, v0;
	v2 =	vmul.f32 v59, v2  }
0x3c6: {  	v3 =	vmul.f32 v59, v3  }
0x3c7: {  	v60 =	vmul.f32 v0, v42;
	[tilespmem:s31+$0x70] =	vst v2;
	v2 =	vperm.xlane v1, v61  }
0x3c8: {  	[tilespmem:s30+$0x70] =	vst v3;
	v3 =	vmul.f32 v0, v46  }
0x3c9: {  	[tilespmem:s2+$0xFFFFFF00] =	vst v60;
	v1 =	vadd.f32 v1, v2;
	v2 =	vmul.f32 v0, v41  }
0x3ca: {  	[tilespmem:s0+$0xFFFFFF00] =	vst v3;
	v3 =	vmul.f32 v0, v40  }
0x3cb: {  	v62 =	vmul.f32 v0, v44;
	[tilespmem:s2+$0xFFFFFF10] =	vst v2  }
0x3cc: {  	v2 =	vperm.xlane v1, v63;
	[tilespmem:s0+$0xFFFFFF10] =	vst v3  }
0x3cd: {  	[tilespmem:s2+$0xFFFFFF20] =	vst v62  }
0x3ce: {  	v1 =	vadd.f32 v1, v2;
	v2 =	vld [tilespmem:$0x1F7D0];
	_ =	sdelay $0x3  }
0x3cf: {  	v3 =	vmul.f32 v0, v49  }
0x3d0: {  	v2 =	vmul.f32 v0, v2  }
0x3d1: {  	v4 =	vmul.f32 v23, v4;
	[tilespmem:s0+$0xFFFFFF20] =	vst v3  }
0x3d2: {  	[tilespmem:s2+$0xFFFFFF30] =	vst v2  }
0x3d3: {  	v3 =	vmul.f32 v4, v6;
	v6 =	vld [tilespmem:$0x1F810];
	_ =	sdelay $0x3  }
0x3d4: {  	v4 =	vmul.f32 v0, v51  }
0x3d5: {  	v5 =	vadd.f32 v5, v9;
	v9 =	vmul.f32 v0, v6  }
0x3d6: {  	v2 =	vperm.xlane v1, v7;
	[tilespmem:s0+$0xFFFFFF30] =	vst v4  }
0x3d7: {  	v4 =	vld [tilespmem:$0x1F800];
	[tilespmem:s2+$0xFFFFFF40] =	vst v9  }
0x3d8: {  	v1 =	vadd.f32 v1, v2;
	v2 =	vld [tilespmem:$0x1F860];
	_ =	sdelay $0x3  }
0x3d9: {  	v4 =	vmul.f32 v0, v4  }
0x3da: {  	v2 =	vmul.f32 v0, v2  }
0x3db: {  	[tilespmem:s0+$0xFFFFFF40] =	vst v4  }
0x3dc: {  	v4 =	vld [tilespmem:$0x1F850];
	[tilespmem:s2+$0xFFFFFF50] =	vst v2  }
0x3dd: {  	v3 =	vadd.f32 v5, v3;
	v5 =	vld [tilespmem:$0x1F8C0];
	_ =	sdelay $0x3  }
0x3de: {  	v4 =	vmul.f32 v0, v4  }
0x3df: {  	v5 =	vmul.f32 v0, v5  }
0x3e0: {  	v2 =	vperm.xlane v3, v58;
	[tilespmem:s0+$0xFFFFFF50] =	vst v4  }
0x3e1: {  	v4 =	vld [tilespmem:$0x1F8B0];
	[tilespmem:s2+$0xFFFFFF60] =	vst v5  }
0x3e2: {  	v2 =	vadd.f32 v3, v2;
	v3 =	vld [tilespmem:$0x1F900]  }
0x3e3: {  	v5 =	vld [tilespmem:$0x1F8F0];
	_ =	sdelay $0x1  }
0x3e4: {  	v1 =	vadd.f32 v1, v8  }
0x3e5: {  	v4 =	vmul.f32 v0, v4  }
0x3e6: {  	v1 =	vmul.f32 $1.000000010e-01, v1;
	v3 =	vmul.f32 v0, v3  }
0x3e7: {  	[tilespmem:s0+$0xFFFFFF60] =	vst v4;
	v0 =	vmul.f32 v0, v5  }
0x3e8: {  	v4 =	vmul.f32 v1, v54;
	[tilespmem:s2+$0xFFFFFF70] =	vst v3  }
0x3e9: {  	v3 =	vperm.xlane v2, v61;
	[tilespmem:s0+$0xFFFFFF70] =	vst v0;
	v0 =	vmul.f32 v1, v53  }
0x3ea: {  	[tilespmem:s2+$0xFFFFFF80] =	vst v4  }
0x3eb: {  	v2 =	vadd.f32 v2, v3;
	v3 =	vld [tilespmem:$0x1F740];
	[tilespmem:s0+$0xFFFFFF80] =	vst v0  }
0x3ec: {  	v0 =	vld [tilespmem:$0x1F730];
	_ =	sdelay $0x3  }
0x3ed: {  	v3 =	vmul.f32 v1, v3  }
0x3ee: {  	v0 =	vmul.f32 v1, v0  }
0x3ef: {  	[tilespmem:s2+$0xFFFFFF90] =	vst v3  }
0x3f0: {  	v4 =	vld [tilespmem:$0x1F7A0];
	[tilespmem:s0+$0xFFFFFF90] =	vst v0  }
0x3f1: {  	v0 =	vld [tilespmem:$0x1F790];
	_ =	sdelay $0x3  }
0x3f2: {  	v4 =	vmul.f32 v1, v4  }
0x3f3: {  	v3 =	vperm.xlane v2, v63;
	v0 =	vmul.f32 v1, v0  }
0x3f4: {  	[tilespmem:s2+$0xFFFFFFA0] =	vst v4  }
0x3f5: {  	v2 =	vadd.f32 v2, v3;
	v3 =	vld [tilespmem:$0x1F7F0];
	[tilespmem:s0+$0xFFFFFFA0] =	vst v0  }
0x3f6: {  	v0 =	vld [tilespmem:$0x1F7E0];
	_ =	sdelay $0x3  }
0x3f7: {  	v3 =	vmul.f32 v1, v3  }
0x3f8: {  	v0 =	vmul.f32 v1, v0  }
0x3f9: {  	[tilespmem:s2+$0xFFFFFFB0] =	vst v3  }
0x3fa: {  	v4 =	vld [tilespmem:$0x1F830];
	[tilespmem:s0+$0xFFFFFFB0] =	vst v0  }
0x3fb: {  	v0 =	vld [tilespmem:$0x1F820];
	_ =	sdelay $0x3  }
0x3fc: {  	v4 =	vmul.f32 v1, v4  }
0x3fd: {  	v3 =	vperm.xlane v2, v7;
	v0 =	vmul.f32 v1, v0  }
0x3fe: {  	[tilespmem:s2+$0xFFFFFFC0] =	vst v4  }
0x3ff: {  	v2 =	vadd.f32 v2, v3;
	v3 =	vld [tilespmem:$0x1F880];
	[tilespmem:s0+$0xFFFFFFC0] =	vst v0  }
0x400: {  	v0 =	vld [tilespmem:$0x1F870];
	_ =	sdelay $0x3  }
0x401: {  	v3 =	vmul.f32 v1, v3  }
0x402: {  	v0 =	vmul.f32 v1, v0  }
0x403: {  	[tilespmem:s2+$0xFFFFFFD0] =	vst v3  }
0x404: {  	v3 =	vld [tilespmem:$0x1F940];
	[tilespmem:s0+$0xFFFFFFD0] =	vst v0  }
0x405: {  	v0 =	vld [tilespmem:$0x1F930];
	_ =	sdelay $0x3  }
0x406: {  	v3 =	vmul.f32 v1, v3  }
0x407: {  	v0 =	vmul.f32 v1, v0  }
0x408: {  	[tilespmem:s2+$0xFFFFFFE0] =	vst v3  }
0x409: {  	[tilespmem:s0+$0xFFFFFFE0] =	vst v0  }
0x40a: {  	v0 =	vld [tilespmem:$0x1F990];
	_ =	sdelay $0x1  }
0x40b: {  	v3 =	vmul.f32 v1, v11;
	_ =	sdelay $0x1  }
0x40c: {  	[tilespmem:s2+$0xFFFFFFF0] =	vst v3  }
0x40d: {  	v0 =	vmul.f32 v1, v0;
	v1 =	vld [tilespmem:$0x1F760]  }
0x40e: {  	v2 =	vadd.f32 v2, v8;
	_ =	sdelay $0x1  }
0x40f: {  	v2 =	vmul.f32 $1.000000010e-01, v2;
	_ =	sdelay $0x1  }
0x410: {  	v1 =	vmul.f32 v2, v1  }
0x411: {  	[tilespmem:s0+$0xFFFFFFF0] =	vst v0  }
0x412: {  	v0 =	vld [tilespmem:$0x1F750];
	[tilespmem:s2+$0x0] =	vst v1  }
0x413: {  	v1 =	vld [tilespmem:$0x1F770];
	_ =	sdelay $0x3  }
0x414: {  	v0 =	vmul.f32 v2, v0  }
0x415: {  	v1 =	vmul.f32 v2, v1  }
0x416: {  	[tilespmem:s0+$0x0] =	vst v0  }
0x417: {  	v0 =	vld [tilespmem:$0x1F780];
	[tilespmem:s2+$0x10] =	vst v1  }
0x418: {  	v1 =	vld [tilespmem:$0x1F7C0];
	_ =	sdelay $0x3  }
0x419: {  	v0 =	vmul.f32 v2, v0  }
0x41a: {  	v1 =	vmul.f32 v2, v1  }
0x41b: {  	[tilespmem:s0+$0x10] =	vst v0  }
0x41c: {  	v0 =	vld [tilespmem:$0x1F7B0];
	[tilespmem:s2+$0x20] =	vst v1  }
0x41d: {  	v1 =	vld [tilespmem:$0x1F920];
	_ =	sdelay $0x3  }
0x41e: {  	v0 =	vmul.f32 v2, v0  }
0x41f: {  	v1 =	vmul.f32 v2, v1  }
0x420: {  	[tilespmem:s0+$0x20] =	vst v0;
	v0 =	vmul.f32 v2, v10  }
0x421: {  	[tilespmem:s2+$0x30] =	vst v1  }
0x422: {  	v1 =	vld [tilespmem:$0x1F980];
	[tilespmem:s0+$0x30] =	vst v0  }
0x423: {  	v0 =	vld [tilespmem:$0x1F970];
	_ =	sdelay $0x3  }
0x424: {  	v1 =	vmul.f32 v2, v1  }
0x425: {  	v0 =	vmul.f32 v2, v0  }
0x426: {  	[tilespmem:s2+$0x40] =	vst v1  }
0x427: {  	[tilespmem:s0+$0x40] =	vst v0  }
0x428: {  	v0 =	vld [tilespmem:$0x1F9D0];
	_ =	sdelay $0x3  }
0x429: {  	v1 =	vmul.f32 v2, v12  }
0x42a: {  	v0 =	vmul.f32 v2, v0  }
0x42b: {  	v13 =	vmov v18;
	[tilespmem:s2+$0x50] =	vst v1;
	v1 =	vmul.f32 v2, v15  }
0x42c: {  	[tilespmem:s0+$0x50] =	vst v0;
	v0 =	vmul.f32 v2, v13  }
0x42d: {  	[tilespmem:s2+$0x60] =	vst v1;
	v1 =	vmul.f32 v2, v17  }
0x42e: {  	[tilespmem:s0+$0x60] =	vst v0;
	v0 =	vmul.f32 v2, v16  }
0x42f: {  	[tilespmem:s2+$0x70] =	vst v1  }
0x430: {  	[tilespmem:s0+$0x70] =	vst v0  }
0x431: {  	[spmem:s5] =	stream.indirect.scatter.add.f32 [tilespmem:s26], [sflag:$0x1], $0x80, s7, s22, $0xb8;
	[tilespmem:$0x1C300] =	vst v63  }
0x432: {  	_ = 	snop  }
0x433: {  	[spmem:s5] =	stream.indirect.scatter.add.f32 [tilespmem:s25], [sflag:$0x2], $0x80, s22, s22, $0xb8;
	[tilespmem:$0x1C300] =	vst v63  }
0x434: {  	_ =	swait.ge [sflag:s23], $0x4000  }
0x435: {  	[sflag:s23] =	ssyncset.done $0x0  }
0x436: {  	[sflag:s23] =	ssyncadd.s32 $0xFFFFC000  }
0x437: {  	_ =	swait.ge [sflag:s24], $0x4000  }
0x438: {  	v59 =	vld [tilespmem:$0x1FF50]  }
0x439: {  	v60 =	vld [tilespmem:$0x1FF60]  }
0x43a: {  	s29 =	sadd.s32 $0x1, s29;
	v2 =	vld [tilespmem:$0x1FF70]  }
0x43b: {  	p0 =	sne.s32 s29, $0x4F;
	v3 =	vld [tilespmem:$0x1FFA0]  }
.Ltmp1:
0x43c: {  	v57 =	vld [tilespmem:$0x1FF40];
	(pc) =	sbr.rel @p0 .LBB2_2-.Ltmp1, $4  }
0x43d: {  	v11 =	vld [tilespmem:$0x1FF80]  }
0x43e: {  	v14 =	vld [tilespmem:$0x1FF90]  }
0x43f: {  	[sflag:s24] =	ssyncset.done $0x0;
	v33 =	vld [tilespmem:$0x1FFB0]  }
0x440: {  	v46 =	vld [tilespmem:$0x1FFC0];
	[sflag:s24] =	ssyncadd.s32 $0xFFFFC000  }
0x441: {  	s28 =	sadd.s32 $0x1, s28  }
0x442: {  	p0 =	sne.s32 s28, s15  }
.Ltmp2:
0x443: {  	[bflag:$0x0] =	sbarrier.arrive $0xFFFF;
	(pc) =	sbr.rel @p0 .LBB2_1-.Ltmp2, $4  }
0x444: {  	[hbm:s14], [sflag:s12] =	dma.local [spmem:s16], $0x2800  }
0x445: {  	_ =	swait.ge [sflag:s17], $0x2800  }
0x446: {  	[sflag:s17] =	ssyncset.done $0x0  }
0x447: {  	[sflag:s17] =	ssyncadd.s32 $0xFFFFD800  }
0x448: {  	_ =	sfence.sel $0x180000  }
0x449: {  	[bflag:$0x0] =	sbarrier.arrive $0xFFFF  }
0x44a: {  	_ =	strace $0x90000047  }
0x44b: {  	s0 =	stileid.u32;
	[bflag:$0x2] =	sbarrier.arrive $0xFFFF  }
0x44c: {  	p0 =	sne.s32 s0, $0x0;
	s0 =	rddreg [dreg:$0x6]  }
0x44d: {  	s0 =	sadd.s32 @!p0 $0x100000, s0  }
0x44e: {  	[sflag:s0] =	ssyncadd.tile.s32 @!p0 $0x1;
	_ =	shalt  }
.Lfunc_end2:
_tile_overlayer_lowered:
.L_overlay_start_2:
0x44f: {  	(tag) =	ssettag $0x2  }
0x450: {  	s0 =	rddreg [dreg:$0x0];
	s2 =	stileid.u32  }
0x451: {  	s1 =	rddreg [dreg:$0x1];
	p0 =	sne.s32 s2, $0x0  }
0x452: {  	s3 =	rddreg [dreg:$0x2];
	[bflag:$0x3] =	sbarrier.arrive $0xFFFF;
	s2 =	simm.s32 @!p0 $0x1C03  }
0x453: {  	[timem:s3], [sflag:s2] =	dma.local @!p0 [hbm:s0], s1  }
0x454: {  	s0 =	simm.s32 @!p0 $0x3  }
0x455: {  	_ =	swait.ge @!p0 [sflag:s0], s1  }
0x456: {  	s1 =	ssub.s32 @!p0 $0x0, s1;
	[sflag:s0] =	ssyncset.done @!p0 $0x0  }
0x457: {  	[sflag:s0] =	ssyncadd.s32 @!p0 s1  }
0x458: {  	[bflag:$0x3] =	sbarrier.arrive $0xFFFF  }
0x459: {  	_ =	shalt  }

</sc_bundles>
